<compile_context>
chip_gen: v7x
topology: tpu7x:2x2x1
jax: 0.10.2.dev20260603
libtpu: 0.0.44.dev20260713+nightly
codegen_flags: <defaults>
</compile_context>

<pallas_src>
import jax
import jax.numpy as jnp
from jax import lax
from jax.experimental import pallas as pl
from jax.experimental.pallas import tpu as pltpu
from jax.experimental.pallas import tpu_sc as plsc

F32 = jnp.float32

NC = 2
NS = 16
NW = NC * NS
CHUNK = 128
GC = 16



def _mm_first_body(x_ref, w_ref, b_ref, z_ref, y_ref):
    h = jnp.dot(x_ref[...], w_ref[...], preferred_element_type=F32) + b_ref[...]
    z_ref[...] = h[:, :128]
    y_ref[...] = h[:, 128:]


def _invdeg_body(da_ref, db_ref, iv_ref):
    iv_ref[...] = 1.0 / jnp.maximum(
        da_ref[...][:, 0:1] + db_ref[...][:, 0:1], 1.0)


def _mm_mid_body(z_ref, pa_ref, pb_ref, iv_ref, w_ref, b_ref,
                 z2_ref, y2_ref):
    x = jnp.maximum(z_ref[...] + (pa_ref[...] + pb_ref[...]) * iv_ref[...],
                    0.0)
    h = jnp.dot(x, w_ref[...], preferred_element_type=F32) + b_ref[...]
    z2_ref[...] = h[:, :128]
    y2_ref[...] = h[:, 128:]


def _classify_body(z_ref, pa_ref, pb_ref, da_ref, db_ref, wc_ref, bc_ref,
                   pred_ref, emb_ref):
    deg = jnp.maximum(da_ref[...][:, 0:1] + db_ref[...][:, 0:1], 1.0)
    e = jnp.maximum(z_ref[...] + (pa_ref[...] + pb_ref[...]) / deg, 0.0)
    nrm = jnp.sqrt(jnp.sum(e * e, axis=1, keepdims=True))
    emb = e / jnp.maximum(nrm, 1e-12)
    emb_ref[...] = emb
    pred_ref[...] = (jnp.dot(emb, wc_ref[...], preferred_element_type=F32)
                     + bc_ref[...])


def _mm_first(xp, w, b, np_, rb):
    grid = (np_ // rb,)
    return pl.pallas_call(
        _mm_first_body,
        grid=grid,
        in_specs=[
            pl.BlockSpec((rb, 128), lambda i: (i, 0)),
            pl.BlockSpec((128, 256), lambda i: (0, 0)),
            pl.BlockSpec((1, 256), lambda i: (0, 0)),
        ],
        out_specs=[pl.BlockSpec((rb, 128), lambda i: (i, 0))] * 2,
        out_shape=[jax.ShapeDtypeStruct((np_, 128), F32)] * 2,
    )(xp, w, b)


def _invdeg(da, db, np_, rb):
    grid = (np_ // rb,)
    return pl.pallas_call(
        _invdeg_body,
        grid=grid,
        in_specs=[pl.BlockSpec((rb, 128), lambda i: (i, 0))] * 2,
        out_specs=pl.BlockSpec((rb, 1), lambda i: (i, 0)),
        out_shape=jax.ShapeDtypeStruct((np_, 1), F32),
    )(da, db)


def _mm_mid(z, pa, pb, iv, w, b, np_, rb):
    grid = (np_ // rb,)
    return pl.pallas_call(
        _mm_mid_body,
        grid=grid,
        in_specs=[
            pl.BlockSpec((rb, 128), lambda i: (i, 0)),
            pl.BlockSpec((rb, 128), lambda i: (i, 0)),
            pl.BlockSpec((rb, 128), lambda i: (i, 0)),
            pl.BlockSpec((rb, 1), lambda i: (i, 0)),
            pl.BlockSpec((128, 256), lambda i: (0, 0)),
            pl.BlockSpec((1, 256), lambda i: (0, 0)),
        ],
        out_specs=[pl.BlockSpec((rb, 128), lambda i: (i, 0))] * 2,
        out_shape=[jax.ShapeDtypeStruct((np_, 128), F32)] * 2,
    )(z, pa, pb, iv, w, b)


def _classify(zt, pat, pbt, dat, dbt, wc, bc, b_, c_):
    return pl.pallas_call(
        _classify_body,
        in_specs=[
            pl.BlockSpec((b_, 128), lambda: (0, 0)),
            pl.BlockSpec((b_, 128), lambda: (0, 0)),
            pl.BlockSpec((b_, 128), lambda: (0, 0)),
            pl.BlockSpec((b_, 128), lambda: (0, 0)),
            pl.BlockSpec((b_, 128), lambda: (0, 0)),
            pl.BlockSpec((128, c_), lambda: (0, 0)),
            pl.BlockSpec((1, c_), lambda: (0, 0)),
        ],
        out_specs=[
            pl.BlockSpec((b_, c_), lambda: (0, 0)),
            pl.BlockSpec((b_, 128), lambda: (0, 0)),
        ],
        out_shape=[
            jax.ShapeDtypeStruct((b_, c_), F32),
            jax.ShapeDtypeStruct((b_, 128), F32),
        ],
    )(zt, pat, pbt, dat, dbt, wc, bc)



def _make_agg(np_, nchunks):
    zr = np_ // NS
    mesh = plsc.VectorSubcoreMesh(core_axis_name="c", subcore_axis_name="s")

    scratch = [
        pltpu.VMEM((2, CHUNK), jnp.int32),
        pltpu.VMEM((2, CHUNK), jnp.int32),
        pltpu.VMEM((2, CHUNK, 128), F32),
        pltpu.VMEM_SHARED((np_, 128), F32),
        pltpu.SemaphoreType.DMA((2,)),
        pltpu.SemaphoreType.DMA((2,)),
    ]

    def body(y_hbm, srcb, dstb, zrow, out, src_v, dst_v, rows_v, acc,
             gsem, ssem):
        c = lax.axis_index("c")
        s = lax.axis_index("s")
        wid = c * NS + s
        pltpu.sync_copy(zrow, acc.at[pl.ds(s * zr, zr)])
        plsc.subcore_barrier()

        pltpu.sync_copy(srcb.at[wid, 0], src_v.at[0])
        pltpu.sync_copy(dstb.at[wid, 0], dst_v.at[0])
        pltpu.async_copy(y_hbm.at[src_v.at[0]], rows_v.at[0], gsem.at[0])

        def step(r, carry):
            bi = lax.rem(r, 2)
            nb = lax.rem(r + 1, 2)

            @pl.when(r + 1 < nchunks)
            def _():
                @pl.when(r >= 1)
                def _():
                    pltpu.make_async_copy(
                        rows_v.at[nb], acc.at[dst_v.at[nb]],
                        ssem.at[nb]).wait()
                pltpu.sync_copy(srcb.at[wid, r + 1], src_v.at[nb])
                pltpu.sync_copy(dstb.at[wid, r + 1], dst_v.at[nb])
                pltpu.async_copy(y_hbm.at[src_v.at[nb]], rows_v.at[nb],
                                 gsem.at[nb])

            pltpu.make_async_copy(y_hbm.at[src_v.at[bi]], rows_v.at[bi],
                                  gsem.at[bi]).wait()
            pltpu.async_copy(rows_v.at[bi], acc.at[dst_v.at[bi]],
                             ssem.at[bi], add=True)
            return carry

        lax.fori_loop(0, nchunks, step, 0)
        if nchunks >= 2:
            b2 = (nchunks - 2) % 2
            pltpu.make_async_copy(rows_v.at[b2], acc.at[dst_v.at[b2]],
                                  ssem.at[b2]).wait()
        b1 = (nchunks - 1) % 2
        pltpu.make_async_copy(rows_v.at[b1], acc.at[dst_v.at[b1]],
                              ssem.at[b1]).wait()
        plsc.subcore_barrier()
        pltpu.sync_copy(acc.at[pl.ds(s * zr, zr)],
                        out.at[c, pl.ds(s * zr, zr)])

    return pl.kernel(
        body,
        mesh=mesh,
        out_type=jax.ShapeDtypeStruct((NC, np_, 128), F32),
        scratch_types=scratch,
    )


def _make_deg(np_, nchunks):
    zr = np_ // NS
    mesh = plsc.VectorSubcoreMesh(core_axis_name="c", subcore_axis_name="s")

    scratch = [
        pltpu.VMEM((2, CHUNK), jnp.int32),
        pltpu.VMEM((CHUNK, 128), F32),
        pltpu.VMEM_SHARED((np_, 128), F32),
    ]

    def body(dstb, zrow, ones_h, out, dst_v, ones_v, acc):
        c = lax.axis_index("c")
        s = lax.axis_index("s")
        wid = c * NS + s
        pltpu.sync_copy(zrow, acc.at[pl.ds(s * zr, zr)])
        pltpu.sync_copy(ones_h, ones_v)
        plsc.subcore_barrier()

        pltpu.sync_copy(dstb.at[wid, 0], dst_v.at[0])

        def step(r, carry):
            bi = lax.rem(r, 2)
            nb = lax.rem(r + 1, 2)

            @pl.when(r + 1 < nchunks)
            def _():
                pltpu.sync_copy(dstb.at[wid, r + 1], dst_v.at[nb])

            pltpu.sync_copy(ones_v, acc.at[dst_v.at[bi]], add=True)
            return carry

        lax.fori_loop(0, nchunks, step, 0)
        plsc.subcore_barrier()
        pltpu.sync_copy(acc.at[pl.ds(s * zr, zr)],
                        out.at[c, pl.ds(s * zr, zr)])

    return pl.kernel(
        body,
        mesh=mesh,
        out_type=jax.ShapeDtypeStruct((NC, np_, 128), F32),
        scratch_types=scratch,
    )


def _make_target_gather(np_, b_, ntab):
    per = b_ // NW
    mesh = plsc.VectorSubcoreMesh(core_axis_name="c", subcore_axis_name="s")

    scratch = [
        pltpu.VMEM((per,), jnp.int32),
        pltpu.VMEM((per, 128), F32),
        pltpu.SemaphoreType.DMA,
    ]

    def body(*refs):
        tables = refs[:ntab]
        tgt_hbm, out, tgt_v, rows_v, sem = refs[ntab:]
        c = lax.axis_index("c")
        s = lax.axis_index("s")
        wid = c * NS + s
        pltpu.sync_copy(tgt_hbm.at[pl.ds(wid * per, per)], tgt_v)
        for k, tab in enumerate(tables):
            pltpu.async_copy(tab.at[tgt_v], rows_v, sem).wait()
            pltpu.sync_copy(rows_v, out.at[k, pl.ds(wid * per, per)])

    return pl.kernel(
        body,
        mesh=mesh,
        out_type=jax.ShapeDtypeStruct((ntab, b_, 128), F32),
        scratch_types=scratch,
    )



def kernel(feat, edge_index, target, Ws0, Wn0, b0, Ws1, Wn1, b1,
           Ws2, Wn2, b2, Wc, bc):
    n, d = feat.shape
    e = edge_index.shape[1]
    b_ = target.shape[0]
    c_ = Wc.shape[1]

    rb = 512
    np_ = ((n + rb - 1) // rb) * rb
    if np_ == n:
        np_ += rb
    nchunks = -(-e // (NW * CHUNK))
    e_pad = NW * CHUNK * nchunks

    src = edge_index[0].astype(jnp.int32)
    dst = edge_index[1].astype(jnp.int32)
    pad = e_pad - e
    dummy_src = jnp.arange(pad, dtype=jnp.int32) % jnp.int32(n)
    srcb = jnp.concatenate([src, dummy_src])
    dummy = n + (jnp.arange(pad, dtype=jnp.int32) % jnp.int32(np_ - n))
    dstb = jnp.concatenate([dst, dummy])
    srcb = srcb.reshape(NW, nchunks, CHUNK)
    dstb = dstb.reshape(NW, nchunks, CHUNK)
    featp = jnp.pad(feat, ((0, np_ - n), (0, 0)))

    w0 = jnp.concatenate([Ws0, Wn0], axis=1)
    w1 = jnp.concatenate([Ws1, Wn1], axis=1)
    w2 = jnp.concatenate([Ws2, Wn2], axis=1)
    zeros_h = jnp.zeros((128,), F32)
    bf0 = jnp.concatenate([b0, zeros_h]).reshape(1, 256)
    bf1 = jnp.concatenate([b1, zeros_h]).reshape(1, 256)
    bf2 = jnp.concatenate([b2, zeros_h]).reshape(1, 256)
    bcr = bc.reshape(1, c_)

    zr = np_ // NS
    zrow = jnp.zeros((zr, 128), F32)
    ones_rows = jnp.ones((CHUNK, 128), F32)

    agg = _make_agg(np_, nchunks)
    degk = _make_deg(np_, nchunks)
    tgather = _make_target_gather(np_, b_, 5)

    degp = degk(dstb, zrow, ones_rows)
    da, db = degp[0], degp[1]
    iv = _invdeg(da, db, np_, rb)
    z0, y0 = _mm_first(featp, w0, bf0, np_, rb)
    p0 = agg(y0, srcb, dstb, zrow)
    z1, y1 = _mm_mid(z0, p0[0], p0[1], iv, w1, bf1, np_, rb)
    p1 = agg(y1, srcb, dstb, zrow)
    z2, y2 = _mm_mid(z1, p1[0], p1[1], iv, w2, bf2, np_, rb)
    p2 = agg(y2, srcb, dstb, zrow)
    g = tgather(z2, p2[0], p2[1], da, db, target.astype(jnp.int32))
    pred, emb = _classify(g[0], g[1], g[2], g[3], g[4], Wc, bcr, b_, c_)
    return (pred, emb)

# --- scband reference (transcript-rebuilt; emitter-appended) ---
"""Pipeline reference for scband-deep-gnn-87282325389699 (READ-ONLY COPY).

The authoritative reference and input builder live on the scoring server;
editing this copy changes nothing except your own understanding.
"""

import jax, jax.numpy as jnp
import numpy as np

N = 10000
E = 320000
D = 128
H = 128
C = 64
B = 1024

def setup_inputs(seed: int = 0):
    key = jax.random.key(seed)
    ks = jax.random.split(key, 20)
    inp = {}
    inp["feat"] = jax.random.normal(ks[0], (N, D), dtype=jnp.float32)
    inp["edge_index"] = jax.random.randint(ks[1], (2, E), 0, N)
    inp["target"] = jax.random.randint(ks[2], (B,), 0, N)
    dims = [(D, H), (H, H), (H, H)]
    for l, (di, do) in enumerate(dims):
        inp["Ws%d" % l] = jax.random.normal(ks[3 + 3 * l], (di, do), dtype=jnp.float32) * (1.0 / np.sqrt(di))
        inp["Wn%d" % l] = jax.random.normal(ks[4 + 3 * l], (di, do), dtype=jnp.float32) * (1.0 / np.sqrt(di))
        inp["b%d" % l] = jnp.zeros((do,), dtype=jnp.float32)
    inp["Wc"] = jax.random.normal(ks[15], (H, C), dtype=jnp.float32) * (1.0 / np.sqrt(H))
    inp["bc"] = jnp.zeros((C,), dtype=jnp.float32)
    return inp

def _sage_forward(feat, edge_index, target, Ws, Wn, bs):
    # GraphSAGE mean-aggregator message passing (num_ensemble=1, no feat aug,
    # dim_label_in=0, residue='none', pooling='center', dropout/dropedge=0 eval mode)
    src = edge_index[0]
    dst = edge_index[1]
    deg = jnp.clip(jax.ops.segment_sum(jnp.ones_like(src, dtype=jnp.float32), dst, num_segments=N), 1.0, None)
    x = feat
    for l in range(3):
        msg = x[src]                                          # gather over edges (memory-bound)
        agg = jax.ops.segment_sum(msg, dst, num_segments=N) / deg[:, None]  # scatter-add reduce
        x = jax.nn.relu(x @ Ws[l] + agg @ Wn[l] + bs[l])
    emb = x[target]                                           # 'center' pooling: take root nodes
    emb = emb / jnp.clip(jnp.linalg.norm(emb, axis=1, keepdims=True), 1e-12, None)  # F.normalize p=2
    return emb

def reference(feat, edge_index, target, Ws0, Wn0, b0, Ws1, Wn1, b1, Ws2, Wn2, b2, Wc, bc):
    emb = _sage_forward(feat, edge_index, target, [Ws0, Ws1, Ws2], [Wn0, Wn1, Wn2], [b0, b1, b2])
    pred = emb @ Wc + bc  # final classifier MLP layer (act='I'), EnsembleDummy = identity
    return (pred, emb)

if __name__ == "__main__":
    import jax
    _d = setup_inputs()
    print(jax.jit(kernel)(*tuple(_d.values())))

</pallas_src>

<mosaic_0001>
#map = affine_map<(d0, d1) -> (0, 0)>
#map1 = affine_map<(d0, d1) -> (0, 0, 0)>
module attributes {stable_mosaic.version = 14 : i64} {
  func.func @body(%arg0: i32, %arg1: i32, %arg2: memref<10240x128xf32, #tpu.memory_space<hbm>>, %arg3: memref<32x79x128xi32, #tpu.memory_space<hbm>>, %arg4: memref<32x79x128xi32, #tpu.memory_space<hbm>>, %arg5: memref<640x128xf32, #tpu.memory_space<hbm>>, %arg6: memref<2x10240x128xf32, #tpu.memory_space<hbm>>, %arg7: memref<2x128xi32, #tpu.memory_space<vmem>>, %arg8: memref<2x128xi32, #tpu.memory_space<vmem>>, %arg9: memref<2x128x128xf32, #tpu.memory_space<vmem>>, %arg10: memref<10240x128xf32, #tpu.memory_space<vmem_shared>>, %arg11: memref<2x!tpu.dma_semaphore, #tpu.memory_space<semaphore_mem>>, %arg12: memref<2x!tpu.dma_semaphore, #tpu.memory_space<semaphore_mem>>) attributes {dimension_semantics = [#tpu.dimension_semantics<core_parallel>, #tpu.dimension_semantics<subcore_parallel>], iteration_bounds = array<i64: 2, 16>, scalar_prefetch = 0 : i64, scratch_operands = 6 : i64, tpu.core_type = #tpu.core_type<sc_vector_subcore>, window_params = [{transform_indices = #map}, {transform_indices = #map1}, {transform_indices = #map1}, {transform_indices = #map}, {transform_indices = #map1}]} {
    %mul3A = arith.constant 16 : i32
    %mul3A_0 = arith.muli %arg0, %mul3A : i32
    %add3A = arith.addi %mul3A_0, %arg1 : i32
    %mul3A_1 = arith.constant 640 : i32
    %mul3A_2 = arith.muli %arg1, %mul3A_1 : i32
    "tpu.region"() ({
      %run_scoped3A_59 = tpu.sem_alloc : memref<!tpu.dma_semaphore, #tpu.memory_space<semaphore_mem>>
      %dma_start3A_60 = arith.constant 0 : i32
      %dma_start3A_61 = tpu.memref_slice %arg10[%mul3A_2, %dma_start3A_60] : memref<10240x128xf32, #tpu.memory_space<vmem_shared>> -> memref<640x128xf32, #tpu.memory_space<vmem_shared>>
      tpu.enqueue_dma source(%arg5 : memref<640x128xf32, #tpu.memory_space<hbm>>) target(%dma_start3A_61 : memref<640x128xf32, #tpu.memory_space<vmem_shared>>) target_semaphore(%run_scoped3A_59 : memref<!tpu.dma_semaphore, #tpu.memory_space<semaphore_mem>>)
      %dma_wait3A_62 = arith.constant 0 : i32
      %dma_wait3A_63 = tpu.memref_slice %arg10[%mul3A_2, %dma_wait3A_62] : memref<10240x128xf32, #tpu.memory_space<vmem_shared>> -> memref<640x128xf32, #tpu.memory_space<vmem_shared>>
      tpu.wait_dma2 semaphore(%run_scoped3A_59 : memref<!tpu.dma_semaphore, #tpu.memory_space<semaphore_mem>>) src(%arg5 : memref<640x128xf32, #tpu.memory_space<hbm>>) dst(%dma_wait3A_63 : memref<640x128xf32, #tpu.memory_space<vmem_shared>>)
      tpu.yield
    }) : () -> ()
    %barrier3A = arith.constant 0 : index
    tpu.barrier barrier_id(%barrier3A)
    %run_scoped3A = arith.constant 0 : i32
    %run_scoped3A_3 = arith.constant 0 : i32
    "tpu.region"() ({
      %run_scoped3A_59 = tpu.sem_alloc : memref<!tpu.dma_semaphore, #tpu.memory_space<semaphore_mem>>
      %dma_start3A_60 = arith.constant 0 : i32
      %dma_start3A_61 = tpu.memref_slice %arg7[%run_scoped3A_3, %dma_start3A_60] : memref<2x128xi32, #tpu.memory_space<vmem>> -> memref<1x128xi32, #tpu.memory_space<vmem>>
      %dma_start3A_62 = tpu.memref_squeeze %dma_start3A_61 : memref<1x128xi32, #tpu.memory_space<vmem>> -> memref<128xi32, #tpu.memory_space<vmem>>
      %dma_start3A_63 = arith.constant 0 : i32
      %dma_start3A_64 = tpu.memref_slice %arg3[%add3A, %run_scoped3A, %dma_start3A_63] : memref<32x79x128xi32, #tpu.memory_space<hbm>> -> memref<1x1x128xi32, #tpu.memory_space<hbm>>
      %dma_start3A_65 = tpu.memref_squeeze %dma_start3A_64 : memref<1x1x128xi32, #tpu.memory_space<hbm>> -> memref<128xi32, #tpu.memory_space<hbm>>
      %dma_start3A_66 = arith.constant 0 : i32
      %dma_start3A_67 = tpu.memref_slice %arg7[%run_scoped3A_3, %dma_start3A_66] : memref<2x128xi32, #tpu.memory_space<vmem>> -> memref<1x128xi32, #tpu.memory_space<vmem>>
      %dma_start3A_68 = tpu.memref_squeeze %dma_start3A_67 : memref<1x128xi32, #tpu.memory_space<vmem>> -> memref<128xi32, #tpu.memory_space<vmem>>
      %dma_start3A_69 = arith.constant 0 : i32
      %dma_start3A_70 = tpu.memref_slice %arg3[%add3A, %run_scoped3A, %dma_start3A_69] : memref<32x79x128xi32, #tpu.memory_space<hbm>> -> memref<1x1x128xi32, #tpu.memory_space<hbm>>
      %dma_start3A_71 = tpu.memref_squeeze %dma_start3A_70 : memref<1x1x128xi32, #tpu.memory_space<hbm>> -> memref<128xi32, #tpu.memory_space<hbm>>
      tpu.enqueue_dma source(%dma_start3A_71 : memref<128xi32, #tpu.memory_space<hbm>>) target(%dma_start3A_68 : memref<128xi32, #tpu.memory_space<vmem>>) target_semaphore(%run_scoped3A_59 : memref<!tpu.dma_semaphore, #tpu.memory_space<semaphore_mem>>)
      %dma_wait3A_72 = arith.constant 0 : i32
      %dma_wait3A_73 = tpu.memref_slice %arg7[%run_scoped3A_3, %dma_wait3A_72] : memref<2x128xi32, #tpu.memory_space<vmem>> -> memref<1x128xi32, #tpu.memory_space<vmem>>
      %dma_wait3A_74 = tpu.memref_squeeze %dma_wait3A_73 : memref<1x128xi32, #tpu.memory_space<vmem>> -> memref<128xi32, #tpu.memory_space<vmem>>
      %dma_wait3A_75 = arith.constant 0 : i32
      %dma_wait3A_76 = tpu.memref_slice %arg3[%add3A, %run_scoped3A, %dma_wait3A_75] : memref<32x79x128xi32, #tpu.memory_space<hbm>> -> memref<1x1x128xi32, #tpu.memory_space<hbm>>
      %dma_wait3A_77 = tpu.memref_squeeze %dma_wait3A_76 : memref<1x1x128xi32, #tpu.memory_space<hbm>> -> memref<128xi32, #tpu.memory_space<hbm>>
      %dma_wait3A_78 = arith.constant 0 : i32
      %dma_wait3A_79 = tpu.memref_slice %arg7[%run_scoped3A_3, %dma_wait3A_78] : memref<2x128xi32, #tpu.memory_space<vmem>> -> memref<1x128xi32, #tpu.memory_space<vmem>>
      %dma_wait3A_80 = tpu.memref_squeeze %dma_wait3A_79 : memref<1x128xi32, #tpu.memory_space<vmem>> -> memref<128xi32, #tpu.memory_space<vmem>>
      %dma_wait3A_81 = arith.constant 0 : i32
      %dma_wait3A_82 = tpu.memref_slice %arg3[%add3A, %run_scoped3A, %dma_wait3A_81] : memref<32x79x128xi32, #tpu.memory_space<hbm>> -> memref<1x1x128xi32, #tpu.memory_space<hbm>>
      %dma_wait3A_83 = tpu.memref_squeeze %dma_wait3A_82 : memref<1x1x128xi32, #tpu.memory_space<hbm>> -> memref<128xi32, #tpu.memory_space<hbm>>
      tpu.wait_dma2 semaphore(%run_scoped3A_59 : memref<!tpu.dma_semaphore, #tpu.memory_space<semaphore_mem>>) src(%dma_wait3A_83 : memref<128xi32, #tpu.memory_space<hbm>>) dst(%dma_wait3A_80 : memref<128xi32, #tpu.memory_space<vmem>>)
      tpu.yield
    }) : () -> ()
    %run_scoped3A_4 = arith.constant 0 : i32
    %run_scoped3A_5 = arith.constant 0 : i32
    "tpu.region"() ({
      %run_scoped3A_59 = tpu.sem_alloc : memref<!tpu.dma_semaphore, #tpu.memory_space<semaphore_mem>>
      %dma_start3A_60 = arith.constant 0 : i32
      %dma_start3A_61 = tpu.memref_slice %arg8[%run_scoped3A_5, %dma_start3A_60] : memref<2x128xi32, #tpu.memory_space<vmem>> -> memref<1x128xi32, #tpu.memory_space<vmem>>
      %dma_start3A_62 = tpu.memref_squeeze %dma_start3A_61 : memref<1x128xi32, #tpu.memory_space<vmem>> -> memref<128xi32, #tpu.memory_space<vmem>>
      %dma_start3A_63 = arith.constant 0 : i32
      %dma_start3A_64 = tpu.memref_slice %arg4[%add3A, %run_scoped3A_4, %dma_start3A_63] : memref<32x79x128xi32, #tpu.memory_space<hbm>> -> memref<1x1x128xi32, #tpu.memory_space<hbm>>
      %dma_start3A_65 = tpu.memref_squeeze %dma_start3A_64 : memref<1x1x128xi32, #tpu.memory_space<hbm>> -> memref<128xi32, #tpu.memory_space<hbm>>
      %dma_start3A_66 = arith.constant 0 : i32
      %dma_start3A_67 = tpu.memref_slice %arg8[%run_scoped3A_5, %dma_start3A_66] : memref<2x128xi32, #tpu.memory_space<vmem>> -> memref<1x128xi32, #tpu.memory_space<vmem>>
      %dma_start3A_68 = tpu.memref_squeeze %dma_start3A_67 : memref<1x128xi32, #tpu.memory_space<vmem>> -> memref<128xi32, #tpu.memory_space<vmem>>
      %dma_start3A_69 = arith.constant 0 : i32
      %dma_start3A_70 = tpu.memref_slice %arg4[%add3A, %run_scoped3A_4, %dma_start3A_69] : memref<32x79x128xi32, #tpu.memory_space<hbm>> -> memref<1x1x128xi32, #tpu.memory_space<hbm>>
      %dma_start3A_71 = tpu.memref_squeeze %dma_start3A_70 : memref<1x1x128xi32, #tpu.memory_space<hbm>> -> memref<128xi32, #tpu.memory_space<hbm>>
      tpu.enqueue_dma source(%dma_start3A_71 : memref<128xi32, #tpu.memory_space<hbm>>) target(%dma_start3A_68 : memref<128xi32, #tpu.memory_space<vmem>>) target_semaphore(%run_scoped3A_59 : memref<!tpu.dma_semaphore, #tpu.memory_space<semaphore_mem>>)
      %dma_wait3A_72 = arith.constant 0 : i32
      %dma_wait3A_73 = tpu.memref_slice %arg8[%run_scoped3A_5, %dma_wait3A_72] : memref<2x128xi32, #tpu.memory_space<vmem>> -> memref<1x128xi32, #tpu.memory_space<vmem>>
      %dma_wait3A_74 = tpu.memref_squeeze %dma_wait3A_73 : memref<1x128xi32, #tpu.memory_space<vmem>> -> memref<128xi32, #tpu.memory_space<vmem>>
      %dma_wait3A_75 = arith.constant 0 : i32
      %dma_wait3A_76 = tpu.memref_slice %arg4[%add3A, %run_scoped3A_4, %dma_wait3A_75] : memref<32x79x128xi32, #tpu.memory_space<hbm>> -> memref<1x1x128xi32, #tpu.memory_space<hbm>>
      %dma_wait3A_77 = tpu.memref_squeeze %dma_wait3A_76 : memref<1x1x128xi32, #tpu.memory_space<hbm>> -> memref<128xi32, #tpu.memory_space<hbm>>
      %dma_wait3A_78 = arith.constant 0 : i32
      %dma_wait3A_79 = tpu.memref_slice %arg8[%run_scoped3A_5, %dma_wait3A_78] : memref<2x128xi32, #tpu.memory_space<vmem>> -> memref<1x128xi32, #tpu.memory_space<vmem>>
      %dma_wait3A_80 = tpu.memref_squeeze %dma_wait3A_79 : memref<1x128xi32, #tpu.memory_space<vmem>> -> memref<128xi32, #tpu.memory_space<vmem>>
      %dma_wait3A_81 = arith.constant 0 : i32
      %dma_wait3A_82 = tpu.memref_slice %arg4[%add3A, %run_scoped3A_4, %dma_wait3A_81] : memref<32x79x128xi32, #tpu.memory_space<hbm>> -> memref<1x1x128xi32, #tpu.memory_space<hbm>>
      %dma_wait3A_83 = tpu.memref_squeeze %dma_wait3A_82 : memref<1x1x128xi32, #tpu.memory_space<hbm>> -> memref<128xi32, #tpu.memory_space<hbm>>
      tpu.wait_dma2 semaphore(%run_scoped3A_59 : memref<!tpu.dma_semaphore, #tpu.memory_space<semaphore_mem>>) src(%dma_wait3A_83 : memref<128xi32, #tpu.memory_space<hbm>>) dst(%dma_wait3A_80 : memref<128xi32, #tpu.memory_space<vmem>>)
      tpu.yield
    }) : () -> ()
    %dma_start3A = arith.constant 0 : i32
    %dma_start3A_6 = arith.constant 0 : i32
    %dma_start3A_7 = arith.constant 0 : i32
    %dma_start3A_8 = arith.constant 0 : i32
    %dma_start3A_9 = arith.constant 0 : i32
    %dma_start3A_10 = tpu.memref_slice %arg9[%dma_start3A_6, %dma_start3A_8, %dma_start3A_9] : memref<2x128x128xf32, #tpu.memory_space<vmem>> -> memref<1x128x128xf32, #tpu.memory_space<vmem>>
    %dma_start3A_11 = tpu.memref_squeeze %dma_start3A_10 : memref<1x128x128xf32, #tpu.memory_space<vmem>> -> memref<128x128xf32, #tpu.memory_space<vmem>>
    %dma_start3A_12 = arith.constant 0 : i32
    %dma_start3A_13 = tpu.memref_slice %arg7[%dma_start3A, %dma_start3A_12] : memref<2x128xi32, #tpu.memory_space<vmem>> -> memref<1x128xi32, #tpu.memory_space<vmem>>
    %dma_start3A_14 = tpu.memref_squeeze %dma_start3A_13 : memref<1x128xi32, #tpu.memory_space<vmem>> -> memref<128xi32, #tpu.memory_space<vmem>>
    %dma_start3A_15 = arith.constant 0 : i32
    %dma_start3A_16 = arith.constant 0 : i32
    %dma_start3A_17 = tpu.memref_slice %arg2[%dma_start3A_15, %dma_start3A_16] : memref<10240x128xf32, #tpu.memory_space<hbm>> -> memref<10240x128xf32, #tpu.memory_space<hbm>>
    %dma_start3A_18 = tpu.memref_slice %arg11[%dma_start3A_7] : memref<2x!tpu.dma_semaphore, #tpu.memory_space<semaphore_mem>> -> memref<1x!tpu.dma_semaphore, #tpu.memory_space<semaphore_mem>>
    %dma_start3A_19 = tpu.memref_squeeze %dma_start3A_18 : memref<1x!tpu.dma_semaphore, #tpu.memory_space<semaphore_mem>> -> memref<!tpu.dma_semaphore, #tpu.memory_space<semaphore_mem>>
    tpu.enqueue_indirect_dma source(%dma_start3A_17 : memref<10240x128xf32, #tpu.memory_space<hbm>>) target(%dma_start3A_11 : memref<128x128xf32, #tpu.memory_space<vmem>>) offsets(%dma_start3A_14 : memref<128xi32, #tpu.memory_space<vmem>>) semaphore(%dma_start3A_19 : memref<!tpu.dma_semaphore, #tpu.memory_space<semaphore_mem>>)
    %scan3A = arith.constant 0 : i32
    %scan3A_20 = arith.constant 0 : i32
    %scan3A_21 = arith.constant 79 : i32
    %scan3A_22 = arith.addi %scan3A_20, %scan3A_21 : i32
    %scan3A_23 = arith.constant 1 : i32
    scf.for %scan3A_59 = %scan3A_20 to %scan3A_22 step %scan3A_23  : i32 {
      %rem3A = arith.constant 2 : i32
      %rem3A_60 = arith.remsi %scan3A_59, %rem3A : i32
      %add3A_61 = arith.constant 1 : i32
      %add3A_62 = arith.addi %scan3A_59, %add3A_61 : i32
      %rem3A_63 = arith.constant 2 : i32
      %rem3A_64 = arith.remsi %add3A_62, %rem3A_63 : i32
      %add3A_65 = arith.constant 1 : i32
      %add3A_66 = arith.addi %scan3A_59, %add3A_65 : i32
      %lt3A = arith.constant 79 : i32
      %lt3A_67 = arith.cmpi slt, %add3A_66, %lt3A : i32
      %convert_element_type3A = arith.extui %lt3A_67 : i1 to i32
      %cond3A = arith.constant 0 : i32
      %cond3A_68 = arith.cmpi ne, %convert_element_type3A, %cond3A : i32
      scf.if %cond3A_68 {
        %ge3A = arith.constant 1 : i32
        %ge3A_93 = arith.cmpi sge, %scan3A_59, %ge3A : i32
        %convert_element_type3A_94 = arith.extui %ge3A_93 : i1 to i32
        %cond3A_95 = arith.constant 0 : i32
        %cond3A_96 = arith.cmpi ne, %convert_element_type3A_94, %cond3A_95 : i32
        scf.if %cond3A_96 {
          %dma_wait3A_113 = arith.constant 0 : i32
          %dma_wait3A_114 = arith.constant 0 : i32
          %dma_wait3A_115 = tpu.memref_slice %arg9[%rem3A_64, %dma_wait3A_113, %dma_wait3A_114] : memref<2x128x128xf32, #tpu.memory_space<vmem>> -> memref<1x128x128xf32, #tpu.memory_space<vmem>>
          %dma_wait3A_116 = tpu.memref_squeeze %dma_wait3A_115 : memref<1x128x128xf32, #tpu.memory_space<vmem>> -> memref<128x128xf32, #tpu.memory_space<vmem>>
          %dma_wait3A_117 = arith.constant 0 : i32
          %dma_wait3A_118 = tpu.memref_slice %arg8[%rem3A_64, %dma_wait3A_117] : memref<2x128xi32, #tpu.memory_space<vmem>> -> memref<1x128xi32, #tpu.memory_space<vmem>>
          %dma_wait3A_119 = tpu.memref_squeeze %dma_wait3A_118 : memref<1x128xi32, #tpu.memory_space<vmem>> -> memref<128xi32, #tpu.memory_space<vmem>>
          %dma_wait3A_120 = arith.constant 0 : i32
          %dma_wait3A_121 = arith.constant 0 : i32
          %dma_wait3A_122 = tpu.memref_slice %arg10[%dma_wait3A_120, %dma_wait3A_121] : memref<10240x128xf32, #tpu.memory_space<vmem_shared>> -> memref<10240x128xf32, #tpu.memory_space<vmem_shared>>
          %dma_wait3A_123 = tpu.memref_slice %arg12[%rem3A_64] : memref<2x!tpu.dma_semaphore, #tpu.memory_space<semaphore_mem>> -> memref<1x!tpu.dma_semaphore, #tpu.memory_space<semaphore_mem>>
          %dma_wait3A_124 = tpu.memref_squeeze %dma_wait3A_123 : memref<1x!tpu.dma_semaphore, #tpu.memory_space<semaphore_mem>> -> memref<!tpu.dma_semaphore, #tpu.memory_space<semaphore_mem>>
          tpu.wait_indirect_dma semaphore(%dma_wait3A_124 : memref<!tpu.dma_semaphore, #tpu.memory_space<semaphore_mem>>) src(%dma_wait3A_116 : memref<128x128xf32, #tpu.memory_space<vmem>>) dst(%dma_wait3A_122 : memref<10240x128xf32, #tpu.memory_space<vmem_shared>>)
        } else {
        }
        %add3A_97 = arith.constant 1 : i32
        %add3A_98 = arith.addi %scan3A_59, %add3A_97 : i32
        "tpu.region"() ({
          %run_scoped3A_113 = tpu.sem_alloc : memref<!tpu.dma_semaphore, #tpu.memory_space<semaphore_mem>>
          %dma_start3A_114 = arith.constant 0 : i32
          %dma_start3A_115 = tpu.memref_slice %arg7[%rem3A_64, %dma_start3A_114] : memref<2x128xi32, #tpu.memory_space<vmem>> -> memref<1x128xi32, #tpu.memory_space<vmem>>
          %dma_start3A_116 = tpu.memref_squeeze %dma_start3A_115 : memref<1x128xi32, #tpu.memory_space<vmem>> -> memref<128xi32, #tpu.memory_space<vmem>>
          %dma_start3A_117 = arith.constant 0 : i32
          %dma_start3A_118 = tpu.memref_slice %arg3[%add3A, %add3A_98, %dma_start3A_117] : memref<32x79x128xi32, #tpu.memory_space<hbm>> -> memref<1x1x128xi32, #tpu.memory_space<hbm>>
          %dma_start3A_119 = tpu.memref_squeeze %dma_start3A_118 : memref<1x1x128xi32, #tpu.memory_space<hbm>> -> memref<128xi32, #tpu.memory_space<hbm>>
          %dma_start3A_120 = arith.constant 0 : i32
          %dma_start3A_121 = tpu.memref_slice %arg7[%rem3A_64, %dma_start3A_120] : memref<2x128xi32, #tpu.memory_space<vmem>> -> memref<1x128xi32, #tpu.memory_space<vmem>>
          %dma_start3A_122 = tpu.memref_squeeze %dma_start3A_121 : memref<1x128xi32, #tpu.memory_space<vmem>> -> memref<128xi32, #tpu.memory_space<vmem>>
          %dma_start3A_123 = arith.constant 0 : i32
          %dma_start3A_124 = tpu.memref_slice %arg3[%add3A, %add3A_98, %dma_start3A_123] : memref<32x79x128xi32, #tpu.memory_space<hbm>> -> memref<1x1x128xi32, #tpu.memory_space<hbm>>
          %dma_start3A_125 = tpu.memref_squeeze %dma_start3A_124 : memref<1x1x128xi32, #tpu.memory_space<hbm>> -> memref<128xi32, #tpu.memory_space<hbm>>
          tpu.enqueue_dma source(%dma_start3A_125 : memref<128xi32, #tpu.memory_space<hbm>>) target(%dma_start3A_122 : memref<128xi32, #tpu.memory_space<vmem>>) target_semaphore(%run_scoped3A_113 : memref<!tpu.dma_semaphore, #tpu.memory_space<semaphore_mem>>)
          %dma_wait3A_126 = arith.constant 0 : i32
          %dma_wait3A_127 = tpu.memref_slice %arg7[%rem3A_64, %dma_wait3A_126] : memref<2x128xi32, #tpu.memory_space<vmem>> -> memref<1x128xi32, #tpu.memory_space<vmem>>
          %dma_wait3A_128 = tpu.memref_squeeze %dma_wait3A_127 : memref<1x128xi32, #tpu.memory_space<vmem>> -> memref<128xi32, #tpu.memory_space<vmem>>
          %dma_wait3A_129 = arith.constant 0 : i32
          %dma_wait3A_130 = tpu.memref_slice %arg3[%add3A, %add3A_98, %dma_wait3A_129] : memref<32x79x128xi32, #tpu.memory_space<hbm>> -> memref<1x1x128xi32, #tpu.memory_space<hbm>>
          %dma_wait3A_131 = tpu.memref_squeeze %dma_wait3A_130 : memref<1x1x128xi32, #tpu.memory_space<hbm>> -> memref<128xi32, #tpu.memory_space<hbm>>
          %dma_wait3A_132 = arith.constant 0 : i32
          %dma_wait3A_133 = tpu.memref_slice %arg7[%rem3A_64, %dma_wait3A_132] : memref<2x128xi32, #tpu.memory_space<vmem>> -> memref<1x128xi32, #tpu.memory_space<vmem>>
          %dma_wait3A_134 = tpu.memref_squeeze %dma_wait3A_133 : memref<1x128xi32, #tpu.memory_space<vmem>> -> memref<128xi32, #tpu.memory_space<vmem>>
          %dma_wait3A_135 = arith.constant 0 : i32
          %dma_wait3A_136 = tpu.memref_slice %arg3[%add3A, %add3A_98, %dma_wait3A_135] : memref<32x79x128xi32, #tpu.memory_space<hbm>> -> memref<1x1x128xi32, #tpu.memory_space<hbm>>
          %dma_wait3A_137 = tpu.memref_squeeze %dma_wait3A_136 : memref<1x1x128xi32, #tpu.memory_space<hbm>> -> memref<128xi32, #tpu.memory_space<hbm>>
          tpu.wait_dma2 semaphore(%run_scoped3A_113 : memref<!tpu.dma_semaphore, #tpu.memory_space<semaphore_mem>>) src(%dma_wait3A_137 : memref<128xi32, #tpu.memory_space<hbm>>) dst(%dma_wait3A_134 : memref<128xi32, #tpu.memory_space<vmem>>)
          tpu.yield
        }) : () -> ()
        %add3A_99 = arith.constant 1 : i32
        %add3A_100 = arith.addi %scan3A_59, %add3A_99 : i32
        "tpu.region"() ({
          %run_scoped3A_113 = tpu.sem_alloc : memref<!tpu.dma_semaphore, #tpu.memory_space<semaphore_mem>>
          %dma_start3A_114 = arith.constant 0 : i32
          %dma_start3A_115 = tpu.memref_slice %arg8[%rem3A_64, %dma_start3A_114] : memref<2x128xi32, #tpu.memory_space<vmem>> -> memref<1x128xi32, #tpu.memory_space<vmem>>
          %dma_start3A_116 = tpu.memref_squeeze %dma_start3A_115 : memref<1x128xi32, #tpu.memory_space<vmem>> -> memref<128xi32, #tpu.memory_space<vmem>>
          %dma_start3A_117 = arith.constant 0 : i32
          %dma_start3A_118 = tpu.memref_slice %arg4[%add3A, %add3A_100, %dma_start3A_117] : memref<32x79x128xi32, #tpu.memory_space<hbm>> -> memref<1x1x128xi32, #tpu.memory_space<hbm>>
          %dma_start3A_119 = tpu.memref_squeeze %dma_start3A_118 : memref<1x1x128xi32, #tpu.memory_space<hbm>> -> memref<128xi32, #tpu.memory_space<hbm>>
          %dma_start3A_120 = arith.constant 0 : i32
          %dma_start3A_121 = tpu.memref_slice %arg8[%rem3A_64, %dma_start3A_120] : memref<2x128xi32, #tpu.memory_space<vmem>> -> memref<1x128xi32, #tpu.memory_space<vmem>>
          %dma_start3A_122 = tpu.memref_squeeze %dma_start3A_121 : memref<1x128xi32, #tpu.memory_space<vmem>> -> memref<128xi32, #tpu.memory_space<vmem>>
          %dma_start3A_123 = arith.constant 0 : i32
          %dma_start3A_124 = tpu.memref_slice %arg4[%add3A, %add3A_100, %dma_start3A_123] : memref<32x79x128xi32, #tpu.memory_space<hbm>> -> memref<1x1x128xi32, #tpu.memory_space<hbm>>
          %dma_start3A_125 = tpu.memref_squeeze %dma_start3A_124 : memref<1x1x128xi32, #tpu.memory_space<hbm>> -> memref<128xi32, #tpu.memory_space<hbm>>
          tpu.enqueue_dma source(%dma_start3A_125 : memref<128xi32, #tpu.memory_space<hbm>>) target(%dma_start3A_122 : memref<128xi32, #tpu.memory_space<vmem>>) target_semaphore(%run_scoped3A_113 : memref<!tpu.dma_semaphore, #tpu.memory_space<semaphore_mem>>)
          %dma_wait3A_126 = arith.constant 0 : i32
          %dma_wait3A_127 = tpu.memref_slice %arg8[%rem3A_64, %dma_wait3A_126] : memref<2x128xi32, #tpu.memory_space<vmem>> -> memref<1x128xi32, #tpu.memory_space<vmem>>
          %dma_wait3A_128 = tpu.memref_squeeze %dma_wait3A_127 : memref<1x128xi32, #tpu.memory_space<vmem>> -> memref<128xi32, #tpu.memory_space<vmem>>
          %dma_wait3A_129 = arith.constant 0 : i32
          %dma_wait3A_130 = tpu.memref_slice %arg4[%add3A, %add3A_100, %dma_wait3A_129] : memref<32x79x128xi32, #tpu.memory_space<hbm>> -> memref<1x1x128xi32, #tpu.memory_space<hbm>>
          %dma_wait3A_131 = tpu.memref_squeeze %dma_wait3A_130 : memref<1x1x128xi32, #tpu.memory_space<hbm>> -> memref<128xi32, #tpu.memory_space<hbm>>
          %dma_wait3A_132 = arith.constant 0 : i32
          %dma_wait3A_133 = tpu.memref_slice %arg8[%rem3A_64, %dma_wait3A_132] : memref<2x128xi32, #tpu.memory_space<vmem>> -> memref<1x128xi32, #tpu.memory_space<vmem>>
          %dma_wait3A_134 = tpu.memref_squeeze %dma_wait3A_133 : memref<1x128xi32, #tpu.memory_space<vmem>> -> memref<128xi32, #tpu.memory_space<vmem>>
          %dma_wait3A_135 = arith.constant 0 : i32
          %dma_wait3A_136 = tpu.memref_slice %arg4[%add3A, %add3A_100, %dma_wait3A_135] : memref<32x79x128xi32, #tpu.memory_space<hbm>> -> memref<1x1x128xi32, #tpu.memory_space<hbm>>
          %dma_wait3A_137 = tpu.memref_squeeze %dma_wait3A_136 : memref<1x1x128xi32, #tpu.memory_space<hbm>> -> memref<128xi32, #tpu.memory_space<hbm>>
          tpu.wait_dma2 semaphore(%run_scoped3A_113 : memref<!tpu.dma_semaphore, #tpu.memory_space<semaphore_mem>>) src(%dma_wait3A_137 : memref<128xi32, #tpu.memory_space<hbm>>) dst(%dma_wait3A_134 : memref<128xi32, #tpu.memory_space<vmem>>)
          tpu.yield
        }) : () -> ()
        %dma_start3A_101 = arith.constant 0 : i32
        %dma_start3A_102 = arith.constant 0 : i32
        %dma_start3A_103 = tpu.memref_slice %arg9[%rem3A_64, %dma_start3A_101, %dma_start3A_102] : memref<2x128x128xf32, #tpu.memory_space<vmem>> -> memref<1x128x128xf32, #tpu.memory_space<vmem>>
        %dma_start3A_104 = tpu.memref_squeeze %dma_start3A_103 : memref<1x128x128xf32, #tpu.memory_space<vmem>> -> memref<128x128xf32, #tpu.memory_space<vmem>>
        %dma_start3A_105 = arith.constant 0 : i32
        %dma_start3A_106 = tpu.memref_slice %arg7[%rem3A_64, %dma_start3A_105] : memref<2x128xi32, #tpu.memory_space<vmem>> -> memref<1x128xi32, #tpu.memory_space<vmem>>
        %dma_start3A_107 = tpu.memref_squeeze %dma_start3A_106 : memref<1x128xi32, #tpu.memory_space<vmem>> -> memref<128xi32, #tpu.memory_space<vmem>>
        %dma_start3A_108 = arith.constant 0 : i32
        %dma_start3A_109 = arith.constant 0 : i32
        %dma_start3A_110 = tpu.memref_slice %arg2[%dma_start3A_108, %dma_start3A_109] : memref<10240x128xf32, #tpu.memory_space<hbm>> -> memref<10240x128xf32, #tpu.memory_space<hbm>>
        %dma_start3A_111 = tpu.memref_slice %arg11[%rem3A_64] : memref<2x!tpu.dma_semaphore, #tpu.memory_space<semaphore_mem>> -> memref<1x!tpu.dma_semaphore, #tpu.memory_space<semaphore_mem>>
        %dma_start3A_112 = tpu.memref_squeeze %dma_start3A_111 : memref<1x!tpu.dma_semaphore, #tpu.memory_space<semaphore_mem>> -> memref<!tpu.dma_semaphore, #tpu.memory_space<semaphore_mem>>
        tpu.enqueue_indirect_dma source(%dma_start3A_110 : memref<10240x128xf32, #tpu.memory_space<hbm>>) target(%dma_start3A_104 : memref<128x128xf32, #tpu.memory_space<vmem>>) offsets(%dma_start3A_107 : memref<128xi32, #tpu.memory_space<vmem>>) semaphore(%dma_start3A_112 : memref<!tpu.dma_semaphore, #tpu.memory_space<semaphore_mem>>)
      } else {
      }
      %dma_wait3A_69 = arith.constant 0 : i32
      %dma_wait3A_70 = arith.constant 0 : i32
      %dma_wait3A_71 = tpu.memref_slice %arg9[%rem3A_60, %dma_wait3A_69, %dma_wait3A_70] : memref<2x128x128xf32, #tpu.memory_space<vmem>> -> memref<1x128x128xf32, #tpu.memory_space<vmem>>
      %dma_wait3A_72 = tpu.memref_squeeze %dma_wait3A_71 : memref<1x128x128xf32, #tpu.memory_space<vmem>> -> memref<128x128xf32, #tpu.memory_space<vmem>>
      %dma_wait3A_73 = arith.constant 0 : i32
      %dma_wait3A_74 = tpu.memref_slice %arg7[%rem3A_60, %dma_wait3A_73] : memref<2x128xi32, #tpu.memory_space<vmem>> -> memref<1x128xi32, #tpu.memory_space<vmem>>
      %dma_wait3A_75 = tpu.memref_squeeze %dma_wait3A_74 : memref<1x128xi32, #tpu.memory_space<vmem>> -> memref<128xi32, #tpu.memory_space<vmem>>
      %dma_wait3A_76 = arith.constant 0 : i32
      %dma_wait3A_77 = arith.constant 0 : i32
      %dma_wait3A_78 = tpu.memref_slice %arg2[%dma_wait3A_76, %dma_wait3A_77] : memref<10240x128xf32, #tpu.memory_space<hbm>> -> memref<10240x128xf32, #tpu.memory_space<hbm>>
      %dma_wait3A_79 = tpu.memref_slice %arg11[%rem3A_60] : memref<2x!tpu.dma_semaphore, #tpu.memory_space<semaphore_mem>> -> memref<1x!tpu.dma_semaphore, #tpu.memory_space<semaphore_mem>>
      %dma_wait3A_80 = tpu.memref_squeeze %dma_wait3A_79 : memref<1x!tpu.dma_semaphore, #tpu.memory_space<semaphore_mem>> -> memref<!tpu.dma_semaphore, #tpu.memory_space<semaphore_mem>>
      tpu.wait_indirect_dma semaphore(%dma_wait3A_80 : memref<!tpu.dma_semaphore, #tpu.memory_space<semaphore_mem>>) src(%dma_wait3A_78 : memref<10240x128xf32, #tpu.memory_space<hbm>>) dst(%dma_wait3A_72 : memref<128x128xf32, #tpu.memory_space<vmem>>)
      %dma_start3A_81 = arith.constant 0 : i32
      %dma_start3A_82 = arith.constant 0 : i32
      %dma_start3A_83 = tpu.memref_slice %arg9[%rem3A_60, %dma_start3A_81, %dma_start3A_82] : memref<2x128x128xf32, #tpu.memory_space<vmem>> -> memref<1x128x128xf32, #tpu.memory_space<vmem>>
      %dma_start3A_84 = tpu.memref_squeeze %dma_start3A_83 : memref<1x128x128xf32, #tpu.memory_space<vmem>> -> memref<128x128xf32, #tpu.memory_space<vmem>>
      %dma_start3A_85 = arith.constant 0 : i32
      %dma_start3A_86 = tpu.memref_slice %arg8[%rem3A_60, %dma_start3A_85] : memref<2x128xi32, #tpu.memory_space<vmem>> -> memref<1x128xi32, #tpu.memory_space<vmem>>
      %dma_start3A_87 = tpu.memref_squeeze %dma_start3A_86 : memref<1x128xi32, #tpu.memory_space<vmem>> -> memref<128xi32, #tpu.memory_space<vmem>>
      %dma_start3A_88 = arith.constant 0 : i32
      %dma_start3A_89 = arith.constant 0 : i32
      %dma_start3A_90 = tpu.memref_slice %arg10[%dma_start3A_88, %dma_start3A_89] : memref<10240x128xf32, #tpu.memory_space<vmem_shared>> -> memref<10240x128xf32, #tpu.memory_space<vmem_shared>>
      %dma_start3A_91 = tpu.memref_slice %arg12[%rem3A_60] : memref<2x!tpu.dma_semaphore, #tpu.memory_space<semaphore_mem>> -> memref<1x!tpu.dma_semaphore, #tpu.memory_space<semaphore_mem>>
      %dma_start3A_92 = tpu.memref_squeeze %dma_start3A_91 : memref<1x!tpu.dma_semaphore, #tpu.memory_space<semaphore_mem>> -> memref<!tpu.dma_semaphore, #tpu.memory_space<semaphore_mem>>
      tpu.enqueue_indirect_dma source(%dma_start3A_84 : memref<128x128xf32, #tpu.memory_space<vmem>>) target(%dma_start3A_90 : memref<10240x128xf32, #tpu.memory_space<vmem_shared>>) offsets(%dma_start3A_87 : memref<128xi32, #tpu.memory_space<vmem>>) semaphore(%dma_start3A_92 : memref<!tpu.dma_semaphore, #tpu.memory_space<semaphore_mem>>) {add = true}
    }
    %scan3A_24 = arith.constant 79 : i32
    %dma_wait3A = arith.constant 1 : i32
    %dma_wait3A_25 = arith.constant 1 : i32
    %dma_wait3A_26 = arith.constant 1 : i32
    %dma_wait3A_27 = arith.constant 0 : i32
    %dma_wait3A_28 = arith.constant 0 : i32
    %dma_wait3A_29 = tpu.memref_slice %arg9[%dma_wait3A, %dma_wait3A_27, %dma_wait3A_28] : memref<2x128x128xf32, #tpu.memory_space<vmem>> -> memref<1x128x128xf32, #tpu.memory_space<vmem>>
    %dma_wait3A_30 = tpu.memref_squeeze %dma_wait3A_29 : memref<1x128x128xf32, #tpu.memory_space<vmem>> -> memref<128x128xf32, #tpu.memory_space<vmem>>
    %dma_wait3A_31 = arith.constant 0 : i32
    %dma_wait3A_32 = tpu.memref_slice %arg8[%dma_wait3A_25, %dma_wait3A_31] : memref<2x128xi32, #tpu.memory_space<vmem>> -> memref<1x128xi32, #tpu.memory_space<vmem>>
    %dma_wait3A_33 = tpu.memref_squeeze %dma_wait3A_32 : memref<1x128xi32, #tpu.memory_space<vmem>> -> memref<128xi32, #tpu.memory_space<vmem>>
    %dma_wait3A_34 = arith.constant 0 : i32
    %dma_wait3A_35 = arith.constant 0 : i32
    %dma_wait3A_36 = tpu.memref_slice %arg10[%dma_wait3A_34, %dma_wait3A_35] : memref<10240x128xf32, #tpu.memory_space<vmem_shared>> -> memref<10240x128xf32, #tpu.memory_space<vmem_shared>>
    %dma_wait3A_37 = tpu.memref_slice %arg12[%dma_wait3A_26] : memref<2x!tpu.dma_semaphore, #tpu.memory_space<semaphore_mem>> -> memref<1x!tpu.dma_semaphore, #tpu.memory_space<semaphore_mem>>
    %dma_wait3A_38 = tpu.memref_squeeze %dma_wait3A_37 : memref<1x!tpu.dma_semaphore, #tpu.memory_space<semaphore_mem>> -> memref<!tpu.dma_semaphore, #tpu.memory_space<semaphore_mem>>
    tpu.wait_indirect_dma semaphore(%dma_wait3A_38 : memref<!tpu.dma_semaphore, #tpu.memory_space<semaphore_mem>>) src(%dma_wait3A_30 : memref<128x128xf32, #tpu.memory_space<vmem>>) dst(%dma_wait3A_36 : memref<10240x128xf32, #tpu.memory_space<vmem_shared>>)
    %dma_wait3A_39 = arith.constant 0 : i32
    %dma_wait3A_40 = arith.constant 0 : i32
    %dma_wait3A_41 = arith.constant 0 : i32
    %dma_wait3A_42 = arith.constant 0 : i32
    %dma_wait3A_43 = arith.constant 0 : i32
    %dma_wait3A_44 = tpu.memref_slice %arg9[%dma_wait3A_39, %dma_wait3A_42, %dma_wait3A_43] : memref<2x128x128xf32, #tpu.memory_space<vmem>> -> memref<1x128x128xf32, #tpu.memory_space<vmem>>
    %dma_wait3A_45 = tpu.memref_squeeze %dma_wait3A_44 : memref<1x128x128xf32, #tpu.memory_space<vmem>> -> memref<128x128xf32, #tpu.memory_space<vmem>>
    %dma_wait3A_46 = arith.constant 0 : i32
    %dma_wait3A_47 = tpu.memref_slice %arg8[%dma_wait3A_40, %dma_wait3A_46] : memref<2x128xi32, #tpu.memory_space<vmem>> -> memref<1x128xi32, #tpu.memory_space<vmem>>
    %dma_wait3A_48 = tpu.memref_squeeze %dma_wait3A_47 : memref<1x128xi32, #tpu.memory_space<vmem>> -> memref<128xi32, #tpu.memory_space<vmem>>
    %dma_wait3A_49 = arith.constant 0 : i32
    %dma_wait3A_50 = arith.constant 0 : i32
    %dma_wait3A_51 = tpu.memref_slice %arg10[%dma_wait3A_49, %dma_wait3A_50] : memref<10240x128xf32, #tpu.memory_space<vmem_shared>> -> memref<10240x128xf32, #tpu.memory_space<vmem_shared>>
    %dma_wait3A_52 = tpu.memref_slice %arg12[%dma_wait3A_41] : memref<2x!tpu.dma_semaphore, #tpu.memory_space<semaphore_mem>> -> memref<1x!tpu.dma_semaphore, #tpu.memory_space<semaphore_mem>>
    %dma_wait3A_53 = tpu.memref_squeeze %dma_wait3A_52 : memref<1x!tpu.dma_semaphore, #tpu.memory_space<semaphore_mem>> -> memref<!tpu.dma_semaphore, #tpu.memory_space<semaphore_mem>>
    tpu.wait_indirect_dma semaphore(%dma_wait3A_53 : memref<!tpu.dma_semaphore, #tpu.memory_space<semaphore_mem>>) src(%dma_wait3A_45 : memref<128x128xf32, #tpu.memory_space<vmem>>) dst(%dma_wait3A_51 : memref<10240x128xf32, #tpu.memory_space<vmem_shared>>)
    %barrier3A_54 = arith.constant 0 : index
    tpu.barrier barrier_id(%barrier3A_54)
    %mul3A_55 = arith.constant 640 : i32
    %mul3A_56 = arith.muli %arg1, %mul3A_55 : i32
    %mul3A_57 = arith.constant 640 : i32
    %mul3A_58 = arith.muli %arg1, %mul3A_57 : i32
    "tpu.region"() ({
      %run_scoped3A_59 = tpu.sem_alloc : memref<!tpu.dma_semaphore, #tpu.memory_space<semaphore_mem>>
      %dma_start3A_60 = arith.constant 0 : i32
      %dma_start3A_61 = tpu.memref_slice %arg6[%arg0, %mul3A_58, %dma_start3A_60] : memref<2x10240x128xf32, #tpu.memory_space<hbm>> -> memref<1x640x128xf32, #tpu.memory_space<hbm>>
      %dma_start3A_62 = tpu.memref_squeeze %dma_start3A_61 : memref<1x640x128xf32, #tpu.memory_space<hbm>> -> memref<640x128xf32, #tpu.memory_space<hbm>>
      %dma_start3A_63 = arith.constant 0 : i32
      %dma_start3A_64 = tpu.memref_slice %arg10[%mul3A_56, %dma_start3A_63] : memref<10240x128xf32, #tpu.memory_space<vmem_shared>> -> memref<640x128xf32, #tpu.memory_space<vmem_shared>>
      tpu.enqueue_dma source(%dma_start3A_64 : memref<640x128xf32, #tpu.memory_space<vmem_shared>>) target(%dma_start3A_62 : memref<640x128xf32, #tpu.memory_space<hbm>>) target_semaphore(%run_scoped3A_59 : memref<!tpu.dma_semaphore, #tpu.memory_space<semaphore_mem>>)
      %dma_wait3A_65 = arith.constant 0 : i32
      %dma_wait3A_66 = tpu.memref_slice %arg6[%arg0, %mul3A_58, %dma_wait3A_65] : memref<2x10240x128xf32, #tpu.memory_space<hbm>> -> memref<1x640x128xf32, #tpu.memory_space<hbm>>
      %dma_wait3A_67 = tpu.memref_squeeze %dma_wait3A_66 : memref<1x640x128xf32, #tpu.memory_space<hbm>> -> memref<640x128xf32, #tpu.memory_space<hbm>>
      %dma_wait3A_68 = arith.constant 0 : i32
      %dma_wait3A_69 = tpu.memref_slice %arg10[%mul3A_56, %dma_wait3A_68] : memref<10240x128xf32, #tpu.memory_space<vmem_shared>> -> memref<640x128xf32, #tpu.memory_space<vmem_shared>>
      tpu.wait_dma2 semaphore(%run_scoped3A_59 : memref<!tpu.dma_semaphore, #tpu.memory_space<semaphore_mem>>) src(%dma_wait3A_69 : memref<640x128xf32, #tpu.memory_space<vmem_shared>>) dst(%dma_wait3A_67 : memref<640x128xf32, #tpu.memory_space<hbm>>)
      tpu.yield
    }) : () -> ()
    return
  }
}

#map = affine_map<(d0, d1) -> (0, 0, 0)>
#map1 = affine_map<(d0, d1) -> (0, 0)>
module attributes {stable_mosaic.version = 14 : i64} {
  func.func @body(%arg0: i32, %arg1: i32, %arg2: memref<32x79x128xi32, #tpu.memory_space<hbm>>, %arg3: memref<640x128xf32, #tpu.memory_space<hbm>>, %arg4: memref<128x128xf32, #tpu.memory_space<hbm>>, %arg5: memref<2x10240x128xf32, #tpu.memory_space<hbm>>, %arg6: memref<2x128xi32, #tpu.memory_space<vmem>>, %arg7: memref<128x128xf32, #tpu.memory_space<vmem>>, %arg8: memref<10240x128xf32, #tpu.memory_space<vmem_shared>>) attributes {dimension_semantics = [#tpu.dimension_semantics<core_parallel>, #tpu.dimension_semantics<subcore_parallel>], iteration_bounds = array<i64: 2, 16>, scalar_prefetch = 0 : i64, scratch_operands = 3 : i64, tpu.core_type = #tpu.core_type<sc_vector_subcore>, window_params = [{transform_indices = #map}, {transform_indices = #map1}, {transform_indices = #map1}, {transform_indices = #map}]} {
    %mul3A = arith.constant 16 : i32
    %mul3A_0 = arith.muli %arg0, %mul3A : i32
    %add3A = arith.addi %mul3A_0, %arg1 : i32
    %mul3A_1 = arith.constant 640 : i32
    %mul3A_2 = arith.muli %arg1, %mul3A_1 : i32
    "tpu.region"() ({
      %run_scoped3A_14 = tpu.sem_alloc : memref<!tpu.dma_semaphore, #tpu.memory_space<semaphore_mem>>
      %dma_start3A = arith.constant 0 : i32
      %dma_start3A_15 = tpu.memref_slice %arg8[%mul3A_2, %dma_start3A] : memref<10240x128xf32, #tpu.memory_space<vmem_shared>> -> memref<640x128xf32, #tpu.memory_space<vmem_shared>>
      tpu.enqueue_dma source(%arg3 : memref<640x128xf32, #tpu.memory_space<hbm>>) target(%dma_start3A_15 : memref<640x128xf32, #tpu.memory_space<vmem_shared>>) target_semaphore(%run_scoped3A_14 : memref<!tpu.dma_semaphore, #tpu.memory_space<semaphore_mem>>)
      %dma_wait3A = arith.constant 0 : i32
      %dma_wait3A_16 = tpu.memref_slice %arg8[%mul3A_2, %dma_wait3A] : memref<10240x128xf32, #tpu.memory_space<vmem_shared>> -> memref<640x128xf32, #tpu.memory_space<vmem_shared>>
      tpu.wait_dma2 semaphore(%run_scoped3A_14 : memref<!tpu.dma_semaphore, #tpu.memory_space<semaphore_mem>>) src(%arg3 : memref<640x128xf32, #tpu.memory_space<hbm>>) dst(%dma_wait3A_16 : memref<640x128xf32, #tpu.memory_space<vmem_shared>>)
      tpu.yield
    }) : () -> ()
    "tpu.region"() ({
      %run_scoped3A_14 = tpu.sem_alloc : memref<!tpu.dma_semaphore, #tpu.memory_space<semaphore_mem>>
      tpu.enqueue_dma source(%arg4 : memref<128x128xf32, #tpu.memory_space<hbm>>) target(%arg7 : memref<128x128xf32, #tpu.memory_space<vmem>>) target_semaphore(%run_scoped3A_14 : memref<!tpu.dma_semaphore, #tpu.memory_space<semaphore_mem>>)
      tpu.wait_dma2 semaphore(%run_scoped3A_14 : memref<!tpu.dma_semaphore, #tpu.memory_space<semaphore_mem>>) src(%arg4 : memref<128x128xf32, #tpu.memory_space<hbm>>) dst(%arg7 : memref<128x128xf32, #tpu.memory_space<vmem>>)
      tpu.yield
    }) : () -> ()
    %barrier3A = arith.constant 0 : index
    tpu.barrier barrier_id(%barrier3A)
    %run_scoped3A = arith.constant 0 : i32
    %run_scoped3A_3 = arith.constant 0 : i32
    "tpu.region"() ({
      %run_scoped3A_14 = tpu.sem_alloc : memref<!tpu.dma_semaphore, #tpu.memory_space<semaphore_mem>>
      %dma_start3A = arith.constant 0 : i32
      %dma_start3A_15 = tpu.memref_slice %arg6[%run_scoped3A_3, %dma_start3A] : memref<2x128xi32, #tpu.memory_space<vmem>> -> memref<1x128xi32, #tpu.memory_space<vmem>>
      %dma_start3A_16 = tpu.memref_squeeze %dma_start3A_15 : memref<1x128xi32, #tpu.memory_space<vmem>> -> memref<128xi32, #tpu.memory_space<vmem>>
      %dma_start3A_17 = arith.constant 0 : i32
      %dma_start3A_18 = tpu.memref_slice %arg2[%add3A, %run_scoped3A, %dma_start3A_17] : memref<32x79x128xi32, #tpu.memory_space<hbm>> -> memref<1x1x128xi32, #tpu.memory_space<hbm>>
      %dma_start3A_19 = tpu.memref_squeeze %dma_start3A_18 : memref<1x1x128xi32, #tpu.memory_space<hbm>> -> memref<128xi32, #tpu.memory_space<hbm>>
      %dma_start3A_20 = arith.constant 0 : i32
      %dma_start3A_21 = tpu.memref_slice %arg6[%run_scoped3A_3, %dma_start3A_20] : memref<2x128xi32, #tpu.memory_space<vmem>> -> memref<1x128xi32, #tpu.memory_space<vmem>>
      %dma_start3A_22 = tpu.memref_squeeze %dma_start3A_21 : memref<1x128xi32, #tpu.memory_space<vmem>> -> memref<128xi32, #tpu.memory_space<vmem>>
      %dma_start3A_23 = arith.constant 0 : i32
      %dma_start3A_24 = tpu.memref_slice %arg2[%add3A, %run_scoped3A, %dma_start3A_23] : memref<32x79x128xi32, #tpu.memory_space<hbm>> -> memref<1x1x128xi32, #tpu.memory_space<hbm>>
      %dma_start3A_25 = tpu.memref_squeeze %dma_start3A_24 : memref<1x1x128xi32, #tpu.memory_space<hbm>> -> memref<128xi32, #tpu.memory_space<hbm>>
      tpu.enqueue_dma source(%dma_start3A_25 : memref<128xi32, #tpu.memory_space<hbm>>) target(%dma_start3A_22 : memref<128xi32, #tpu.memory_space<vmem>>) target_semaphore(%run_scoped3A_14 : memref<!tpu.dma_semaphore, #tpu.memory_space<semaphore_mem>>)
      %dma_wait3A = arith.constant 0 : i32
      %dma_wait3A_26 = tpu.memref_slice %arg6[%run_scoped3A_3, %dma_wait3A] : memref<2x128xi32, #tpu.memory_space<vmem>> -> memref<1x128xi32, #tpu.memory_space<vmem>>
      %dma_wait3A_27 = tpu.memref_squeeze %dma_wait3A_26 : memref<1x128xi32, #tpu.memory_space<vmem>> -> memref<128xi32, #tpu.memory_space<vmem>>
      %dma_wait3A_28 = arith.constant 0 : i32
      %dma_wait3A_29 = tpu.memref_slice %arg2[%add3A, %run_scoped3A, %dma_wait3A_28] : memref<32x79x128xi32, #tpu.memory_space<hbm>> -> memref<1x1x128xi32, #tpu.memory_space<hbm>>
      %dma_wait3A_30 = tpu.memref_squeeze %dma_wait3A_29 : memref<1x1x128xi32, #tpu.memory_space<hbm>> -> memref<128xi32, #tpu.memory_space<hbm>>
      %dma_wait3A_31 = arith.constant 0 : i32
      %dma_wait3A_32 = tpu.memref_slice %arg6[%run_scoped3A_3, %dma_wait3A_31] : memref<2x128xi32, #tpu.memory_space<vmem>> -> memref<1x128xi32, #tpu.memory_space<vmem>>
      %dma_wait3A_33 = tpu.memref_squeeze %dma_wait3A_32 : memref<1x128xi32, #tpu.memory_space<vmem>> -> memref<128xi32, #tpu.memory_space<vmem>>
      %dma_wait3A_34 = arith.constant 0 : i32
      %dma_wait3A_35 = tpu.memref_slice %arg2[%add3A, %run_scoped3A, %dma_wait3A_34] : memref<32x79x128xi32, #tpu.memory_space<hbm>> -> memref<1x1x128xi32, #tpu.memory_space<hbm>>
      %dma_wait3A_36 = tpu.memref_squeeze %dma_wait3A_35 : memref<1x1x128xi32, #tpu.memory_space<hbm>> -> memref<128xi32, #tpu.memory_space<hbm>>
      tpu.wait_dma2 semaphore(%run_scoped3A_14 : memref<!tpu.dma_semaphore, #tpu.memory_space<semaphore_mem>>) src(%dma_wait3A_36 : memref<128xi32, #tpu.memory_space<hbm>>) dst(%dma_wait3A_33 : memref<128xi32, #tpu.memory_space<vmem>>)
      tpu.yield
    }) : () -> ()
    %scan3A = arith.constant 0 : i32
    %scan3A_4 = arith.constant 0 : i32
    %scan3A_5 = arith.constant 79 : i32
    %scan3A_6 = arith.addi %scan3A_4, %scan3A_5 : i32
    %scan3A_7 = arith.constant 1 : i32
    scf.for %scan3A_14 = %scan3A_4 to %scan3A_6 step %scan3A_7  : i32 {
      %rem3A = arith.constant 2 : i32
      %rem3A_15 = arith.remsi %scan3A_14, %rem3A : i32
      %add3A_16 = arith.constant 1 : i32
      %add3A_17 = arith.addi %scan3A_14, %add3A_16 : i32
      %rem3A_18 = arith.constant 2 : i32
      %rem3A_19 = arith.remsi %add3A_17, %rem3A_18 : i32
      %add3A_20 = arith.constant 1 : i32
      %add3A_21 = arith.addi %scan3A_14, %add3A_20 : i32
      %lt3A = arith.constant 79 : i32
      %lt3A_22 = arith.cmpi slt, %add3A_21, %lt3A : i32
      %convert_element_type3A = arith.extui %lt3A_22 : i1 to i32
      %cond3A = arith.constant 0 : i32
      %cond3A_23 = arith.cmpi ne, %convert_element_type3A, %cond3A : i32
      scf.if %cond3A_23 {
        %add3A_24 = arith.constant 1 : i32
        %add3A_25 = arith.addi %scan3A_14, %add3A_24 : i32
        "tpu.region"() ({
          %run_scoped3A_26 = tpu.sem_alloc : memref<!tpu.dma_semaphore, #tpu.memory_space<semaphore_mem>>
          %dma_start3A = arith.constant 0 : i32
          %dma_start3A_27 = tpu.memref_slice %arg6[%rem3A_19, %dma_start3A] : memref<2x128xi32, #tpu.memory_space<vmem>> -> memref<1x128xi32, #tpu.memory_space<vmem>>
          %dma_start3A_28 = tpu.memref_squeeze %dma_start3A_27 : memref<1x128xi32, #tpu.memory_space<vmem>> -> memref<128xi32, #tpu.memory_space<vmem>>
          %dma_start3A_29 = arith.constant 0 : i32
          %dma_start3A_30 = tpu.memref_slice %arg2[%add3A, %add3A_25, %dma_start3A_29] : memref<32x79x128xi32, #tpu.memory_space<hbm>> -> memref<1x1x128xi32, #tpu.memory_space<hbm>>
          %dma_start3A_31 = tpu.memref_squeeze %dma_start3A_30 : memref<1x1x128xi32, #tpu.memory_space<hbm>> -> memref<128xi32, #tpu.memory_space<hbm>>
          %dma_start3A_32 = arith.constant 0 : i32
          %dma_start3A_33 = tpu.memref_slice %arg6[%rem3A_19, %dma_start3A_32] : memref<2x128xi32, #tpu.memory_space<vmem>> -> memref<1x128xi32, #tpu.memory_space<vmem>>
          %dma_start3A_34 = tpu.memref_squeeze %dma_start3A_33 : memref<1x128xi32, #tpu.memory_space<vmem>> -> memref<128xi32, #tpu.memory_space<vmem>>
          %dma_start3A_35 = arith.constant 0 : i32
          %dma_start3A_36 = tpu.memref_slice %arg2[%add3A, %add3A_25, %dma_start3A_35] : memref<32x79x128xi32, #tpu.memory_space<hbm>> -> memref<1x1x128xi32, #tpu.memory_space<hbm>>
          %dma_start3A_37 = tpu.memref_squeeze %dma_start3A_36 : memref<1x1x128xi32, #tpu.memory_space<hbm>> -> memref<128xi32, #tpu.memory_space<hbm>>
          tpu.enqueue_dma source(%dma_start3A_37 : memref<128xi32, #tpu.memory_space<hbm>>) target(%dma_start3A_34 : memref<128xi32, #tpu.memory_space<vmem>>) target_semaphore(%run_scoped3A_26 : memref<!tpu.dma_semaphore, #tpu.memory_space<semaphore_mem>>)
          %dma_wait3A = arith.constant 0 : i32
          %dma_wait3A_38 = tpu.memref_slice %arg6[%rem3A_19, %dma_wait3A] : memref<2x128xi32, #tpu.memory_space<vmem>> -> memref<1x128xi32, #tpu.memory_space<vmem>>
          %dma_wait3A_39 = tpu.memref_squeeze %dma_wait3A_38 : memref<1x128xi32, #tpu.memory_space<vmem>> -> memref<128xi32, #tpu.memory_space<vmem>>
          %dma_wait3A_40 = arith.constant 0 : i32
          %dma_wait3A_41 = tpu.memref_slice %arg2[%add3A, %add3A_25, %dma_wait3A_40] : memref<32x79x128xi32, #tpu.memory_space<hbm>> -> memref<1x1x128xi32, #tpu.memory_space<hbm>>
          %dma_wait3A_42 = tpu.memref_squeeze %dma_wait3A_41 : memref<1x1x128xi32, #tpu.memory_space<hbm>> -> memref<128xi32, #tpu.memory_space<hbm>>
          %dma_wait3A_43 = arith.constant 0 : i32
          %dma_wait3A_44 = tpu.memref_slice %arg6[%rem3A_19, %dma_wait3A_43] : memref<2x128xi32, #tpu.memory_space<vmem>> -> memref<1x128xi32, #tpu.memory_space<vmem>>
          %dma_wait3A_45 = tpu.memref_squeeze %dma_wait3A_44 : memref<1x128xi32, #tpu.memory_space<vmem>> -> memref<128xi32, #tpu.memory_space<vmem>>
          %dma_wait3A_46 = arith.constant 0 : i32
          %dma_wait3A_47 = tpu.memref_slice %arg2[%add3A, %add3A_25, %dma_wait3A_46] : memref<32x79x128xi32, #tpu.memory_space<hbm>> -> memref<1x1x128xi32, #tpu.memory_space<hbm>>
          %dma_wait3A_48 = tpu.memref_squeeze %dma_wait3A_47 : memref<1x1x128xi32, #tpu.memory_space<hbm>> -> memref<128xi32, #tpu.memory_space<hbm>>
          tpu.wait_dma2 semaphore(%run_scoped3A_26 : memref<!tpu.dma_semaphore, #tpu.memory_space<semaphore_mem>>) src(%dma_wait3A_48 : memref<128xi32, #tpu.memory_space<hbm>>) dst(%dma_wait3A_45 : memref<128xi32, #tpu.memory_space<vmem>>)
          tpu.yield
        }) : () -> ()
      } else {
      }
      "tpu.region"() ({
        %run_scoped3A_24 = tpu.sem_alloc : memref<!tpu.dma_semaphore, #tpu.memory_space<semaphore_mem>>
        %dma_start3A = arith.constant 0 : i32
        %dma_start3A_25 = tpu.memref_slice %arg6[%rem3A_15, %dma_start3A] : memref<2x128xi32, #tpu.memory_space<vmem>> -> memref<1x128xi32, #tpu.memory_space<vmem>>
        %dma_start3A_26 = tpu.memref_squeeze %dma_start3A_25 : memref<1x128xi32, #tpu.memory_space<vmem>> -> memref<128xi32, #tpu.memory_space<vmem>>
        %dma_start3A_27 = arith.constant 0 : i32
        %dma_start3A_28 = arith.constant 0 : i32
        %dma_start3A_29 = tpu.memref_slice %arg8[%dma_start3A_27, %dma_start3A_28] : memref<10240x128xf32, #tpu.memory_space<vmem_shared>> -> memref<10240x128xf32, #tpu.memory_space<vmem_shared>>
        tpu.enqueue_indirect_dma source(%arg7 : memref<128x128xf32, #tpu.memory_space<vmem>>) target(%dma_start3A_29 : memref<10240x128xf32, #tpu.memory_space<vmem_shared>>) offsets(%dma_start3A_26 : memref<128xi32, #tpu.memory_space<vmem>>) semaphore(%run_scoped3A_24 : memref<!tpu.dma_semaphore, #tpu.memory_space<semaphore_mem>>) {add = true}
        %dma_wait3A = arith.constant 0 : i32
        %dma_wait3A_30 = tpu.memref_slice %arg6[%rem3A_15, %dma_wait3A] : memref<2x128xi32, #tpu.memory_space<vmem>> -> memref<1x128xi32, #tpu.memory_space<vmem>>
        %dma_wait3A_31 = tpu.memref_squeeze %dma_wait3A_30 : memref<1x128xi32, #tpu.memory_space<vmem>> -> memref<128xi32, #tpu.memory_space<vmem>>
        %dma_wait3A_32 = arith.constant 0 : i32
        %dma_wait3A_33 = arith.constant 0 : i32
        %dma_wait3A_34 = tpu.memref_slice %arg8[%dma_wait3A_32, %dma_wait3A_33] : memref<10240x128xf32, #tpu.memory_space<vmem_shared>> -> memref<10240x128xf32, #tpu.memory_space<vmem_shared>>
        tpu.wait_indirect_dma semaphore(%run_scoped3A_24 : memref<!tpu.dma_semaphore, #tpu.memory_space<semaphore_mem>>) src(%arg7 : memref<128x128xf32, #tpu.memory_space<vmem>>) dst(%dma_wait3A_34 : memref<10240x128xf32, #tpu.memory_space<vmem_shared>>)
        tpu.yield
      }) : () -> ()
    }
    %scan3A_8 = arith.constant 79 : i32
    %barrier3A_9 = arith.constant 0 : index
    tpu.barrier barrier_id(%barrier3A_9)
    %mul3A_10 = arith.constant 640 : i32
    %mul3A_11 = arith.muli %arg1, %mul3A_10 : i32
    %mul3A_12 = arith.constant 640 : i32
    %mul3A_13 = arith.muli %arg1, %mul3A_12 : i32
    "tpu.region"() ({
      %run_scoped3A_14 = tpu.sem_alloc : memref<!tpu.dma_semaphore, #tpu.memory_space<semaphore_mem>>
      %dma_start3A = arith.constant 0 : i32
      %dma_start3A_15 = tpu.memref_slice %arg5[%arg0, %mul3A_13, %dma_start3A] : memref<2x10240x128xf32, #tpu.memory_space<hbm>> -> memref<1x640x128xf32, #tpu.memory_space<hbm>>
      %dma_start3A_16 = tpu.memref_squeeze %dma_start3A_15 : memref<1x640x128xf32, #tpu.memory_space<hbm>> -> memref<640x128xf32, #tpu.memory_space<hbm>>
      %dma_start3A_17 = arith.constant 0 : i32
      %dma_start3A_18 = tpu.memref_slice %arg8[%mul3A_11, %dma_start3A_17] : memref<10240x128xf32, #tpu.memory_space<vmem_shared>> -> memref<640x128xf32, #tpu.memory_space<vmem_shared>>
      tpu.enqueue_dma source(%dma_start3A_18 : memref<640x128xf32, #tpu.memory_space<vmem_shared>>) target(%dma_start3A_16 : memref<640x128xf32, #tpu.memory_space<hbm>>) target_semaphore(%run_scoped3A_14 : memref<!tpu.dma_semaphore, #tpu.memory_space<semaphore_mem>>)
      %dma_wait3A = arith.constant 0 : i32
      %dma_wait3A_19 = tpu.memref_slice %arg5[%arg0, %mul3A_13, %dma_wait3A] : memref<2x10240x128xf32, #tpu.memory_space<hbm>> -> memref<1x640x128xf32, #tpu.memory_space<hbm>>
      %dma_wait3A_20 = tpu.memref_squeeze %dma_wait3A_19 : memref<1x640x128xf32, #tpu.memory_space<hbm>> -> memref<640x128xf32, #tpu.memory_space<hbm>>
      %dma_wait3A_21 = arith.constant 0 : i32
      %dma_wait3A_22 = tpu.memref_slice %arg8[%mul3A_11, %dma_wait3A_21] : memref<10240x128xf32, #tpu.memory_space<vmem_shared>> -> memref<640x128xf32, #tpu.memory_space<vmem_shared>>
      tpu.wait_dma2 semaphore(%run_scoped3A_14 : memref<!tpu.dma_semaphore, #tpu.memory_space<semaphore_mem>>) src(%dma_wait3A_22 : memref<640x128xf32, #tpu.memory_space<vmem_shared>>) dst(%dma_wait3A_20 : memref<640x128xf32, #tpu.memory_space<hbm>>)
      tpu.yield
    }) : () -> ()
    return
  }
}

#map = affine_map<(d0, d1) -> (0, 0)>
#map1 = affine_map<(d0, d1) -> (0, 0, 0)>
module attributes {stable_mosaic.version = 14 : i64} {
  func.func @body(%arg0: i32, %arg1: i32, %arg2: memref<10240x128xf32, #tpu.memory_space<hbm>>, %arg3: memref<32x79x128xi32, #tpu.memory_space<hbm>>, %arg4: memref<32x79x128xi32, #tpu.memory_space<hbm>>, %arg5: memref<640x128xf32, #tpu.memory_space<hbm>>, %arg6: memref<2x10240x128xf32, #tpu.memory_space<hbm>>, %arg7: memref<2x128xi32, #tpu.memory_space<vmem>>, %arg8: memref<2x128xi32, #tpu.memory_space<vmem>>, %arg9: memref<2x128x128xf32, #tpu.memory_space<vmem>>, %arg10: memref<10240x128xf32, #tpu.memory_space<vmem_shared>>, %arg11: memref<2x!tpu.dma_semaphore, #tpu.memory_space<semaphore_mem>>, %arg12: memref<2x!tpu.dma_semaphore, #tpu.memory_space<semaphore_mem>>) attributes {dimension_semantics = [#tpu.dimension_semantics<core_parallel>, #tpu.dimension_semantics<subcore_parallel>], iteration_bounds = array<i64: 2, 16>, scalar_prefetch = 0 : i64, scratch_operands = 6 : i64, tpu.core_type = #tpu.core_type<sc_vector_subcore>, window_params = [{transform_indices = #map}, {transform_indices = #map1}, {transform_indices = #map1}, {transform_indices = #map}, {transform_indices = #map1}]} {
    %mul3A = arith.constant 16 : i32
    %mul3A_0 = arith.muli %arg0, %mul3A : i32
    %add3A = arith.addi %mul3A_0, %arg1 : i32
    %mul3A_1 = arith.constant 640 : i32
    %mul3A_2 = arith.muli %arg1, %mul3A_1 : i32
    "tpu.region"() ({
      %run_scoped3A_59 = tpu.sem_alloc : memref<!tpu.dma_semaphore, #tpu.memory_space<semaphore_mem>>
      %dma_start3A_60 = arith.constant 0 : i32
      %dma_start3A_61 = tpu.memref_slice %arg10[%mul3A_2, %dma_start3A_60] : memref<10240x128xf32, #tpu.memory_space<vmem_shared>> -> memref<640x128xf32, #tpu.memory_space<vmem_shared>>
      tpu.enqueue_dma source(%arg5 : memref<640x128xf32, #tpu.memory_space<hbm>>) target(%dma_start3A_61 : memref<640x128xf32, #tpu.memory_space<vmem_shared>>) target_semaphore(%run_scoped3A_59 : memref<!tpu.dma_semaphore, #tpu.memory_space<semaphore_mem>>)
      %dma_wait3A_62 = arith.constant 0 : i32
      %dma_wait3A_63 = tpu.memref_slice %arg10[%mul3A_2, %dma_wait3A_62] : memref<10240x128xf32, #tpu.memory_space<vmem_shared>> -> memref<640x128xf32, #tpu.memory_space<vmem_shared>>
      tpu.wait_dma2 semaphore(%run_scoped3A_59 : memref<!tpu.dma_semaphore, #tpu.memory_space<semaphore_mem>>) src(%arg5 : memref<640x128xf32, #tpu.memory_space<hbm>>) dst(%dma_wait3A_63 : memref<640x128xf32, #tpu.memory_space<vmem_shared>>)
      tpu.yield
    }) : () -> ()
    %barrier3A = arith.constant 0 : index
    tpu.barrier barrier_id(%barrier3A)
    %run_scoped3A = arith.constant 0 : i32
    %run_scoped3A_3 = arith.constant 0 : i32
    "tpu.region"() ({
      %run_scoped3A_59 = tpu.sem_alloc : memref<!tpu.dma_semaphore, #tpu.memory_space<semaphore_mem>>
      %dma_start3A_60 = arith.constant 0 : i32
      %dma_start3A_61 = tpu.memref_slice %arg7[%run_scoped3A_3, %dma_start3A_60] : memref<2x128xi32, #tpu.memory_space<vmem>> -> memref<1x128xi32, #tpu.memory_space<vmem>>
      %dma_start3A_62 = tpu.memref_squeeze %dma_start3A_61 : memref<1x128xi32, #tpu.memory_space<vmem>> -> memref<128xi32, #tpu.memory_space<vmem>>
      %dma_start3A_63 = arith.constant 0 : i32
      %dma_start3A_64 = tpu.memref_slice %arg3[%add3A, %run_scoped3A, %dma_start3A_63] : memref<32x79x128xi32, #tpu.memory_space<hbm>> -> memref<1x1x128xi32, #tpu.memory_space<hbm>>
      %dma_start3A_65 = tpu.memref_squeeze %dma_start3A_64 : memref<1x1x128xi32, #tpu.memory_space<hbm>> -> memref<128xi32, #tpu.memory_space<hbm>>
      %dma_start3A_66 = arith.constant 0 : i32
      %dma_start3A_67 = tpu.memref_slice %arg7[%run_scoped3A_3, %dma_start3A_66] : memref<2x128xi32, #tpu.memory_space<vmem>> -> memref<1x128xi32, #tpu.memory_space<vmem>>
      %dma_start3A_68 = tpu.memref_squeeze %dma_start3A_67 : memref<1x128xi32, #tpu.memory_space<vmem>> -> memref<128xi32, #tpu.memory_space<vmem>>
      %dma_start3A_69 = arith.constant 0 : i32
      %dma_start3A_70 = tpu.memref_slice %arg3[%add3A, %run_scoped3A, %dma_start3A_69] : memref<32x79x128xi32, #tpu.memory_space<hbm>> -> memref<1x1x128xi32, #tpu.memory_space<hbm>>
      %dma_start3A_71 = tpu.memref_squeeze %dma_start3A_70 : memref<1x1x128xi32, #tpu.memory_space<hbm>> -> memref<128xi32, #tpu.memory_space<hbm>>
      tpu.enqueue_dma source(%dma_start3A_71 : memref<128xi32, #tpu.memory_space<hbm>>) target(%dma_start3A_68 : memref<128xi32, #tpu.memory_space<vmem>>) target_semaphore(%run_scoped3A_59 : memref<!tpu.dma_semaphore, #tpu.memory_space<semaphore_mem>>)
      %dma_wait3A_72 = arith.constant 0 : i32
      %dma_wait3A_73 = tpu.memref_slice %arg7[%run_scoped3A_3, %dma_wait3A_72] : memref<2x128xi32, #tpu.memory_space<vmem>> -> memref<1x128xi32, #tpu.memory_space<vmem>>
      %dma_wait3A_74 = tpu.memref_squeeze %dma_wait3A_73 : memref<1x128xi32, #tpu.memory_space<vmem>> -> memref<128xi32, #tpu.memory_space<vmem>>
      %dma_wait3A_75 = arith.constant 0 : i32
      %dma_wait3A_76 = tpu.memref_slice %arg3[%add3A, %run_scoped3A, %dma_wait3A_75] : memref<32x79x128xi32, #tpu.memory_space<hbm>> -> memref<1x1x128xi32, #tpu.memory_space<hbm>>
      %dma_wait3A_77 = tpu.memref_squeeze %dma_wait3A_76 : memref<1x1x128xi32, #tpu.memory_space<hbm>> -> memref<128xi32, #tpu.memory_space<hbm>>
      %dma_wait3A_78 = arith.constant 0 : i32
      %dma_wait3A_79 = tpu.memref_slice %arg7[%run_scoped3A_3, %dma_wait3A_78] : memref<2x128xi32, #tpu.memory_space<vmem>> -> memref<1x128xi32, #tpu.memory_space<vmem>>
      %dma_wait3A_80 = tpu.memref_squeeze %dma_wait3A_79 : memref<1x128xi32, #tpu.memory_space<vmem>> -> memref<128xi32, #tpu.memory_space<vmem>>
      %dma_wait3A_81 = arith.constant 0 : i32
      %dma_wait3A_82 = tpu.memref_slice %arg3[%add3A, %run_scoped3A, %dma_wait3A_81] : memref<32x79x128xi32, #tpu.memory_space<hbm>> -> memref<1x1x128xi32, #tpu.memory_space<hbm>>
      %dma_wait3A_83 = tpu.memref_squeeze %dma_wait3A_82 : memref<1x1x128xi32, #tpu.memory_space<hbm>> -> memref<128xi32, #tpu.memory_space<hbm>>
      tpu.wait_dma2 semaphore(%run_scoped3A_59 : memref<!tpu.dma_semaphore, #tpu.memory_space<semaphore_mem>>) src(%dma_wait3A_83 : memref<128xi32, #tpu.memory_space<hbm>>) dst(%dma_wait3A_80 : memref<128xi32, #tpu.memory_space<vmem>>)
      tpu.yield
    }) : () -> ()
    %run_scoped3A_4 = arith.constant 0 : i32
    %run_scoped3A_5 = arith.constant 0 : i32
    "tpu.region"() ({
      %run_scoped3A_59 = tpu.sem_alloc : memref<!tpu.dma_semaphore, #tpu.memory_space<semaphore_mem>>
      %dma_start3A_60 = arith.constant 0 : i32
      %dma_start3A_61 = tpu.memref_slice %arg8[%run_scoped3A_5, %dma_start3A_60] : memref<2x128xi32, #tpu.memory_space<vmem>> -> memref<1x128xi32, #tpu.memory_space<vmem>>
      %dma_start3A_62 = tpu.memref_squeeze %dma_start3A_61 : memref<1x128xi32, #tpu.memory_space<vmem>> -> memref<128xi32, #tpu.memory_space<vmem>>
      %dma_start3A_63 = arith.constant 0 : i32
      %dma_start3A_64 = tpu.memref_slice %arg4[%add3A, %run_scoped3A_4, %dma_start3A_63] : memref<32x79x128xi32, #tpu.memory_space<hbm>> -> memref<1x1x128xi32, #tpu.memory_space<hbm>>
      %dma_start3A_65 = tpu.memref_squeeze %dma_start3A_64 : memref<1x1x128xi32, #tpu.memory_space<hbm>> -> memref<128xi32, #tpu.memory_space<hbm>>
      %dma_start3A_66 = arith.constant 0 : i32
      %dma_start3A_67 = tpu.memref_slice %arg8[%run_scoped3A_5, %dma_start3A_66] : memref<2x128xi32, #tpu.memory_space<vmem>> -> memref<1x128xi32, #tpu.memory_space<vmem>>
      %dma_start3A_68 = tpu.memref_squeeze %dma_start3A_67 : memref<1x128xi32, #tpu.memory_space<vmem>> -> memref<128xi32, #tpu.memory_space<vmem>>
      %dma_start3A_69 = arith.constant 0 : i32
      %dma_start3A_70 = tpu.memref_slice %arg4[%add3A, %run_scoped3A_4, %dma_start3A_69] : memref<32x79x128xi32, #tpu.memory_space<hbm>> -> memref<1x1x128xi32, #tpu.memory_space<hbm>>
      %dma_start3A_71 = tpu.memref_squeeze %dma_start3A_70 : memref<1x1x128xi32, #tpu.memory_space<hbm>> -> memref<128xi32, #tpu.memory_space<hbm>>
      tpu.enqueue_dma source(%dma_start3A_71 : memref<128xi32, #tpu.memory_space<hbm>>) target(%dma_start3A_68 : memref<128xi32, #tpu.memory_space<vmem>>) target_semaphore(%run_scoped3A_59 : memref<!tpu.dma_semaphore, #tpu.memory_space<semaphore_mem>>)
      %dma_wait3A_72 = arith.constant 0 : i32
      %dma_wait3A_73 = tpu.memref_slice %arg8[%run_scoped3A_5, %dma_wait3A_72] : memref<2x128xi32, #tpu.memory_space<vmem>> -> memref<1x128xi32, #tpu.memory_space<vmem>>
      %dma_wait3A_74 = tpu.memref_squeeze %dma_wait3A_73 : memref<1x128xi32, #tpu.memory_space<vmem>> -> memref<128xi32, #tpu.memory_space<vmem>>
      %dma_wait3A_75 = arith.constant 0 : i32
      %dma_wait3A_76 = tpu.memref_slice %arg4[%add3A, %run_scoped3A_4, %dma_wait3A_75] : memref<32x79x128xi32, #tpu.memory_space<hbm>> -> memref<1x1x128xi32, #tpu.memory_space<hbm>>
      %dma_wait3A_77 = tpu.memref_squeeze %dma_wait3A_76 : memref<1x1x128xi32, #tpu.memory_space<hbm>> -> memref<128xi32, #tpu.memory_space<hbm>>
      %dma_wait3A_78 = arith.constant 0 : i32
      %dma_wait3A_79 = tpu.memref_slice %arg8[%run_scoped3A_5, %dma_wait3A_78] : memref<2x128xi32, #tpu.memory_space<vmem>> -> memref<1x128xi32, #tpu.memory_space<vmem>>
      %dma_wait3A_80 = tpu.memref_squeeze %dma_wait3A_79 : memref<1x128xi32, #tpu.memory_space<vmem>> -> memref<128xi32, #tpu.memory_space<vmem>>
      %dma_wait3A_81 = arith.constant 0 : i32
      %dma_wait3A_82 = tpu.memref_slice %arg4[%add3A, %run_scoped3A_4, %dma_wait3A_81] : memref<32x79x128xi32, #tpu.memory_space<hbm>> -> memref<1x1x128xi32, #tpu.memory_space<hbm>>
      %dma_wait3A_83 = tpu.memref_squeeze %dma_wait3A_82 : memref<1x1x128xi32, #tpu.memory_space<hbm>> -> memref<128xi32, #tpu.memory_space<hbm>>
      tpu.wait_dma2 semaphore(%run_scoped3A_59 : memref<!tpu.dma_semaphore, #tpu.memory_space<semaphore_mem>>) src(%dma_wait3A_83 : memref<128xi32, #tpu.memory_space<hbm>>) dst(%dma_wait3A_80 : memref<128xi32, #tpu.memory_space<vmem>>)
      tpu.yield
    }) : () -> ()
    %dma_start3A = arith.constant 0 : i32
    %dma_start3A_6 = arith.constant 0 : i32
    %dma_start3A_7 = arith.constant 0 : i32
    %dma_start3A_8 = arith.constant 0 : i32
    %dma_start3A_9 = arith.constant 0 : i32
    %dma_start3A_10 = tpu.memref_slice %arg9[%dma_start3A_6, %dma_start3A_8, %dma_start3A_9] : memref<2x128x128xf32, #tpu.memory_space<vmem>> -> memref<1x128x128xf32, #tpu.memory_space<vmem>>
    %dma_start3A_11 = tpu.memref_squeeze %dma_start3A_10 : memref<1x128x128xf32, #tpu.memory_space<vmem>> -> memref<128x128xf32, #tpu.memory_space<vmem>>
    %dma_start3A_12 = arith.constant 0 : i32
    %dma_start3A_13 = tpu.memref_slice %arg7[%dma_start3A, %dma_start3A_12] : memref<2x128xi32, #tpu.memory_space<vmem>> -> memref<1x128xi32, #tpu.memory_space<vmem>>
    %dma_start3A_14 = tpu.memref_squeeze %dma_start3A_13 : memref<1x128xi32, #tpu.memory_space<vmem>> -> memref<128xi32, #tpu.memory_space<vmem>>
    %dma_start3A_15 = arith.constant 0 : i32
    %dma_start3A_16 = arith.constant 0 : i32
    %dma_start3A_17 = tpu.memref_slice %arg2[%dma_start3A_15, %dma_start3A_16] : memref<10240x128xf32, #tpu.memory_space<hbm>> -> memref<10240x128xf32, #tpu.memory_space<hbm>>
    %dma_start3A_18 = tpu.memref_slice %arg11[%dma_start3A_7] : memref<2x!tpu.dma_semaphore, #tpu.memory_space<semaphore_mem>> -> memref<1x!tpu.dma_semaphore, #tpu.memory_space<semaphore_mem>>
    %dma_start3A_19 = tpu.memref_squeeze %dma_start3A_18 : memref<1x!tpu.dma_semaphore, #tpu.memory_space<semaphore_mem>> -> memref<!tpu.dma_semaphore, #tpu.memory_space<semaphore_mem>>
    tpu.enqueue_indirect_dma source(%dma_start3A_17 : memref<10240x128xf32, #tpu.memory_space<hbm>>) target(%dma_start3A_11 : memref<128x128xf32, #tpu.memory_space<vmem>>) offsets(%dma_start3A_14 : memref<128xi32, #tpu.memory_space<vmem>>) semaphore(%dma_start3A_19 : memref<!tpu.dma_semaphore, #tpu.memory_space<semaphore_mem>>)
    %scan3A = arith.constant 0 : i32
    %scan3A_20 = arith.constant 0 : i32
    %scan3A_21 = arith.constant 79 : i32
    %scan3A_22 = arith.addi %scan3A_20, %scan3A_21 : i32
    %scan3A_23 = arith.constant 1 : i32
    scf.for %scan3A_59 = %scan3A_20 to %scan3A_22 step %scan3A_23  : i32 {
      %rem3A = arith.constant 2 : i32
      %rem3A_60 = arith.remsi %scan3A_59, %rem3A : i32
      %add3A_61 = arith.constant 1 : i32
      %add3A_62 = arith.addi %scan3A_59, %add3A_61 : i32
      %rem3A_63 = arith.constant 2 : i32
      %rem3A_64 = arith.remsi %add3A_62, %rem3A_63 : i32
      %add3A_65 = arith.constant 1 : i32
      %add3A_66 = arith.addi %scan3A_59, %add3A_65 : i32
      %lt3A = arith.constant 79 : i32
      %lt3A_67 = arith.cmpi slt, %add3A_66, %lt3A : i32
      %convert_element_type3A = arith.extui %lt3A_67 : i1 to i32
      %cond3A = arith.constant 0 : i32
      %cond3A_68 = arith.cmpi ne, %convert_element_type3A, %cond3A : i32
      scf.if %cond3A_68 {
        %ge3A = arith.constant 1 : i32
        %ge3A_93 = arith.cmpi sge, %scan3A_59, %ge3A : i32
        %convert_element_type3A_94 = arith.extui %ge3A_93 : i1 to i32
        %cond3A_95 = arith.constant 0 : i32
        %cond3A_96 = arith.cmpi ne, %convert_element_type3A_94, %cond3A_95 : i32
        scf.if %cond3A_96 {
          %dma_wait3A_113 = arith.constant 0 : i32
          %dma_wait3A_114 = arith.constant 0 : i32
          %dma_wait3A_115 = tpu.memref_slice %arg9[%rem3A_64, %dma_wait3A_113, %dma_wait3A_114] : memref<2x128x128xf32, #tpu.memory_space<vmem>> -> memref<1x128x128xf32, #tpu.memory_space<vmem>>
          %dma_wait3A_116 = tpu.memref_squeeze %dma_wait3A_115 : memref<1x128x128xf32, #tpu.memory_space<vmem>> -> memref<128x128xf32, #tpu.memory_space<vmem>>
          %dma_wait3A_117 = arith.constant 0 : i32
          %dma_wait3A_118 = tpu.memref_slice %arg8[%rem3A_64, %dma_wait3A_117] : memref<2x128xi32, #tpu.memory_space<vmem>> -> memref<1x128xi32, #tpu.memory_space<vmem>>
          %dma_wait3A_119 = tpu.memref_squeeze %dma_wait3A_118 : memref<1x128xi32, #tpu.memory_space<vmem>> -> memref<128xi32, #tpu.memory_space<vmem>>
          %dma_wait3A_120 = arith.constant 0 : i32
          %dma_wait3A_121 = arith.constant 0 : i32
          %dma_wait3A_122 = tpu.memref_slice %arg10[%dma_wait3A_120, %dma_wait3A_121] : memref<10240x128xf32, #tpu.memory_space<vmem_shared>> -> memref<10240x128xf32, #tpu.memory_space<vmem_shared>>
          %dma_wait3A_123 = tpu.memref_slice %arg12[%rem3A_64] : memref<2x!tpu.dma_semaphore, #tpu.memory_space<semaphore_mem>> -> memref<1x!tpu.dma_semaphore, #tpu.memory_space<semaphore_mem>>
          %dma_wait3A_124 = tpu.memref_squeeze %dma_wait3A_123 : memref<1x!tpu.dma_semaphore, #tpu.memory_space<semaphore_mem>> -> memref<!tpu.dma_semaphore, #tpu.memory_space<semaphore_mem>>
          tpu.wait_indirect_dma semaphore(%dma_wait3A_124 : memref<!tpu.dma_semaphore, #tpu.memory_space<semaphore_mem>>) src(%dma_wait3A_116 : memref<128x128xf32, #tpu.memory_space<vmem>>) dst(%dma_wait3A_122 : memref<10240x128xf32, #tpu.memory_space<vmem_shared>>)
        } else {
        }
        %add3A_97 = arith.constant 1 : i32
        %add3A_98 = arith.addi %scan3A_59, %add3A_97 : i32
        "tpu.region"() ({
          %run_scoped3A_113 = tpu.sem_alloc : memref<!tpu.dma_semaphore, #tpu.memory_space<semaphore_mem>>
          %dma_start3A_114 = arith.constant 0 : i32
          %dma_start3A_115 = tpu.memref_slice %arg7[%rem3A_64, %dma_start3A_114] : memref<2x128xi32, #tpu.memory_space<vmem>> -> memref<1x128xi32, #tpu.memory_space<vmem>>
          %dma_start3A_116 = tpu.memref_squeeze %dma_start3A_115 : memref<1x128xi32, #tpu.memory_space<vmem>> -> memref<128xi32, #tpu.memory_space<vmem>>
          %dma_start3A_117 = arith.constant 0 : i32
          %dma_start3A_118 = tpu.memref_slice %arg3[%add3A, %add3A_98, %dma_start3A_117] : memref<32x79x128xi32, #tpu.memory_space<hbm>> -> memref<1x1x128xi32, #tpu.memory_space<hbm>>
          %dma_start3A_119 = tpu.memref_squeeze %dma_start3A_118 : memref<1x1x128xi32, #tpu.memory_space<hbm>> -> memref<128xi32, #tpu.memory_space<hbm>>
          %dma_start3A_120 = arith.constant 0 : i32
          %dma_start3A_121 = tpu.memref_slice %arg7[%rem3A_64, %dma_start3A_120] : memref<2x128xi32, #tpu.memory_space<vmem>> -> memref<1x128xi32, #tpu.memory_space<vmem>>
          %dma_start3A_122 = tpu.memref_squeeze %dma_start3A_121 : memref<1x128xi32, #tpu.memory_space<vmem>> -> memref<128xi32, #tpu.memory_space<vmem>>
          %dma_start3A_123 = arith.constant 0 : i32
          %dma_start3A_124 = tpu.memref_slice %arg3[%add3A, %add3A_98, %dma_start3A_123] : memref<32x79x128xi32, #tpu.memory_space<hbm>> -> memref<1x1x128xi32, #tpu.memory_space<hbm>>
          %dma_start3A_125 = tpu.memref_squeeze %dma_start3A_124 : memref<1x1x128xi32, #tpu.memory_space<hbm>> -> memref<128xi32, #tpu.memory_space<hbm>>
          tpu.enqueue_dma source(%dma_start3A_125 : memref<128xi32, #tpu.memory_space<hbm>>) target(%dma_start3A_122 : memref<128xi32, #tpu.memory_space<vmem>>) target_semaphore(%run_scoped3A_113 : memref<!tpu.dma_semaphore, #tpu.memory_space<semaphore_mem>>)
          %dma_wait3A_126 = arith.constant 0 : i32
          %dma_wait3A_127 = tpu.memref_slice %arg7[%rem3A_64, %dma_wait3A_126] : memref<2x128xi32, #tpu.memory_space<vmem>> -> memref<1x128xi32, #tpu.memory_space<vmem>>
          %dma_wait3A_128 = tpu.memref_squeeze %dma_wait3A_127 : memref<1x128xi32, #tpu.memory_space<vmem>> -> memref<128xi32, #tpu.memory_space<vmem>>
          %dma_wait3A_129 = arith.constant 0 : i32
          %dma_wait3A_130 = tpu.memref_slice %arg3[%add3A, %add3A_98, %dma_wait3A_129] : memref<32x79x128xi32, #tpu.memory_space<hbm>> -> memref<1x1x128xi32, #tpu.memory_space<hbm>>
          %dma_wait3A_131 = tpu.memref_squeeze %dma_wait3A_130 : memref<1x1x128xi32, #tpu.memory_space<hbm>> -> memref<128xi32, #tpu.memory_space<hbm>>
          %dma_wait3A_132 = arith.constant 0 : i32
          %dma_wait3A_133 = tpu.memref_slice %arg7[%rem3A_64, %dma_wait3A_132] : memref<2x128xi32, #tpu.memory_space<vmem>> -> memref<1x128xi32, #tpu.memory_space<vmem>>
          %dma_wait3A_134 = tpu.memref_squeeze %dma_wait3A_133 : memref<1x128xi32, #tpu.memory_space<vmem>> -> memref<128xi32, #tpu.memory_space<vmem>>
          %dma_wait3A_135 = arith.constant 0 : i32
          %dma_wait3A_136 = tpu.memref_slice %arg3[%add3A, %add3A_98, %dma_wait3A_135] : memref<32x79x128xi32, #tpu.memory_space<hbm>> -> memref<1x1x128xi32, #tpu.memory_space<hbm>>
          %dma_wait3A_137 = tpu.memref_squeeze %dma_wait3A_136 : memref<1x1x128xi32, #tpu.memory_space<hbm>> -> memref<128xi32, #tpu.memory_space<hbm>>
          tpu.wait_dma2 semaphore(%run_scoped3A_113 : memref<!tpu.dma_semaphore, #tpu.memory_space<semaphore_mem>>) src(%dma_wait3A_137 : memref<128xi32, #tpu.memory_space<hbm>>) dst(%dma_wait3A_134 : memref<128xi32, #tpu.memory_space<vmem>>)
          tpu.yield
        }) : () -> ()
        %add3A_99 = arith.constant 1 : i32
        %add3A_100 = arith.addi %scan3A_59, %add3A_99 : i32
        "tpu.region"() ({
          %run_scoped3A_113 = tpu.sem_alloc : memref<!tpu.dma_semaphore, #tpu.memory_space<semaphore_mem>>
          %dma_start3A_114 = arith.constant 0 : i32
          %dma_start3A_115 = tpu.memref_slice %arg8[%rem3A_64, %dma_start3A_114] : memref<2x128xi32, #tpu.memory_space<vmem>> -> memref<1x128xi32, #tpu.memory_space<vmem>>
          %dma_start3A_116 = tpu.memref_squeeze %dma_start3A_115 : memref<1x128xi32, #tpu.memory_space<vmem>> -> memref<128xi32, #tpu.memory_space<vmem>>
          %dma_start3A_117 = arith.constant 0 : i32
          %dma_start3A_118 = tpu.memref_slice %arg4[%add3A, %add3A_100, %dma_start3A_117] : memref<32x79x128xi32, #tpu.memory_space<hbm>> -> memref<1x1x128xi32, #tpu.memory_space<hbm>>
          %dma_start3A_119 = tpu.memref_squeeze %dma_start3A_118 : memref<1x1x128xi32, #tpu.memory_space<hbm>> -> memref<128xi32, #tpu.memory_space<hbm>>
          %dma_start3A_120 = arith.constant 0 : i32
          %dma_start3A_121 = tpu.memref_slice %arg8[%rem3A_64, %dma_start3A_120] : memref<2x128xi32, #tpu.memory_space<vmem>> -> memref<1x128xi32, #tpu.memory_space<vmem>>
          %dma_start3A_122 = tpu.memref_squeeze %dma_start3A_121 : memref<1x128xi32, #tpu.memory_space<vmem>> -> memref<128xi32, #tpu.memory_space<vmem>>
          %dma_start3A_123 = arith.constant 0 : i32
          %dma_start3A_124 = tpu.memref_slice %arg4[%add3A, %add3A_100, %dma_start3A_123] : memref<32x79x128xi32, #tpu.memory_space<hbm>> -> memref<1x1x128xi32, #tpu.memory_space<hbm>>
          %dma_start3A_125 = tpu.memref_squeeze %dma_start3A_124 : memref<1x1x128xi32, #tpu.memory_space<hbm>> -> memref<128xi32, #tpu.memory_space<hbm>>
          tpu.enqueue_dma source(%dma_start3A_125 : memref<128xi32, #tpu.memory_space<hbm>>) target(%dma_start3A_122 : memref<128xi32, #tpu.memory_space<vmem>>) target_semaphore(%run_scoped3A_113 : memref<!tpu.dma_semaphore, #tpu.memory_space<semaphore_mem>>)
          %dma_wait3A_126 = arith.constant 0 : i32
          %dma_wait3A_127 = tpu.memref_slice %arg8[%rem3A_64, %dma_wait3A_126] : memref<2x128xi32, #tpu.memory_space<vmem>> -> memref<1x128xi32, #tpu.memory_space<vmem>>
          %dma_wait3A_128 = tpu.memref_squeeze %dma_wait3A_127 : memref<1x128xi32, #tpu.memory_space<vmem>> -> memref<128xi32, #tpu.memory_space<vmem>>
          %dma_wait3A_129 = arith.constant 0 : i32
          %dma_wait3A_130 = tpu.memref_slice %arg4[%add3A, %add3A_100, %dma_wait3A_129] : memref<32x79x128xi32, #tpu.memory_space<hbm>> -> memref<1x1x128xi32, #tpu.memory_space<hbm>>
          %dma_wait3A_131 = tpu.memref_squeeze %dma_wait3A_130 : memref<1x1x128xi32, #tpu.memory_space<hbm>> -> memref<128xi32, #tpu.memory_space<hbm>>
          %dma_wait3A_132 = arith.constant 0 : i32
          %dma_wait3A_133 = tpu.memref_slice %arg8[%rem3A_64, %dma_wait3A_132] : memref<2x128xi32, #tpu.memory_space<vmem>> -> memref<1x128xi32, #tpu.memory_space<vmem>>
          %dma_wait3A_134 = tpu.memref_squeeze %dma_wait3A_133 : memref<1x128xi32, #tpu.memory_space<vmem>> -> memref<128xi32, #tpu.memory_space<vmem>>
          %dma_wait3A_135 = arith.constant 0 : i32
          %dma_wait3A_136 = tpu.memref_slice %arg4[%add3A, %add3A_100, %dma_wait3A_135] : memref<32x79x128xi32, #tpu.memory_space<hbm>> -> memref<1x1x128xi32, #tpu.memory_space<hbm>>
          %dma_wait3A_137 = tpu.memref_squeeze %dma_wait3A_136 : memref<1x1x128xi32, #tpu.memory_space<hbm>> -> memref<128xi32, #tpu.memory_space<hbm>>
          tpu.wait_dma2 semaphore(%run_scoped3A_113 : memref<!tpu.dma_semaphore, #tpu.memory_space<semaphore_mem>>) src(%dma_wait3A_137 : memref<128xi32, #tpu.memory_space<hbm>>) dst(%dma_wait3A_134 : memref<128xi32, #tpu.memory_space<vmem>>)
          tpu.yield
        }) : () -> ()
        %dma_start3A_101 = arith.constant 0 : i32
        %dma_start3A_102 = arith.constant 0 : i32
        %dma_start3A_103 = tpu.memref_slice %arg9[%rem3A_64, %dma_start3A_101, %dma_start3A_102] : memref<2x128x128xf32, #tpu.memory_space<vmem>> -> memref<1x128x128xf32, #tpu.memory_space<vmem>>
        %dma_start3A_104 = tpu.memref_squeeze %dma_start3A_103 : memref<1x128x128xf32, #tpu.memory_space<vmem>> -> memref<128x128xf32, #tpu.memory_space<vmem>>
        %dma_start3A_105 = arith.constant 0 : i32
        %dma_start3A_106 = tpu.memref_slice %arg7[%rem3A_64, %dma_start3A_105] : memref<2x128xi32, #tpu.memory_space<vmem>> -> memref<1x128xi32, #tpu.memory_space<vmem>>
        %dma_start3A_107 = tpu.memref_squeeze %dma_start3A_106 : memref<1x128xi32, #tpu.memory_space<vmem>> -> memref<128xi32, #tpu.memory_space<vmem>>
        %dma_start3A_108 = arith.constant 0 : i32
        %dma_start3A_109 = arith.constant 0 : i32
        %dma_start3A_110 = tpu.memref_slice %arg2[%dma_start3A_108, %dma_start3A_109] : memref<10240x128xf32, #tpu.memory_space<hbm>> -> memref<10240x128xf32, #tpu.memory_space<hbm>>
        %dma_start3A_111 = tpu.memref_slice %arg11[%rem3A_64] : memref<2x!tpu.dma_semaphore, #tpu.memory_space<semaphore_mem>> -> memref<1x!tpu.dma_semaphore, #tpu.memory_space<semaphore_mem>>
        %dma_start3A_112 = tpu.memref_squeeze %dma_start3A_111 : memref<1x!tpu.dma_semaphore, #tpu.memory_space<semaphore_mem>> -> memref<!tpu.dma_semaphore, #tpu.memory_space<semaphore_mem>>
        tpu.enqueue_indirect_dma source(%dma_start3A_110 : memref<10240x128xf32, #tpu.memory_space<hbm>>) target(%dma_start3A_104 : memref<128x128xf32, #tpu.memory_space<vmem>>) offsets(%dma_start3A_107 : memref<128xi32, #tpu.memory_space<vmem>>) semaphore(%dma_start3A_112 : memref<!tpu.dma_semaphore, #tpu.memory_space<semaphore_mem>>)
      } else {
      }
      %dma_wait3A_69 = arith.constant 0 : i32
      %dma_wait3A_70 = arith.constant 0 : i32
      %dma_wait3A_71 = tpu.memref_slice %arg9[%rem3A_60, %dma_wait3A_69, %dma_wait3A_70] : memref<2x128x128xf32, #tpu.memory_space<vmem>> -> memref<1x128x128xf32, #tpu.memory_space<vmem>>
      %dma_wait3A_72 = tpu.memref_squeeze %dma_wait3A_71 : memref<1x128x128xf32, #tpu.memory_space<vmem>> -> memref<128x128xf32, #tpu.memory_space<vmem>>
      %dma_wait3A_73 = arith.constant 0 : i32
      %dma_wait3A_74 = tpu.memref_slice %arg7[%rem3A_60, %dma_wait3A_73] : memref<2x128xi32, #tpu.memory_space<vmem>> -> memref<1x128xi32, #tpu.memory_space<vmem>>
      %dma_wait3A_75 = tpu.memref_squeeze %dma_wait3A_74 : memref<1x128xi32, #tpu.memory_space<vmem>> -> memref<128xi32, #tpu.memory_space<vmem>>
      %dma_wait3A_76 = arith.constant 0 : i32
      %dma_wait3A_77 = arith.constant 0 : i32
      %dma_wait3A_78 = tpu.memref_slice %arg2[%dma_wait3A_76, %dma_wait3A_77] : memref<10240x128xf32, #tpu.memory_space<hbm>> -> memref<10240x128xf32, #tpu.memory_space<hbm>>
      %dma_wait3A_79 = tpu.memref_slice %arg11[%rem3A_60] : memref<2x!tpu.dma_semaphore, #tpu.memory_space<semaphore_mem>> -> memref<1x!tpu.dma_semaphore, #tpu.memory_space<semaphore_mem>>
      %dma_wait3A_80 = tpu.memref_squeeze %dma_wait3A_79 : memref<1x!tpu.dma_semaphore, #tpu.memory_space<semaphore_mem>> -> memref<!tpu.dma_semaphore, #tpu.memory_space<semaphore_mem>>
      tpu.wait_indirect_dma semaphore(%dma_wait3A_80 : memref<!tpu.dma_semaphore, #tpu.memory_space<semaphore_mem>>) src(%dma_wait3A_78 : memref<10240x128xf32, #tpu.memory_space<hbm>>) dst(%dma_wait3A_72 : memref<128x128xf32, #tpu.memory_space<vmem>>)
      %dma_start3A_81 = arith.constant 0 : i32
      %dma_start3A_82 = arith.constant 0 : i32
      %dma_start3A_83 = tpu.memref_slice %arg9[%rem3A_60, %dma_start3A_81, %dma_start3A_82] : memref<2x128x128xf32, #tpu.memory_space<vmem>> -> memref<1x128x128xf32, #tpu.memory_space<vmem>>
      %dma_start3A_84 = tpu.memref_squeeze %dma_start3A_83 : memref<1x128x128xf32, #tpu.memory_space<vmem>> -> memref<128x128xf32, #tpu.memory_space<vmem>>
      %dma_start3A_85 = arith.constant 0 : i32
      %dma_start3A_86 = tpu.memref_slice %arg8[%rem3A_60, %dma_start3A_85] : memref<2x128xi32, #tpu.memory_space<vmem>> -> memref<1x128xi32, #tpu.memory_space<vmem>>
      %dma_start3A_87 = tpu.memref_squeeze %dma_start3A_86 : memref<1x128xi32, #tpu.memory_space<vmem>> -> memref<128xi32, #tpu.memory_space<vmem>>
      %dma_start3A_88 = arith.constant 0 : i32
      %dma_start3A_89 = arith.constant 0 : i32
      %dma_start3A_90 = tpu.memref_slice %arg10[%dma_start3A_88, %dma_start3A_89] : memref<10240x128xf32, #tpu.memory_space<vmem_shared>> -> memref<10240x128xf32, #tpu.memory_space<vmem_shared>>
      %dma_start3A_91 = tpu.memref_slice %arg12[%rem3A_60] : memref<2x!tpu.dma_semaphore, #tpu.memory_space<semaphore_mem>> -> memref<1x!tpu.dma_semaphore, #tpu.memory_space<semaphore_mem>>
      %dma_start3A_92 = tpu.memref_squeeze %dma_start3A_91 : memref<1x!tpu.dma_semaphore, #tpu.memory_space<semaphore_mem>> -> memref<!tpu.dma_semaphore, #tpu.memory_space<semaphore_mem>>
      tpu.enqueue_indirect_dma source(%dma_start3A_84 : memref<128x128xf32, #tpu.memory_space<vmem>>) target(%dma_start3A_90 : memref<10240x128xf32, #tpu.memory_space<vmem_shared>>) offsets(%dma_start3A_87 : memref<128xi32, #tpu.memory_space<vmem>>) semaphore(%dma_start3A_92 : memref<!tpu.dma_semaphore, #tpu.memory_space<semaphore_mem>>) {add = true}
    }
    %scan3A_24 = arith.constant 79 : i32
    %dma_wait3A = arith.constant 1 : i32
    %dma_wait3A_25 = arith.constant 1 : i32
    %dma_wait3A_26 = arith.constant 1 : i32
    %dma_wait3A_27 = arith.constant 0 : i32
    %dma_wait3A_28 = arith.constant 0 : i32
    %dma_wait3A_29 = tpu.memref_slice %arg9[%dma_wait3A, %dma_wait3A_27, %dma_wait3A_28] : memref<2x128x128xf32, #tpu.memory_space<vmem>> -> memref<1x128x128xf32, #tpu.memory_space<vmem>>
    %dma_wait3A_30 = tpu.memref_squeeze %dma_wait3A_29 : memref<1x128x128xf32, #tpu.memory_space<vmem>> -> memref<128x128xf32, #tpu.memory_space<vmem>>
    %dma_wait3A_31 = arith.constant 0 : i32
    %dma_wait3A_32 = tpu.memref_slice %arg8[%dma_wait3A_25, %dma_wait3A_31] : memref<2x128xi32, #tpu.memory_space<vmem>> -> memref<1x128xi32, #tpu.memory_space<vmem>>
    %dma_wait3A_33 = tpu.memref_squeeze %dma_wait3A_32 : memref<1x128xi32, #tpu.memory_space<vmem>> -> memref<128xi32, #tpu.memory_space<vmem>>
    %dma_wait3A_34 = arith.constant 0 : i32
    %dma_wait3A_35 = arith.constant 0 : i32
    %dma_wait3A_36 = tpu.memref_slice %arg10[%dma_wait3A_34, %dma_wait3A_35] : memref<10240x128xf32, #tpu.memory_space<vmem_shared>> -> memref<10240x128xf32, #tpu.memory_space<vmem_shared>>
    %dma_wait3A_37 = tpu.memref_slice %arg12[%dma_wait3A_26] : memref<2x!tpu.dma_semaphore, #tpu.memory_space<semaphore_mem>> -> memref<1x!tpu.dma_semaphore, #tpu.memory_space<semaphore_mem>>
    %dma_wait3A_38 = tpu.memref_squeeze %dma_wait3A_37 : memref<1x!tpu.dma_semaphore, #tpu.memory_space<semaphore_mem>> -> memref<!tpu.dma_semaphore, #tpu.memory_space<semaphore_mem>>
    tpu.wait_indirect_dma semaphore(%dma_wait3A_38 : memref<!tpu.dma_semaphore, #tpu.memory_space<semaphore_mem>>) src(%dma_wait3A_30 : memref<128x128xf32, #tpu.memory_space<vmem>>) dst(%dma_wait3A_36 : memref<10240x128xf32, #tpu.memory_space<vmem_shared>>)
    %dma_wait3A_39 = arith.constant 0 : i32
    %dma_wait3A_40 = arith.constant 0 : i32
    %dma_wait3A_41 = arith.constant 0 : i32
    %dma_wait3A_42 = arith.constant 0 : i32
    %dma_wait3A_43 = arith.constant 0 : i32
    %dma_wait3A_44 = tpu.memref_slice %arg9[%dma_wait3A_39, %dma_wait3A_42, %dma_wait3A_43] : memref<2x128x128xf32, #tpu.memory_space<vmem>> -> memref<1x128x128xf32, #tpu.memory_space<vmem>>
    %dma_wait3A_45 = tpu.memref_squeeze %dma_wait3A_44 : memref<1x128x128xf32, #tpu.memory_space<vmem>> -> memref<128x128xf32, #tpu.memory_space<vmem>>
    %dma_wait3A_46 = arith.constant 0 : i32
    %dma_wait3A_47 = tpu.memref_slice %arg8[%dma_wait3A_40, %dma_wait3A_46] : memref<2x128xi32, #tpu.memory_space<vmem>> -> memref<1x128xi32, #tpu.memory_space<vmem>>
    %dma_wait3A_48 = tpu.memref_squeeze %dma_wait3A_47 : memref<1x128xi32, #tpu.memory_space<vmem>> -> memref<128xi32, #tpu.memory_space<vmem>>
    %dma_wait3A_49 = arith.constant 0 : i32
    %dma_wait3A_50 = arith.constant 0 : i32
    %dma_wait3A_51 = tpu.memref_slice %arg10[%dma_wait3A_49, %dma_wait3A_50] : memref<10240x128xf32, #tpu.memory_space<vmem_shared>> -> memref<10240x128xf32, #tpu.memory_space<vmem_shared>>
    %dma_wait3A_52 = tpu.memref_slice %arg12[%dma_wait3A_41] : memref<2x!tpu.dma_semaphore, #tpu.memory_space<semaphore_mem>> -> memref<1x!tpu.dma_semaphore, #tpu.memory_space<semaphore_mem>>
    %dma_wait3A_53 = tpu.memref_squeeze %dma_wait3A_52 : memref<1x!tpu.dma_semaphore, #tpu.memory_space<semaphore_mem>> -> memref<!tpu.dma_semaphore, #tpu.memory_space<semaphore_mem>>
    tpu.wait_indirect_dma semaphore(%dma_wait3A_53 : memref<!tpu.dma_semaphore, #tpu.memory_space<semaphore_mem>>) src(%dma_wait3A_45 : memref<128x128xf32, #tpu.memory_space<vmem>>) dst(%dma_wait3A_51 : memref<10240x128xf32, #tpu.memory_space<vmem_shared>>)
    %barrier3A_54 = arith.constant 0 : index
    tpu.barrier barrier_id(%barrier3A_54)
    %mul3A_55 = arith.constant 640 : i32
    %mul3A_56 = arith.muli %arg1, %mul3A_55 : i32
    %mul3A_57 = arith.constant 640 : i32
    %mul3A_58 = arith.muli %arg1, %mul3A_57 : i32
    "tpu.region"() ({
      %run_scoped3A_59 = tpu.sem_alloc : memref<!tpu.dma_semaphore, #tpu.memory_space<semaphore_mem>>
      %dma_start3A_60 = arith.constant 0 : i32
      %dma_start3A_61 = tpu.memref_slice %arg6[%arg0, %mul3A_58, %dma_start3A_60] : memref<2x10240x128xf32, #tpu.memory_space<hbm>> -> memref<1x640x128xf32, #tpu.memory_space<hbm>>
      %dma_start3A_62 = tpu.memref_squeeze %dma_start3A_61 : memref<1x640x128xf32, #tpu.memory_space<hbm>> -> memref<640x128xf32, #tpu.memory_space<hbm>>
      %dma_start3A_63 = arith.constant 0 : i32
      %dma_start3A_64 = tpu.memref_slice %arg10[%mul3A_56, %dma_start3A_63] : memref<10240x128xf32, #tpu.memory_space<vmem_shared>> -> memref<640x128xf32, #tpu.memory_space<vmem_shared>>
      tpu.enqueue_dma source(%dma_start3A_64 : memref<640x128xf32, #tpu.memory_space<vmem_shared>>) target(%dma_start3A_62 : memref<640x128xf32, #tpu.memory_space<hbm>>) target_semaphore(%run_scoped3A_59 : memref<!tpu.dma_semaphore, #tpu.memory_space<semaphore_mem>>)
      %dma_wait3A_65 = arith.constant 0 : i32
      %dma_wait3A_66 = tpu.memref_slice %arg6[%arg0, %mul3A_58, %dma_wait3A_65] : memref<2x10240x128xf32, #tpu.memory_space<hbm>> -> memref<1x640x128xf32, #tpu.memory_space<hbm>>
      %dma_wait3A_67 = tpu.memref_squeeze %dma_wait3A_66 : memref<1x640x128xf32, #tpu.memory_space<hbm>> -> memref<640x128xf32, #tpu.memory_space<hbm>>
      %dma_wait3A_68 = arith.constant 0 : i32
      %dma_wait3A_69 = tpu.memref_slice %arg10[%mul3A_56, %dma_wait3A_68] : memref<10240x128xf32, #tpu.memory_space<vmem_shared>> -> memref<640x128xf32, #tpu.memory_space<vmem_shared>>
      tpu.wait_dma2 semaphore(%run_scoped3A_59 : memref<!tpu.dma_semaphore, #tpu.memory_space<semaphore_mem>>) src(%dma_wait3A_69 : memref<640x128xf32, #tpu.memory_space<vmem_shared>>) dst(%dma_wait3A_67 : memref<640x128xf32, #tpu.memory_space<hbm>>)
      tpu.yield
    }) : () -> ()
    return
  }
}

#map = affine_map<(d0, d1) -> (0, 0)>
#map1 = affine_map<(d0, d1) -> (0, 0, 0)>
module attributes {stable_mosaic.version = 14 : i64} {
  func.func @body(%arg0: i32, %arg1: i32, %arg2: memref<10240x128xf32, #tpu.memory_space<hbm>>, %arg3: memref<32x79x128xi32, #tpu.memory_space<hbm>>, %arg4: memref<32x79x128xi32, #tpu.memory_space<hbm>>, %arg5: memref<640x128xf32, #tpu.memory_space<hbm>>, %arg6: memref<2x10240x128xf32, #tpu.memory_space<hbm>>, %arg7: memref<2x128xi32, #tpu.memory_space<vmem>>, %arg8: memref<2x128xi32, #tpu.memory_space<vmem>>, %arg9: memref<2x128x128xf32, #tpu.memory_space<vmem>>, %arg10: memref<10240x128xf32, #tpu.memory_space<vmem_shared>>, %arg11: memref<2x!tpu.dma_semaphore, #tpu.memory_space<semaphore_mem>>, %arg12: memref<2x!tpu.dma_semaphore, #tpu.memory_space<semaphore_mem>>) attributes {dimension_semantics = [#tpu.dimension_semantics<core_parallel>, #tpu.dimension_semantics<subcore_parallel>], iteration_bounds = array<i64: 2, 16>, scalar_prefetch = 0 : i64, scratch_operands = 6 : i64, tpu.core_type = #tpu.core_type<sc_vector_subcore>, window_params = [{transform_indices = #map}, {transform_indices = #map1}, {transform_indices = #map1}, {transform_indices = #map}, {transform_indices = #map1}]} {
    %mul3A = arith.constant 16 : i32
    %mul3A_0 = arith.muli %arg0, %mul3A : i32
    %add3A = arith.addi %mul3A_0, %arg1 : i32
    %mul3A_1 = arith.constant 640 : i32
    %mul3A_2 = arith.muli %arg1, %mul3A_1 : i32
    "tpu.region"() ({
      %run_scoped3A_59 = tpu.sem_alloc : memref<!tpu.dma_semaphore, #tpu.memory_space<semaphore_mem>>
      %dma_start3A_60 = arith.constant 0 : i32
      %dma_start3A_61 = tpu.memref_slice %arg10[%mul3A_2, %dma_start3A_60] : memref<10240x128xf32, #tpu.memory_space<vmem_shared>> -> memref<640x128xf32, #tpu.memory_space<vmem_shared>>
      tpu.enqueue_dma source(%arg5 : memref<640x128xf32, #tpu.memory_space<hbm>>) target(%dma_start3A_61 : memref<640x128xf32, #tpu.memory_space<vmem_shared>>) target_semaphore(%run_scoped3A_59 : memref<!tpu.dma_semaphore, #tpu.memory_space<semaphore_mem>>)
      %dma_wait3A_62 = arith.constant 0 : i32
      %dma_wait3A_63 = tpu.memref_slice %arg10[%mul3A_2, %dma_wait3A_62] : memref<10240x128xf32, #tpu.memory_space<vmem_shared>> -> memref<640x128xf32, #tpu.memory_space<vmem_shared>>
      tpu.wait_dma2 semaphore(%run_scoped3A_59 : memref<!tpu.dma_semaphore, #tpu.memory_space<semaphore_mem>>) src(%arg5 : memref<640x128xf32, #tpu.memory_space<hbm>>) dst(%dma_wait3A_63 : memref<640x128xf32, #tpu.memory_space<vmem_shared>>)
      tpu.yield
    }) : () -> ()
    %barrier3A = arith.constant 0 : index
    tpu.barrier barrier_id(%barrier3A)
    %run_scoped3A = arith.constant 0 : i32
    %run_scoped3A_3 = arith.constant 0 : i32
    "tpu.region"() ({
      %run_scoped3A_59 = tpu.sem_alloc : memref<!tpu.dma_semaphore, #tpu.memory_space<semaphore_mem>>
      %dma_start3A_60 = arith.constant 0 : i32
      %dma_start3A_61 = tpu.memref_slice %arg7[%run_scoped3A_3, %dma_start3A_60] : memref<2x128xi32, #tpu.memory_space<vmem>> -> memref<1x128xi32, #tpu.memory_space<vmem>>
      %dma_start3A_62 = tpu.memref_squeeze %dma_start3A_61 : memref<1x128xi32, #tpu.memory_space<vmem>> -> memref<128xi32, #tpu.memory_space<vmem>>
      %dma_start3A_63 = arith.constant 0 : i32
      %dma_start3A_64 = tpu.memref_slice %arg3[%add3A, %run_scoped3A, %dma_start3A_63] : memref<32x79x128xi32, #tpu.memory_space<hbm>> -> memref<1x1x128xi32, #tpu.memory_space<hbm>>
      %dma_start3A_65 = tpu.memref_squeeze %dma_start3A_64 : memref<1x1x128xi32, #tpu.memory_space<hbm>> -> memref<128xi32, #tpu.memory_space<hbm>>
      %dma_start3A_66 = arith.constant 0 : i32
      %dma_start3A_67 = tpu.memref_slice %arg7[%run_scoped3A_3, %dma_start3A_66] : memref<2x128xi32, #tpu.memory_space<vmem>> -> memref<1x128xi32, #tpu.memory_space<vmem>>
      %dma_start3A_68 = tpu.memref_squeeze %dma_start3A_67 : memref<1x128xi32, #tpu.memory_space<vmem>> -> memref<128xi32, #tpu.memory_space<vmem>>
      %dma_start3A_69 = arith.constant 0 : i32
      %dma_start3A_70 = tpu.memref_slice %arg3[%add3A, %run_scoped3A, %dma_start3A_69] : memref<32x79x128xi32, #tpu.memory_space<hbm>> -> memref<1x1x128xi32, #tpu.memory_space<hbm>>
      %dma_start3A_71 = tpu.memref_squeeze %dma_start3A_70 : memref<1x1x128xi32, #tpu.memory_space<hbm>> -> memref<128xi32, #tpu.memory_space<hbm>>
      tpu.enqueue_dma source(%dma_start3A_71 : memref<128xi32, #tpu.memory_space<hbm>>) target(%dma_start3A_68 : memref<128xi32, #tpu.memory_space<vmem>>) target_semaphore(%run_scoped3A_59 : memref<!tpu.dma_semaphore, #tpu.memory_space<semaphore_mem>>)
      %dma_wait3A_72 = arith.constant 0 : i32
      %dma_wait3A_73 = tpu.memref_slice %arg7[%run_scoped3A_3, %dma_wait3A_72] : memref<2x128xi32, #tpu.memory_space<vmem>> -> memref<1x128xi32, #tpu.memory_space<vmem>>
      %dma_wait3A_74 = tpu.memref_squeeze %dma_wait3A_73 : memref<1x128xi32, #tpu.memory_space<vmem>> -> memref<128xi32, #tpu.memory_space<vmem>>
      %dma_wait3A_75 = arith.constant 0 : i32
      %dma_wait3A_76 = tpu.memref_slice %arg3[%add3A, %run_scoped3A, %dma_wait3A_75] : memref<32x79x128xi32, #tpu.memory_space<hbm>> -> memref<1x1x128xi32, #tpu.memory_space<hbm>>
      %dma_wait3A_77 = tpu.memref_squeeze %dma_wait3A_76 : memref<1x1x128xi32, #tpu.memory_space<hbm>> -> memref<128xi32, #tpu.memory_space<hbm>>
      %dma_wait3A_78 = arith.constant 0 : i32
      %dma_wait3A_79 = tpu.memref_slice %arg7[%run_scoped3A_3, %dma_wait3A_78] : memref<2x128xi32, #tpu.memory_space<vmem>> -> memref<1x128xi32, #tpu.memory_space<vmem>>
      %dma_wait3A_80 = tpu.memref_squeeze %dma_wait3A_79 : memref<1x128xi32, #tpu.memory_space<vmem>> -> memref<128xi32, #tpu.memory_space<vmem>>
      %dma_wait3A_81 = arith.constant 0 : i32
      %dma_wait3A_82 = tpu.memref_slice %arg3[%add3A, %run_scoped3A, %dma_wait3A_81] : memref<32x79x128xi32, #tpu.memory_space<hbm>> -> memref<1x1x128xi32, #tpu.memory_space<hbm>>
      %dma_wait3A_83 = tpu.memref_squeeze %dma_wait3A_82 : memref<1x1x128xi32, #tpu.memory_space<hbm>> -> memref<128xi32, #tpu.memory_space<hbm>>
      tpu.wait_dma2 semaphore(%run_scoped3A_59 : memref<!tpu.dma_semaphore, #tpu.memory_space<semaphore_mem>>) src(%dma_wait3A_83 : memref<128xi32, #tpu.memory_space<hbm>>) dst(%dma_wait3A_80 : memref<128xi32, #tpu.memory_space<vmem>>)
      tpu.yield
    }) : () -> ()
    %run_scoped3A_4 = arith.constant 0 : i32
    %run_scoped3A_5 = arith.constant 0 : i32
    "tpu.region"() ({
      %run_scoped3A_59 = tpu.sem_alloc : memref<!tpu.dma_semaphore, #tpu.memory_space<semaphore_mem>>
      %dma_start3A_60 = arith.constant 0 : i32
      %dma_start3A_61 = tpu.memref_slice %arg8[%run_scoped3A_5, %dma_start3A_60] : memref<2x128xi32, #tpu.memory_space<vmem>> -> memref<1x128xi32, #tpu.memory_space<vmem>>
      %dma_start3A_62 = tpu.memref_squeeze %dma_start3A_61 : memref<1x128xi32, #tpu.memory_space<vmem>> -> memref<128xi32, #tpu.memory_space<vmem>>
      %dma_start3A_63 = arith.constant 0 : i32
      %dma_start3A_64 = tpu.memref_slice %arg4[%add3A, %run_scoped3A_4, %dma_start3A_63] : memref<32x79x128xi32, #tpu.memory_space<hbm>> -> memref<1x1x128xi32, #tpu.memory_space<hbm>>
      %dma_start3A_65 = tpu.memref_squeeze %dma_start3A_64 : memref<1x1x128xi32, #tpu.memory_space<hbm>> -> memref<128xi32, #tpu.memory_space<hbm>>
      %dma_start3A_66 = arith.constant 0 : i32
      %dma_start3A_67 = tpu.memref_slice %arg8[%run_scoped3A_5, %dma_start3A_66] : memref<2x128xi32, #tpu.memory_space<vmem>> -> memref<1x128xi32, #tpu.memory_space<vmem>>
      %dma_start3A_68 = tpu.memref_squeeze %dma_start3A_67 : memref<1x128xi32, #tpu.memory_space<vmem>> -> memref<128xi32, #tpu.memory_space<vmem>>
      %dma_start3A_69 = arith.constant 0 : i32
      %dma_start3A_70 = tpu.memref_slice %arg4[%add3A, %run_scoped3A_4, %dma_start3A_69] : memref<32x79x128xi32, #tpu.memory_space<hbm>> -> memref<1x1x128xi32, #tpu.memory_space<hbm>>
      %dma_start3A_71 = tpu.memref_squeeze %dma_start3A_70 : memref<1x1x128xi32, #tpu.memory_space<hbm>> -> memref<128xi32, #tpu.memory_space<hbm>>
      tpu.enqueue_dma source(%dma_start3A_71 : memref<128xi32, #tpu.memory_space<hbm>>) target(%dma_start3A_68 : memref<128xi32, #tpu.memory_space<vmem>>) target_semaphore(%run_scoped3A_59 : memref<!tpu.dma_semaphore, #tpu.memory_space<semaphore_mem>>)
      %dma_wait3A_72 = arith.constant 0 : i32
      %dma_wait3A_73 = tpu.memref_slice %arg8[%run_scoped3A_5, %dma_wait3A_72] : memref<2x128xi32, #tpu.memory_space<vmem>> -> memref<1x128xi32, #tpu.memory_space<vmem>>
      %dma_wait3A_74 = tpu.memref_squeeze %dma_wait3A_73 : memref<1x128xi32, #tpu.memory_space<vmem>> -> memref<128xi32, #tpu.memory_space<vmem>>
      %dma_wait3A_75 = arith.constant 0 : i32
      %dma_wait3A_76 = tpu.memref_slice %arg4[%add3A, %run_scoped3A_4, %dma_wait3A_75] : memref<32x79x128xi32, #tpu.memory_space<hbm>> -> memref<1x1x128xi32, #tpu.memory_space<hbm>>
      %dma_wait3A_77 = tpu.memref_squeeze %dma_wait3A_76 : memref<1x1x128xi32, #tpu.memory_space<hbm>> -> memref<128xi32, #tpu.memory_space<hbm>>
      %dma_wait3A_78 = arith.constant 0 : i32
      %dma_wait3A_79 = tpu.memref_slice %arg8[%run_scoped3A_5, %dma_wait3A_78] : memref<2x128xi32, #tpu.memory_space<vmem>> -> memref<1x128xi32, #tpu.memory_space<vmem>>
      %dma_wait3A_80 = tpu.memref_squeeze %dma_wait3A_79 : memref<1x128xi32, #tpu.memory_space<vmem>> -> memref<128xi32, #tpu.memory_space<vmem>>
      %dma_wait3A_81 = arith.constant 0 : i32
      %dma_wait3A_82 = tpu.memref_slice %arg4[%add3A, %run_scoped3A_4, %dma_wait3A_81] : memref<32x79x128xi32, #tpu.memory_space<hbm>> -> memref<1x1x128xi32, #tpu.memory_space<hbm>>
      %dma_wait3A_83 = tpu.memref_squeeze %dma_wait3A_82 : memref<1x1x128xi32, #tpu.memory_space<hbm>> -> memref<128xi32, #tpu.memory_space<hbm>>
      tpu.wait_dma2 semaphore(%run_scoped3A_59 : memref<!tpu.dma_semaphore, #tpu.memory_space<semaphore_mem>>) src(%dma_wait3A_83 : memref<128xi32, #tpu.memory_space<hbm>>) dst(%dma_wait3A_80 : memref<128xi32, #tpu.memory_space<vmem>>)
      tpu.yield
    }) : () -> ()
    %dma_start3A = arith.constant 0 : i32
    %dma_start3A_6 = arith.constant 0 : i32
    %dma_start3A_7 = arith.constant 0 : i32
    %dma_start3A_8 = arith.constant 0 : i32
    %dma_start3A_9 = arith.constant 0 : i32
    %dma_start3A_10 = tpu.memref_slice %arg9[%dma_start3A_6, %dma_start3A_8, %dma_start3A_9] : memref<2x128x128xf32, #tpu.memory_space<vmem>> -> memref<1x128x128xf32, #tpu.memory_space<vmem>>
    %dma_start3A_11 = tpu.memref_squeeze %dma_start3A_10 : memref<1x128x128xf32, #tpu.memory_space<vmem>> -> memref<128x128xf32, #tpu.memory_space<vmem>>
    %dma_start3A_12 = arith.constant 0 : i32
    %dma_start3A_13 = tpu.memref_slice %arg7[%dma_start3A, %dma_start3A_12] : memref<2x128xi32, #tpu.memory_space<vmem>> -> memref<1x128xi32, #tpu.memory_space<vmem>>
    %dma_start3A_14 = tpu.memref_squeeze %dma_start3A_13 : memref<1x128xi32, #tpu.memory_space<vmem>> -> memref<128xi32, #tpu.memory_space<vmem>>
    %dma_start3A_15 = arith.constant 0 : i32
    %dma_start3A_16 = arith.constant 0 : i32
    %dma_start3A_17 = tpu.memref_slice %arg2[%dma_start3A_15, %dma_start3A_16] : memref<10240x128xf32, #tpu.memory_space<hbm>> -> memref<10240x128xf32, #tpu.memory_space<hbm>>
    %dma_start3A_18 = tpu.memref_slice %arg11[%dma_start3A_7] : memref<2x!tpu.dma_semaphore, #tpu.memory_space<semaphore_mem>> -> memref<1x!tpu.dma_semaphore, #tpu.memory_space<semaphore_mem>>
    %dma_start3A_19 = tpu.memref_squeeze %dma_start3A_18 : memref<1x!tpu.dma_semaphore, #tpu.memory_space<semaphore_mem>> -> memref<!tpu.dma_semaphore, #tpu.memory_space<semaphore_mem>>
    tpu.enqueue_indirect_dma source(%dma_start3A_17 : memref<10240x128xf32, #tpu.memory_space<hbm>>) target(%dma_start3A_11 : memref<128x128xf32, #tpu.memory_space<vmem>>) offsets(%dma_start3A_14 : memref<128xi32, #tpu.memory_space<vmem>>) semaphore(%dma_start3A_19 : memref<!tpu.dma_semaphore, #tpu.memory_space<semaphore_mem>>)
    %scan3A = arith.constant 0 : i32
    %scan3A_20 = arith.constant 0 : i32
    %scan3A_21 = arith.constant 79 : i32
    %scan3A_22 = arith.addi %scan3A_20, %scan3A_21 : i32
    %scan3A_23 = arith.constant 1 : i32
    scf.for %scan3A_59 = %scan3A_20 to %scan3A_22 step %scan3A_23  : i32 {
      %rem3A = arith.constant 2 : i32
      %rem3A_60 = arith.remsi %scan3A_59, %rem3A : i32
      %add3A_61 = arith.constant 1 : i32
      %add3A_62 = arith.addi %scan3A_59, %add3A_61 : i32
      %rem3A_63 = arith.constant 2 : i32
      %rem3A_64 = arith.remsi %add3A_62, %rem3A_63 : i32
      %add3A_65 = arith.constant 1 : i32
      %add3A_66 = arith.addi %scan3A_59, %add3A_65 : i32
      %lt3A = arith.constant 79 : i32
      %lt3A_67 = arith.cmpi slt, %add3A_66, %lt3A : i32
      %convert_element_type3A = arith.extui %lt3A_67 : i1 to i32
      %cond3A = arith.constant 0 : i32
      %cond3A_68 = arith.cmpi ne, %convert_element_type3A, %cond3A : i32
      scf.if %cond3A_68 {
        %ge3A = arith.constant 1 : i32
        %ge3A_93 = arith.cmpi sge, %scan3A_59, %ge3A : i32
        %convert_element_type3A_94 = arith.extui %ge3A_93 : i1 to i32
        %cond3A_95 = arith.constant 0 : i32
        %cond3A_96 = arith.cmpi ne, %convert_element_type3A_94, %cond3A_95 : i32
        scf.if %cond3A_96 {
          %dma_wait3A_113 = arith.constant 0 : i32
          %dma_wait3A_114 = arith.constant 0 : i32
          %dma_wait3A_115 = tpu.memref_slice %arg9[%rem3A_64, %dma_wait3A_113, %dma_wait3A_114] : memref<2x128x128xf32, #tpu.memory_space<vmem>> -> memref<1x128x128xf32, #tpu.memory_space<vmem>>
          %dma_wait3A_116 = tpu.memref_squeeze %dma_wait3A_115 : memref<1x128x128xf32, #tpu.memory_space<vmem>> -> memref<128x128xf32, #tpu.memory_space<vmem>>
          %dma_wait3A_117 = arith.constant 0 : i32
          %dma_wait3A_118 = tpu.memref_slice %arg8[%rem3A_64, %dma_wait3A_117] : memref<2x128xi32, #tpu.memory_space<vmem>> -> memref<1x128xi32, #tpu.memory_space<vmem>>
          %dma_wait3A_119 = tpu.memref_squeeze %dma_wait3A_118 : memref<1x128xi32, #tpu.memory_space<vmem>> -> memref<128xi32, #tpu.memory_space<vmem>>
          %dma_wait3A_120 = arith.constant 0 : i32
          %dma_wait3A_121 = arith.constant 0 : i32
          %dma_wait3A_122 = tpu.memref_slice %arg10[%dma_wait3A_120, %dma_wait3A_121] : memref<10240x128xf32, #tpu.memory_space<vmem_shared>> -> memref<10240x128xf32, #tpu.memory_space<vmem_shared>>
          %dma_wait3A_123 = tpu.memref_slice %arg12[%rem3A_64] : memref<2x!tpu.dma_semaphore, #tpu.memory_space<semaphore_mem>> -> memref<1x!tpu.dma_semaphore, #tpu.memory_space<semaphore_mem>>
          %dma_wait3A_124 = tpu.memref_squeeze %dma_wait3A_123 : memref<1x!tpu.dma_semaphore, #tpu.memory_space<semaphore_mem>> -> memref<!tpu.dma_semaphore, #tpu.memory_space<semaphore_mem>>
          tpu.wait_indirect_dma semaphore(%dma_wait3A_124 : memref<!tpu.dma_semaphore, #tpu.memory_space<semaphore_mem>>) src(%dma_wait3A_116 : memref<128x128xf32, #tpu.memory_space<vmem>>) dst(%dma_wait3A_122 : memref<10240x128xf32, #tpu.memory_space<vmem_shared>>)
        } else {
        }
        %add3A_97 = arith.constant 1 : i32
        %add3A_98 = arith.addi %scan3A_59, %add3A_97 : i32
        "tpu.region"() ({
          %run_scoped3A_113 = tpu.sem_alloc : memref<!tpu.dma_semaphore, #tpu.memory_space<semaphore_mem>>
          %dma_start3A_114 = arith.constant 0 : i32
          %dma_start3A_115 = tpu.memref_slice %arg7[%rem3A_64, %dma_start3A_114] : memref<2x128xi32, #tpu.memory_space<vmem>> -> memref<1x128xi32, #tpu.memory_space<vmem>>
          %dma_start3A_116 = tpu.memref_squeeze %dma_start3A_115 : memref<1x128xi32, #tpu.memory_space<vmem>> -> memref<128xi32, #tpu.memory_space<vmem>>
          %dma_start3A_117 = arith.constant 0 : i32
          %dma_start3A_118 = tpu.memref_slice %arg3[%add3A, %add3A_98, %dma_start3A_117] : memref<32x79x128xi32, #tpu.memory_space<hbm>> -> memref<1x1x128xi32, #tpu.memory_space<hbm>>
          %dma_start3A_119 = tpu.memref_squeeze %dma_start3A_118 : memref<1x1x128xi32, #tpu.memory_space<hbm>> -> memref<128xi32, #tpu.memory_space<hbm>>
          %dma_start3A_120 = arith.constant 0 : i32
          %dma_start3A_121 = tpu.memref_slice %arg7[%rem3A_64, %dma_start3A_120] : memref<2x128xi32, #tpu.memory_space<vmem>> -> memref<1x128xi32, #tpu.memory_space<vmem>>
          %dma_start3A_122 = tpu.memref_squeeze %dma_start3A_121 : memref<1x128xi32, #tpu.memory_space<vmem>> -> memref<128xi32, #tpu.memory_space<vmem>>
          %dma_start3A_123 = arith.constant 0 : i32
          %dma_start3A_124 = tpu.memref_slice %arg3[%add3A, %add3A_98, %dma_start3A_123] : memref<32x79x128xi32, #tpu.memory_space<hbm>> -> memref<1x1x128xi32, #tpu.memory_space<hbm>>
          %dma_start3A_125 = tpu.memref_squeeze %dma_start3A_124 : memref<1x1x128xi32, #tpu.memory_space<hbm>> -> memref<128xi32, #tpu.memory_space<hbm>>
          tpu.enqueue_dma source(%dma_start3A_125 : memref<128xi32, #tpu.memory_space<hbm>>) target(%dma_start3A_122 : memref<128xi32, #tpu.memory_space<vmem>>) target_semaphore(%run_scoped3A_113 : memref<!tpu.dma_semaphore, #tpu.memory_space<semaphore_mem>>)
          %dma_wait3A_126 = arith.constant 0 : i32
          %dma_wait3A_127 = tpu.memref_slice %arg7[%rem3A_64, %dma_wait3A_126] : memref<2x128xi32, #tpu.memory_space<vmem>> -> memref<1x128xi32, #tpu.memory_space<vmem>>
          %dma_wait3A_128 = tpu.memref_squeeze %dma_wait3A_127 : memref<1x128xi32, #tpu.memory_space<vmem>> -> memref<128xi32, #tpu.memory_space<vmem>>
          %dma_wait3A_129 = arith.constant 0 : i32
          %dma_wait3A_130 = tpu.memref_slice %arg3[%add3A, %add3A_98, %dma_wait3A_129] : memref<32x79x128xi32, #tpu.memory_space<hbm>> -> memref<1x1x128xi32, #tpu.memory_space<hbm>>
          %dma_wait3A_131 = tpu.memref_squeeze %dma_wait3A_130 : memref<1x1x128xi32, #tpu.memory_space<hbm>> -> memref<128xi32, #tpu.memory_space<hbm>>
          %dma_wait3A_132 = arith.constant 0 : i32
          %dma_wait3A_133 = tpu.memref_slice %arg7[%rem3A_64, %dma_wait3A_132] : memref<2x128xi32, #tpu.memory_space<vmem>> -> memref<1x128xi32, #tpu.memory_space<vmem>>
          %dma_wait3A_134 = tpu.memref_squeeze %dma_wait3A_133 : memref<1x128xi32, #tpu.memory_space<vmem>> -> memref<128xi32, #tpu.memory_space<vmem>>
          %dma_wait3A_135 = arith.constant 0 : i32
          %dma_wait3A_136 = tpu.memref_slice %arg3[%add3A, %add3A_98, %dma_wait3A_135] : memref<32x79x128xi32, #tpu.memory_space<hbm>> -> memref<1x1x128xi32, #tpu.memory_space<hbm>>
          %dma_wait3A_137 = tpu.memref_squeeze %dma_wait3A_136 : memref<1x1x128xi32, #tpu.memory_space<hbm>> -> memref<128xi32, #tpu.memory_space<hbm>>
          tpu.wait_dma2 semaphore(%run_scoped3A_113 : memref<!tpu.dma_semaphore, #tpu.memory_space<semaphore_mem>>) src(%dma_wait3A_137 : memref<128xi32, #tpu.memory_space<hbm>>) dst(%dma_wait3A_134 : memref<128xi32, #tpu.memory_space<vmem>>)
          tpu.yield
        }) : () -> ()
        %add3A_99 = arith.constant 1 : i32
        %add3A_100 = arith.addi %scan3A_59, %add3A_99 : i32
        "tpu.region"() ({
          %run_scoped3A_113 = tpu.sem_alloc : memref<!tpu.dma_semaphore, #tpu.memory_space<semaphore_mem>>
          %dma_start3A_114 = arith.constant 0 : i32
          %dma_start3A_115 = tpu.memref_slice %arg8[%rem3A_64, %dma_start3A_114] : memref<2x128xi32, #tpu.memory_space<vmem>> -> memref<1x128xi32, #tpu.memory_space<vmem>>
          %dma_start3A_116 = tpu.memref_squeeze %dma_start3A_115 : memref<1x128xi32, #tpu.memory_space<vmem>> -> memref<128xi32, #tpu.memory_space<vmem>>
          %dma_start3A_117 = arith.constant 0 : i32
          %dma_start3A_118 = tpu.memref_slice %arg4[%add3A, %add3A_100, %dma_start3A_117] : memref<32x79x128xi32, #tpu.memory_space<hbm>> -> memref<1x1x128xi32, #tpu.memory_space<hbm>>
          %dma_start3A_119 = tpu.memref_squeeze %dma_start3A_118 : memref<1x1x128xi32, #tpu.memory_space<hbm>> -> memref<128xi32, #tpu.memory_space<hbm>>
          %dma_start3A_120 = arith.constant 0 : i32
          %dma_start3A_121 = tpu.memref_slice %arg8[%rem3A_64, %dma_start3A_120] : memref<2x128xi32, #tpu.memory_space<vmem>> -> memref<1x128xi32, #tpu.memory_space<vmem>>
          %dma_start3A_122 = tpu.memref_squeeze %dma_start3A_121 : memref<1x128xi32, #tpu.memory_space<vmem>> -> memref<128xi32, #tpu.memory_space<vmem>>
          %dma_start3A_123 = arith.constant 0 : i32
          %dma_start3A_124 = tpu.memref_slice %arg4[%add3A, %add3A_100, %dma_start3A_123] : memref<32x79x128xi32, #tpu.memory_space<hbm>> -> memref<1x1x128xi32, #tpu.memory_space<hbm>>
          %dma_start3A_125 = tpu.memref_squeeze %dma_start3A_124 : memref<1x1x128xi32, #tpu.memory_space<hbm>> -> memref<128xi32, #tpu.memory_space<hbm>>
          tpu.enqueue_dma source(%dma_start3A_125 : memref<128xi32, #tpu.memory_space<hbm>>) target(%dma_start3A_122 : memref<128xi32, #tpu.memory_space<vmem>>) target_semaphore(%run_scoped3A_113 : memref<!tpu.dma_semaphore, #tpu.memory_space<semaphore_mem>>)
          %dma_wait3A_126 = arith.constant 0 : i32
          %dma_wait3A_127 = tpu.memref_slice %arg8[%rem3A_64, %dma_wait3A_126] : memref<2x128xi32, #tpu.memory_space<vmem>> -> memref<1x128xi32, #tpu.memory_space<vmem>>
          %dma_wait3A_128 = tpu.memref_squeeze %dma_wait3A_127 : memref<1x128xi32, #tpu.memory_space<vmem>> -> memref<128xi32, #tpu.memory_space<vmem>>
          %dma_wait3A_129 = arith.constant 0 : i32
          %dma_wait3A_130 = tpu.memref_slice %arg4[%add3A, %add3A_100, %dma_wait3A_129] : memref<32x79x128xi32, #tpu.memory_space<hbm>> -> memref<1x1x128xi32, #tpu.memory_space<hbm>>
          %dma_wait3A_131 = tpu.memref_squeeze %dma_wait3A_130 : memref<1x1x128xi32, #tpu.memory_space<hbm>> -> memref<128xi32, #tpu.memory_space<hbm>>
          %dma_wait3A_132 = arith.constant 0 : i32
          %dma_wait3A_133 = tpu.memref_slice %arg8[%rem3A_64, %dma_wait3A_132] : memref<2x128xi32, #tpu.memory_space<vmem>> -> memref<1x128xi32, #tpu.memory_space<vmem>>
          %dma_wait3A_134 = tpu.memref_squeeze %dma_wait3A_133 : memref<1x128xi32, #tpu.memory_space<vmem>> -> memref<128xi32, #tpu.memory_space<vmem>>
          %dma_wait3A_135 = arith.constant 0 : i32
          %dma_wait3A_136 = tpu.memref_slice %arg4[%add3A, %add3A_100, %dma_wait3A_135] : memref<32x79x128xi32, #tpu.memory_space<hbm>> -> memref<1x1x128xi32, #tpu.memory_space<hbm>>
          %dma_wait3A_137 = tpu.memref_squeeze %dma_wait3A_136 : memref<1x1x128xi32, #tpu.memory_space<hbm>> -> memref<128xi32, #tpu.memory_space<hbm>>
          tpu.wait_dma2 semaphore(%run_scoped3A_113 : memref<!tpu.dma_semaphore, #tpu.memory_space<semaphore_mem>>) src(%dma_wait3A_137 : memref<128xi32, #tpu.memory_space<hbm>>) dst(%dma_wait3A_134 : memref<128xi32, #tpu.memory_space<vmem>>)
          tpu.yield
        }) : () -> ()
        %dma_start3A_101 = arith.constant 0 : i32
        %dma_start3A_102 = arith.constant 0 : i32
        %dma_start3A_103 = tpu.memref_slice %arg9[%rem3A_64, %dma_start3A_101, %dma_start3A_102] : memref<2x128x128xf32, #tpu.memory_space<vmem>> -> memref<1x128x128xf32, #tpu.memory_space<vmem>>
        %dma_start3A_104 = tpu.memref_squeeze %dma_start3A_103 : memref<1x128x128xf32, #tpu.memory_space<vmem>> -> memref<128x128xf32, #tpu.memory_space<vmem>>
        %dma_start3A_105 = arith.constant 0 : i32
        %dma_start3A_106 = tpu.memref_slice %arg7[%rem3A_64, %dma_start3A_105] : memref<2x128xi32, #tpu.memory_space<vmem>> -> memref<1x128xi32, #tpu.memory_space<vmem>>
        %dma_start3A_107 = tpu.memref_squeeze %dma_start3A_106 : memref<1x128xi32, #tpu.memory_space<vmem>> -> memref<128xi32, #tpu.memory_space<vmem>>
        %dma_start3A_108 = arith.constant 0 : i32
        %dma_start3A_109 = arith.constant 0 : i32
        %dma_start3A_110 = tpu.memref_slice %arg2[%dma_start3A_108, %dma_start3A_109] : memref<10240x128xf32, #tpu.memory_space<hbm>> -> memref<10240x128xf32, #tpu.memory_space<hbm>>
        %dma_start3A_111 = tpu.memref_slice %arg11[%rem3A_64] : memref<2x!tpu.dma_semaphore, #tpu.memory_space<semaphore_mem>> -> memref<1x!tpu.dma_semaphore, #tpu.memory_space<semaphore_mem>>
        %dma_start3A_112 = tpu.memref_squeeze %dma_start3A_111 : memref<1x!tpu.dma_semaphore, #tpu.memory_space<semaphore_mem>> -> memref<!tpu.dma_semaphore, #tpu.memory_space<semaphore_mem>>
        tpu.enqueue_indirect_dma source(%dma_start3A_110 : memref<10240x128xf32, #tpu.memory_space<hbm>>) target(%dma_start3A_104 : memref<128x128xf32, #tpu.memory_space<vmem>>) offsets(%dma_start3A_107 : memref<128xi32, #tpu.memory_space<vmem>>) semaphore(%dma_start3A_112 : memref<!tpu.dma_semaphore, #tpu.memory_space<semaphore_mem>>)
      } else {
      }
      %dma_wait3A_69 = arith.constant 0 : i32
      %dma_wait3A_70 = arith.constant 0 : i32
      %dma_wait3A_71 = tpu.memref_slice %arg9[%rem3A_60, %dma_wait3A_69, %dma_wait3A_70] : memref<2x128x128xf32, #tpu.memory_space<vmem>> -> memref<1x128x128xf32, #tpu.memory_space<vmem>>
      %dma_wait3A_72 = tpu.memref_squeeze %dma_wait3A_71 : memref<1x128x128xf32, #tpu.memory_space<vmem>> -> memref<128x128xf32, #tpu.memory_space<vmem>>
      %dma_wait3A_73 = arith.constant 0 : i32
      %dma_wait3A_74 = tpu.memref_slice %arg7[%rem3A_60, %dma_wait3A_73] : memref<2x128xi32, #tpu.memory_space<vmem>> -> memref<1x128xi32, #tpu.memory_space<vmem>>
      %dma_wait3A_75 = tpu.memref_squeeze %dma_wait3A_74 : memref<1x128xi32, #tpu.memory_space<vmem>> -> memref<128xi32, #tpu.memory_space<vmem>>
      %dma_wait3A_76 = arith.constant 0 : i32
      %dma_wait3A_77 = arith.constant 0 : i32
      %dma_wait3A_78 = tpu.memref_slice %arg2[%dma_wait3A_76, %dma_wait3A_77] : memref<10240x128xf32, #tpu.memory_space<hbm>> -> memref<10240x128xf32, #tpu.memory_space<hbm>>
      %dma_wait3A_79 = tpu.memref_slice %arg11[%rem3A_60] : memref<2x!tpu.dma_semaphore, #tpu.memory_space<semaphore_mem>> -> memref<1x!tpu.dma_semaphore, #tpu.memory_space<semaphore_mem>>
      %dma_wait3A_80 = tpu.memref_squeeze %dma_wait3A_79 : memref<1x!tpu.dma_semaphore, #tpu.memory_space<semaphore_mem>> -> memref<!tpu.dma_semaphore, #tpu.memory_space<semaphore_mem>>
      tpu.wait_indirect_dma semaphore(%dma_wait3A_80 : memref<!tpu.dma_semaphore, #tpu.memory_space<semaphore_mem>>) src(%dma_wait3A_78 : memref<10240x128xf32, #tpu.memory_space<hbm>>) dst(%dma_wait3A_72 : memref<128x128xf32, #tpu.memory_space<vmem>>)
      %dma_start3A_81 = arith.constant 0 : i32
      %dma_start3A_82 = arith.constant 0 : i32
      %dma_start3A_83 = tpu.memref_slice %arg9[%rem3A_60, %dma_start3A_81, %dma_start3A_82] : memref<2x128x128xf32, #tpu.memory_space<vmem>> -> memref<1x128x128xf32, #tpu.memory_space<vmem>>
      %dma_start3A_84 = tpu.memref_squeeze %dma_start3A_83 : memref<1x128x128xf32, #tpu.memory_space<vmem>> -> memref<128x128xf32, #tpu.memory_space<vmem>>
      %dma_start3A_85 = arith.constant 0 : i32
      %dma_start3A_86 = tpu.memref_slice %arg8[%rem3A_60, %dma_start3A_85] : memref<2x128xi32, #tpu.memory_space<vmem>> -> memref<1x128xi32, #tpu.memory_space<vmem>>
      %dma_start3A_87 = tpu.memref_squeeze %dma_start3A_86 : memref<1x128xi32, #tpu.memory_space<vmem>> -> memref<128xi32, #tpu.memory_space<vmem>>
      %dma_start3A_88 = arith.constant 0 : i32
      %dma_start3A_89 = arith.constant 0 : i32
      %dma_start3A_90 = tpu.memref_slice %arg10[%dma_start3A_88, %dma_start3A_89] : memref<10240x128xf32, #tpu.memory_space<vmem_shared>> -> memref<10240x128xf32, #tpu.memory_space<vmem_shared>>
      %dma_start3A_91 = tpu.memref_slice %arg12[%rem3A_60] : memref<2x!tpu.dma_semaphore, #tpu.memory_space<semaphore_mem>> -> memref<1x!tpu.dma_semaphore, #tpu.memory_space<semaphore_mem>>
      %dma_start3A_92 = tpu.memref_squeeze %dma_start3A_91 : memref<1x!tpu.dma_semaphore, #tpu.memory_space<semaphore_mem>> -> memref<!tpu.dma_semaphore, #tpu.memory_space<semaphore_mem>>
      tpu.enqueue_indirect_dma source(%dma_start3A_84 : memref<128x128xf32, #tpu.memory_space<vmem>>) target(%dma_start3A_90 : memref<10240x128xf32, #tpu.memory_space<vmem_shared>>) offsets(%dma_start3A_87 : memref<128xi32, #tpu.memory_space<vmem>>) semaphore(%dma_start3A_92 : memref<!tpu.dma_semaphore, #tpu.memory_space<semaphore_mem>>) {add = true}
    }
    %scan3A_24 = arith.constant 79 : i32
    %dma_wait3A = arith.constant 1 : i32
    %dma_wait3A_25 = arith.constant 1 : i32
    %dma_wait3A_26 = arith.constant 1 : i32
    %dma_wait3A_27 = arith.constant 0 : i32
    %dma_wait3A_28 = arith.constant 0 : i32
    %dma_wait3A_29 = tpu.memref_slice %arg9[%dma_wait3A, %dma_wait3A_27, %dma_wait3A_28] : memref<2x128x128xf32, #tpu.memory_space<vmem>> -> memref<1x128x128xf32, #tpu.memory_space<vmem>>
    %dma_wait3A_30 = tpu.memref_squeeze %dma_wait3A_29 : memref<1x128x128xf32, #tpu.memory_space<vmem>> -> memref<128x128xf32, #tpu.memory_space<vmem>>
    %dma_wait3A_31 = arith.constant 0 : i32
    %dma_wait3A_32 = tpu.memref_slice %arg8[%dma_wait3A_25, %dma_wait3A_31] : memref<2x128xi32, #tpu.memory_space<vmem>> -> memref<1x128xi32, #tpu.memory_space<vmem>>
    %dma_wait3A_33 = tpu.memref_squeeze %dma_wait3A_32 : memref<1x128xi32, #tpu.memory_space<vmem>> -> memref<128xi32, #tpu.memory_space<vmem>>
    %dma_wait3A_34 = arith.constant 0 : i32
    %dma_wait3A_35 = arith.constant 0 : i32
    %dma_wait3A_36 = tpu.memref_slice %arg10[%dma_wait3A_34, %dma_wait3A_35] : memref<10240x128xf32, #tpu.memory_space<vmem_shared>> -> memref<10240x128xf32, #tpu.memory_space<vmem_shared>>
    %dma_wait3A_37 = tpu.memref_slice %arg12[%dma_wait3A_26] : memref<2x!tpu.dma_semaphore, #tpu.memory_space<semaphore_mem>> -> memref<1x!tpu.dma_semaphore, #tpu.memory_space<semaphore_mem>>
    %dma_wait3A_38 = tpu.memref_squeeze %dma_wait3A_37 : memref<1x!tpu.dma_semaphore, #tpu.memory_space<semaphore_mem>> -> memref<!tpu.dma_semaphore, #tpu.memory_space<semaphore_mem>>
    tpu.wait_indirect_dma semaphore(%dma_wait3A_38 : memref<!tpu.dma_semaphore, #tpu.memory_space<semaphore_mem>>) src(%dma_wait3A_30 : memref<128x128xf32, #tpu.memory_space<vmem>>) dst(%dma_wait3A_36 : memref<10240x128xf32, #tpu.memory_space<vmem_shared>>)
    %dma_wait3A_39 = arith.constant 0 : i32
    %dma_wait3A_40 = arith.constant 0 : i32
    %dma_wait3A_41 = arith.constant 0 : i32
    %dma_wait3A_42 = arith.constant 0 : i32
    %dma_wait3A_43 = arith.constant 0 : i32
    %dma_wait3A_44 = tpu.memref_slice %arg9[%dma_wait3A_39, %dma_wait3A_42, %dma_wait3A_43] : memref<2x128x128xf32, #tpu.memory_space<vmem>> -> memref<1x128x128xf32, #tpu.memory_space<vmem>>
    %dma_wait3A_45 = tpu.memref_squeeze %dma_wait3A_44 : memref<1x128x128xf32, #tpu.memory_space<vmem>> -> memref<128x128xf32, #tpu.memory_space<vmem>>
    %dma_wait3A_46 = arith.constant 0 : i32
    %dma_wait3A_47 = tpu.memref_slice %arg8[%dma_wait3A_40, %dma_wait3A_46] : memref<2x128xi32, #tpu.memory_space<vmem>> -> memref<1x128xi32, #tpu.memory_space<vmem>>
    %dma_wait3A_48 = tpu.memref_squeeze %dma_wait3A_47 : memref<1x128xi32, #tpu.memory_space<vmem>> -> memref<128xi32, #tpu.memory_space<vmem>>
    %dma_wait3A_49 = arith.constant 0 : i32
    %dma_wait3A_50 = arith.constant 0 : i32
    %dma_wait3A_51 = tpu.memref_slice %arg10[%dma_wait3A_49, %dma_wait3A_50] : memref<10240x128xf32, #tpu.memory_space<vmem_shared>> -> memref<10240x128xf32, #tpu.memory_space<vmem_shared>>
    %dma_wait3A_52 = tpu.memref_slice %arg12[%dma_wait3A_41] : memref<2x!tpu.dma_semaphore, #tpu.memory_space<semaphore_mem>> -> memref<1x!tpu.dma_semaphore, #tpu.memory_space<semaphore_mem>>
    %dma_wait3A_53 = tpu.memref_squeeze %dma_wait3A_52 : memref<1x!tpu.dma_semaphore, #tpu.memory_space<semaphore_mem>> -> memref<!tpu.dma_semaphore, #tpu.memory_space<semaphore_mem>>
    tpu.wait_indirect_dma semaphore(%dma_wait3A_53 : memref<!tpu.dma_semaphore, #tpu.memory_space<semaphore_mem>>) src(%dma_wait3A_45 : memref<128x128xf32, #tpu.memory_space<vmem>>) dst(%dma_wait3A_51 : memref<10240x128xf32, #tpu.memory_space<vmem_shared>>)
    %barrier3A_54 = arith.constant 0 : index
    tpu.barrier barrier_id(%barrier3A_54)
    %mul3A_55 = arith.constant 640 : i32
    %mul3A_56 = arith.muli %arg1, %mul3A_55 : i32
    %mul3A_57 = arith.constant 640 : i32
    %mul3A_58 = arith.muli %arg1, %mul3A_57 : i32
    "tpu.region"() ({
      %run_scoped3A_59 = tpu.sem_alloc : memref<!tpu.dma_semaphore, #tpu.memory_space<semaphore_mem>>
      %dma_start3A_60 = arith.constant 0 : i32
      %dma_start3A_61 = tpu.memref_slice %arg6[%arg0, %mul3A_58, %dma_start3A_60] : memref<2x10240x128xf32, #tpu.memory_space<hbm>> -> memref<1x640x128xf32, #tpu.memory_space<hbm>>
      %dma_start3A_62 = tpu.memref_squeeze %dma_start3A_61 : memref<1x640x128xf32, #tpu.memory_space<hbm>> -> memref<640x128xf32, #tpu.memory_space<hbm>>
      %dma_start3A_63 = arith.constant 0 : i32
      %dma_start3A_64 = tpu.memref_slice %arg10[%mul3A_56, %dma_start3A_63] : memref<10240x128xf32, #tpu.memory_space<vmem_shared>> -> memref<640x128xf32, #tpu.memory_space<vmem_shared>>
      tpu.enqueue_dma source(%dma_start3A_64 : memref<640x128xf32, #tpu.memory_space<vmem_shared>>) target(%dma_start3A_62 : memref<640x128xf32, #tpu.memory_space<hbm>>) target_semaphore(%run_scoped3A_59 : memref<!tpu.dma_semaphore, #tpu.memory_space<semaphore_mem>>)
      %dma_wait3A_65 = arith.constant 0 : i32
      %dma_wait3A_66 = tpu.memref_slice %arg6[%arg0, %mul3A_58, %dma_wait3A_65] : memref<2x10240x128xf32, #tpu.memory_space<hbm>> -> memref<1x640x128xf32, #tpu.memory_space<hbm>>
      %dma_wait3A_67 = tpu.memref_squeeze %dma_wait3A_66 : memref<1x640x128xf32, #tpu.memory_space<hbm>> -> memref<640x128xf32, #tpu.memory_space<hbm>>
      %dma_wait3A_68 = arith.constant 0 : i32
      %dma_wait3A_69 = tpu.memref_slice %arg10[%mul3A_56, %dma_wait3A_68] : memref<10240x128xf32, #tpu.memory_space<vmem_shared>> -> memref<640x128xf32, #tpu.memory_space<vmem_shared>>
      tpu.wait_dma2 semaphore(%run_scoped3A_59 : memref<!tpu.dma_semaphore, #tpu.memory_space<semaphore_mem>>) src(%dma_wait3A_69 : memref<640x128xf32, #tpu.memory_space<vmem_shared>>) dst(%dma_wait3A_67 : memref<640x128xf32, #tpu.memory_space<hbm>>)
      tpu.yield
    }) : () -> ()
    return
  }
}

#map = affine_map<(d0, d1) -> (0, 0)>
#map1 = affine_map<(d0, d1) -> (0)>
#map2 = affine_map<(d0, d1) -> (0, 0, 0)>
module attributes {stable_mosaic.version = 14 : i64} {
  func.func @body(%arg0: i32, %arg1: i32, %arg2: memref<10240x128xf32, #tpu.memory_space<hbm>>, %arg3: memref<10240x128xf32, #tpu.memory_space<hbm>>, %arg4: memref<10240x128xf32, #tpu.memory_space<hbm>>, %arg5: memref<10240x128xf32, #tpu.memory_space<hbm>>, %arg6: memref<10240x128xf32, #tpu.memory_space<hbm>>, %arg7: memref<1024xi32, #tpu.memory_space<hbm>>, %arg8: memref<5x1024x128xf32, #tpu.memory_space<hbm>>, %arg9: memref<32xi32, #tpu.memory_space<vmem>>, %arg10: memref<32x128xf32, #tpu.memory_space<vmem>>, %arg11: memref<!tpu.dma_semaphore, #tpu.memory_space<semaphore_mem>>) attributes {dimension_semantics = [#tpu.dimension_semantics<core_parallel>, #tpu.dimension_semantics<subcore_parallel>], iteration_bounds = array<i64: 2, 16>, scalar_prefetch = 0 : i64, scratch_operands = 3 : i64, tpu.core_type = #tpu.core_type<sc_vector_subcore>, window_params = [{transform_indices = #map}, {transform_indices = #map}, {transform_indices = #map}, {transform_indices = #map}, {transform_indices = #map}, {transform_indices = #map1}, {transform_indices = #map2}]} {
    %mul3A = arith.constant 16 : i32
    %mul3A_0 = arith.muli %arg0, %mul3A : i32
    %add3A = arith.addi %mul3A_0, %arg1 : i32
    %mul3A_1 = arith.constant 32 : i32
    %mul3A_2 = arith.muli %add3A, %mul3A_1 : i32
    "tpu.region"() ({
      %run_scoped3A_45 = tpu.sem_alloc : memref<!tpu.dma_semaphore, #tpu.memory_space<semaphore_mem>>
      %dma_start3A_46 = tpu.memref_slice %arg7[%mul3A_2] : memref<1024xi32, #tpu.memory_space<hbm>> -> memref<32xi32, #tpu.memory_space<hbm>>
      %dma_start3A_47 = tpu.memref_slice %arg7[%mul3A_2] : memref<1024xi32, #tpu.memory_space<hbm>> -> memref<32xi32, #tpu.memory_space<hbm>>
      tpu.enqueue_dma source(%dma_start3A_47 : memref<32xi32, #tpu.memory_space<hbm>>) target(%arg9 : memref<32xi32, #tpu.memory_space<vmem>>) target_semaphore(%run_scoped3A_45 : memref<!tpu.dma_semaphore, #tpu.memory_space<semaphore_mem>>)
      %dma_wait3A_48 = tpu.memref_slice %arg7[%mul3A_2] : memref<1024xi32, #tpu.memory_space<hbm>> -> memref<32xi32, #tpu.memory_space<hbm>>
      %dma_wait3A_49 = tpu.memref_slice %arg7[%mul3A_2] : memref<1024xi32, #tpu.memory_space<hbm>> -> memref<32xi32, #tpu.memory_space<hbm>>
      tpu.wait_dma2 semaphore(%run_scoped3A_45 : memref<!tpu.dma_semaphore, #tpu.memory_space<semaphore_mem>>) src(%dma_wait3A_49 : memref<32xi32, #tpu.memory_space<hbm>>) dst(%arg9 : memref<32xi32, #tpu.memory_space<vmem>>)
      tpu.yield
    }) : () -> ()
    %dma_start3A = arith.constant 0 : i32
    %dma_start3A_3 = arith.constant 0 : i32
    %dma_start3A_4 = tpu.memref_slice %arg2[%dma_start3A, %dma_start3A_3] : memref<10240x128xf32, #tpu.memory_space<hbm>> -> memref<10240x128xf32, #tpu.memory_space<hbm>>
    tpu.enqueue_indirect_dma source(%dma_start3A_4 : memref<10240x128xf32, #tpu.memory_space<hbm>>) target(%arg10 : memref<32x128xf32, #tpu.memory_space<vmem>>) offsets(%arg9 : memref<32xi32, #tpu.memory_space<vmem>>) semaphore(%arg11 : memref<!tpu.dma_semaphore, #tpu.memory_space<semaphore_mem>>)
    %dma_wait3A = arith.constant 0 : i32
    %dma_wait3A_5 = arith.constant 0 : i32
    %dma_wait3A_6 = tpu.memref_slice %arg2[%dma_wait3A, %dma_wait3A_5] : memref<10240x128xf32, #tpu.memory_space<hbm>> -> memref<10240x128xf32, #tpu.memory_space<hbm>>
    tpu.wait_indirect_dma semaphore(%arg11 : memref<!tpu.dma_semaphore, #tpu.memory_space<semaphore_mem>>) src(%dma_wait3A_6 : memref<10240x128xf32, #tpu.memory_space<hbm>>) dst(%arg10 : memref<32x128xf32, #tpu.memory_space<vmem>>)
    %mul3A_7 = arith.constant 32 : i32
    %mul3A_8 = arith.muli %add3A, %mul3A_7 : i32
    %run_scoped3A = arith.constant 0 : i32
    "tpu.region"() ({
      %run_scoped3A_45 = tpu.sem_alloc : memref<!tpu.dma_semaphore, #tpu.memory_space<semaphore_mem>>
      %dma_start3A_46 = arith.constant 0 : i32
      %dma_start3A_47 = tpu.memref_slice %arg8[%run_scoped3A, %mul3A_8, %dma_start3A_46] : memref<5x1024x128xf32, #tpu.memory_space<hbm>> -> memref<1x32x128xf32, #tpu.memory_space<hbm>>
      %dma_start3A_48 = tpu.memref_squeeze %dma_start3A_47 : memref<1x32x128xf32, #tpu.memory_space<hbm>> -> memref<32x128xf32, #tpu.memory_space<hbm>>
      %dma_start3A_49 = arith.constant 0 : i32
      %dma_start3A_50 = tpu.memref_slice %arg8[%run_scoped3A, %mul3A_8, %dma_start3A_49] : memref<5x1024x128xf32, #tpu.memory_space<hbm>> -> memref<1x32x128xf32, #tpu.memory_space<hbm>>
      %dma_start3A_51 = tpu.memref_squeeze %dma_start3A_50 : memref<1x32x128xf32, #tpu.memory_space<hbm>> -> memref<32x128xf32, #tpu.memory_space<hbm>>
      tpu.enqueue_dma source(%arg10 : memref<32x128xf32, #tpu.memory_space<vmem>>) target(%dma_start3A_51 : memref<32x128xf32, #tpu.memory_space<hbm>>) target_semaphore(%run_scoped3A_45 : memref<!tpu.dma_semaphore, #tpu.memory_space<semaphore_mem>>)
      %dma_wait3A_52 = arith.constant 0 : i32
      %dma_wait3A_53 = tpu.memref_slice %arg8[%run_scoped3A, %mul3A_8, %dma_wait3A_52] : memref<5x1024x128xf32, #tpu.memory_space<hbm>> -> memref<1x32x128xf32, #tpu.memory_space<hbm>>
      %dma_wait3A_54 = tpu.memref_squeeze %dma_wait3A_53 : memref<1x32x128xf32, #tpu.memory_space<hbm>> -> memref<32x128xf32, #tpu.memory_space<hbm>>
      %dma_wait3A_55 = arith.constant 0 : i32
      %dma_wait3A_56 = tpu.memref_slice %arg8[%run_scoped3A, %mul3A_8, %dma_wait3A_55] : memref<5x1024x128xf32, #tpu.memory_space<hbm>> -> memref<1x32x128xf32, #tpu.memory_space<hbm>>
      %dma_wait3A_57 = tpu.memref_squeeze %dma_wait3A_56 : memref<1x32x128xf32, #tpu.memory_space<hbm>> -> memref<32x128xf32, #tpu.memory_space<hbm>>
      tpu.wait_dma2 semaphore(%run_scoped3A_45 : memref<!tpu.dma_semaphore, #tpu.memory_space<semaphore_mem>>) src(%arg10 : memref<32x128xf32, #tpu.memory_space<vmem>>) dst(%dma_wait3A_57 : memref<32x128xf32, #tpu.memory_space<hbm>>)
      tpu.yield
    }) : () -> ()
    %dma_start3A_9 = arith.constant 0 : i32
    %dma_start3A_10 = arith.constant 0 : i32
    %dma_start3A_11 = tpu.memref_slice %arg3[%dma_start3A_9, %dma_start3A_10] : memref<10240x128xf32, #tpu.memory_space<hbm>> -> memref<10240x128xf32, #tpu.memory_space<hbm>>
    tpu.enqueue_indirect_dma source(%dma_start3A_11 : memref<10240x128xf32, #tpu.memory_space<hbm>>) target(%arg10 : memref<32x128xf32, #tpu.memory_space<vmem>>) offsets(%arg9 : memref<32xi32, #tpu.memory_space<vmem>>) semaphore(%arg11 : memref<!tpu.dma_semaphore, #tpu.memory_space<semaphore_mem>>)
    %dma_wait3A_12 = arith.constant 0 : i32
    %dma_wait3A_13 = arith.constant 0 : i32
    %dma_wait3A_14 = tpu.memref_slice %arg3[%dma_wait3A_12, %dma_wait3A_13] : memref<10240x128xf32, #tpu.memory_space<hbm>> -> memref<10240x128xf32, #tpu.memory_space<hbm>>
    tpu.wait_indirect_dma semaphore(%arg11 : memref<!tpu.dma_semaphore, #tpu.memory_space<semaphore_mem>>) src(%dma_wait3A_14 : memref<10240x128xf32, #tpu.memory_space<hbm>>) dst(%arg10 : memref<32x128xf32, #tpu.memory_space<vmem>>)
    %mul3A_15 = arith.constant 32 : i32
    %mul3A_16 = arith.muli %add3A, %mul3A_15 : i32
    %run_scoped3A_17 = arith.constant 1 : i32
    "tpu.region"() ({
      %run_scoped3A_45 = tpu.sem_alloc : memref<!tpu.dma_semaphore, #tpu.memory_space<semaphore_mem>>
      %dma_start3A_46 = arith.constant 0 : i32
      %dma_start3A_47 = tpu.memref_slice %arg8[%run_scoped3A_17, %mul3A_16, %dma_start3A_46] : memref<5x1024x128xf32, #tpu.memory_space<hbm>> -> memref<1x32x128xf32, #tpu.memory_space<hbm>>
      %dma_start3A_48 = tpu.memref_squeeze %dma_start3A_47 : memref<1x32x128xf32, #tpu.memory_space<hbm>> -> memref<32x128xf32, #tpu.memory_space<hbm>>
      %dma_start3A_49 = arith.constant 0 : i32
      %dma_start3A_50 = tpu.memref_slice %arg8[%run_scoped3A_17, %mul3A_16, %dma_start3A_49] : memref<5x1024x128xf32, #tpu.memory_space<hbm>> -> memref<1x32x128xf32, #tpu.memory_space<hbm>>
      %dma_start3A_51 = tpu.memref_squeeze %dma_start3A_50 : memref<1x32x128xf32, #tpu.memory_space<hbm>> -> memref<32x128xf32, #tpu.memory_space<hbm>>
      tpu.enqueue_dma source(%arg10 : memref<32x128xf32, #tpu.memory_space<vmem>>) target(%dma_start3A_51 : memref<32x128xf32, #tpu.memory_space<hbm>>) target_semaphore(%run_scoped3A_45 : memref<!tpu.dma_semaphore, #tpu.memory_space<semaphore_mem>>)
      %dma_wait3A_52 = arith.constant 0 : i32
      %dma_wait3A_53 = tpu.memref_slice %arg8[%run_scoped3A_17, %mul3A_16, %dma_wait3A_52] : memref<5x1024x128xf32, #tpu.memory_space<hbm>> -> memref<1x32x128xf32, #tpu.memory_space<hbm>>
      %dma_wait3A_54 = tpu.memref_squeeze %dma_wait3A_53 : memref<1x32x128xf32, #tpu.memory_space<hbm>> -> memref<32x128xf32, #tpu.memory_space<hbm>>
      %dma_wait3A_55 = arith.constant 0 : i32
      %dma_wait3A_56 = tpu.memref_slice %arg8[%run_scoped3A_17, %mul3A_16, %dma_wait3A_55] : memref<5x1024x128xf32, #tpu.memory_space<hbm>> -> memref<1x32x128xf32, #tpu.memory_space<hbm>>
      %dma_wait3A_57 = tpu.memref_squeeze %dma_wait3A_56 : memref<1x32x128xf32, #tpu.memory_space<hbm>> -> memref<32x128xf32, #tpu.memory_space<hbm>>
      tpu.wait_dma2 semaphore(%run_scoped3A_45 : memref<!tpu.dma_semaphore, #tpu.memory_space<semaphore_mem>>) src(%arg10 : memref<32x128xf32, #tpu.memory_space<vmem>>) dst(%dma_wait3A_57 : memref<32x128xf32, #tpu.memory_space<hbm>>)
      tpu.yield
    }) : () -> ()
    %dma_start3A_18 = arith.constant 0 : i32
    %dma_start3A_19 = arith.constant 0 : i32
    %dma_start3A_20 = tpu.memref_slice %arg4[%dma_start3A_18, %dma_start3A_19] : memref<10240x128xf32, #tpu.memory_space<hbm>> -> memref<10240x128xf32, #tpu.memory_space<hbm>>
    tpu.enqueue_indirect_dma source(%dma_start3A_20 : memref<10240x128xf32, #tpu.memory_space<hbm>>) target(%arg10 : memref<32x128xf32, #tpu.memory_space<vmem>>) offsets(%arg9 : memref<32xi32, #tpu.memory_space<vmem>>) semaphore(%arg11 : memref<!tpu.dma_semaphore, #tpu.memory_space<semaphore_mem>>)
    %dma_wait3A_21 = arith.constant 0 : i32
    %dma_wait3A_22 = arith.constant 0 : i32
    %dma_wait3A_23 = tpu.memref_slice %arg4[%dma_wait3A_21, %dma_wait3A_22] : memref<10240x128xf32, #tpu.memory_space<hbm>> -> memref<10240x128xf32, #tpu.memory_space<hbm>>
    tpu.wait_indirect_dma semaphore(%arg11 : memref<!tpu.dma_semaphore, #tpu.memory_space<semaphore_mem>>) src(%dma_wait3A_23 : memref<10240x128xf32, #tpu.memory_space<hbm>>) dst(%arg10 : memref<32x128xf32, #tpu.memory_space<vmem>>)
    %mul3A_24 = arith.constant 32 : i32
    %mul3A_25 = arith.muli %add3A, %mul3A_24 : i32
    %run_scoped3A_26 = arith.constant 2 : i32
    "tpu.region"() ({
      %run_scoped3A_45 = tpu.sem_alloc : memref<!tpu.dma_semaphore, #tpu.memory_space<semaphore_mem>>
      %dma_start3A_46 = arith.constant 0 : i32
      %dma_start3A_47 = tpu.memref_slice %arg8[%run_scoped3A_26, %mul3A_25, %dma_start3A_46] : memref<5x1024x128xf32, #tpu.memory_space<hbm>> -> memref<1x32x128xf32, #tpu.memory_space<hbm>>
      %dma_start3A_48 = tpu.memref_squeeze %dma_start3A_47 : memref<1x32x128xf32, #tpu.memory_space<hbm>> -> memref<32x128xf32, #tpu.memory_space<hbm>>
      %dma_start3A_49 = arith.constant 0 : i32
      %dma_start3A_50 = tpu.memref_slice %arg8[%run_scoped3A_26, %mul3A_25, %dma_start3A_49] : memref<5x1024x128xf32, #tpu.memory_space<hbm>> -> memref<1x32x128xf32, #tpu.memory_space<hbm>>
      %dma_start3A_51 = tpu.memref_squeeze %dma_start3A_50 : memref<1x32x128xf32, #tpu.memory_space<hbm>> -> memref<32x128xf32, #tpu.memory_space<hbm>>
      tpu.enqueue_dma source(%arg10 : memref<32x128xf32, #tpu.memory_space<vmem>>) target(%dma_start3A_51 : memref<32x128xf32, #tpu.memory_space<hbm>>) target_semaphore(%run_scoped3A_45 : memref<!tpu.dma_semaphore, #tpu.memory_space<semaphore_mem>>)
      %dma_wait3A_52 = arith.constant 0 : i32
      %dma_wait3A_53 = tpu.memref_slice %arg8[%run_scoped3A_26, %mul3A_25, %dma_wait3A_52] : memref<5x1024x128xf32, #tpu.memory_space<hbm>> -> memref<1x32x128xf32, #tpu.memory_space<hbm>>
      %dma_wait3A_54 = tpu.memref_squeeze %dma_wait3A_53 : memref<1x32x128xf32, #tpu.memory_space<hbm>> -> memref<32x128xf32, #tpu.memory_space<hbm>>
      %dma_wait3A_55 = arith.constant 0 : i32
      %dma_wait3A_56 = tpu.memref_slice %arg8[%run_scoped3A_26, %mul3A_25, %dma_wait3A_55] : memref<5x1024x128xf32, #tpu.memory_space<hbm>> -> memref<1x32x128xf32, #tpu.memory_space<hbm>>
      %dma_wait3A_57 = tpu.memref_squeeze %dma_wait3A_56 : memref<1x32x128xf32, #tpu.memory_space<hbm>> -> memref<32x128xf32, #tpu.memory_space<hbm>>
      tpu.wait_dma2 semaphore(%run_scoped3A_45 : memref<!tpu.dma_semaphore, #tpu.memory_space<semaphore_mem>>) src(%arg10 : memref<32x128xf32, #tpu.memory_space<vmem>>) dst(%dma_wait3A_57 : memref<32x128xf32, #tpu.memory_space<hbm>>)
      tpu.yield
    }) : () -> ()
    %dma_start3A_27 = arith.constant 0 : i32
    %dma_start3A_28 = arith.constant 0 : i32
    %dma_start3A_29 = tpu.memref_slice %arg5[%dma_start3A_27, %dma_start3A_28] : memref<10240x128xf32, #tpu.memory_space<hbm>> -> memref<10240x128xf32, #tpu.memory_space<hbm>>
    tpu.enqueue_indirect_dma source(%dma_start3A_29 : memref<10240x128xf32, #tpu.memory_space<hbm>>) target(%arg10 : memref<32x128xf32, #tpu.memory_space<vmem>>) offsets(%arg9 : memref<32xi32, #tpu.memory_space<vmem>>) semaphore(%arg11 : memref<!tpu.dma_semaphore, #tpu.memory_space<semaphore_mem>>)
    %dma_wait3A_30 = arith.constant 0 : i32
    %dma_wait3A_31 = arith.constant 0 : i32
    %dma_wait3A_32 = tpu.memref_slice %arg5[%dma_wait3A_30, %dma_wait3A_31] : memref<10240x128xf32, #tpu.memory_space<hbm>> -> memref<10240x128xf32, #tpu.memory_space<hbm>>
    tpu.wait_indirect_dma semaphore(%arg11 : memref<!tpu.dma_semaphore, #tpu.memory_space<semaphore_mem>>) src(%dma_wait3A_32 : memref<10240x128xf32, #tpu.memory_space<hbm>>) dst(%arg10 : memref<32x128xf32, #tpu.memory_space<vmem>>)
    %mul3A_33 = arith.constant 32 : i32
    %mul3A_34 = arith.muli %add3A, %mul3A_33 : i32
    %run_scoped3A_35 = arith.constant 3 : i32
    "tpu.region"() ({
      %run_scoped3A_45 = tpu.sem_alloc : memref<!tpu.dma_semaphore, #tpu.memory_space<semaphore_mem>>
      %dma_start3A_46 = arith.constant 0 : i32
      %dma_start3A_47 = tpu.memref_slice %arg8[%run_scoped3A_35, %mul3A_34, %dma_start3A_46] : memref<5x1024x128xf32, #tpu.memory_space<hbm>> -> memref<1x32x128xf32, #tpu.memory_space<hbm>>
      %dma_start3A_48 = tpu.memref_squeeze %dma_start3A_47 : memref<1x32x128xf32, #tpu.memory_space<hbm>> -> memref<32x128xf32, #tpu.memory_space<hbm>>
      %dma_start3A_49 = arith.constant 0 : i32
      %dma_start3A_50 = tpu.memref_slice %arg8[%run_scoped3A_35, %mul3A_34, %dma_start3A_49] : memref<5x1024x128xf32, #tpu.memory_space<hbm>> -> memref<1x32x128xf32, #tpu.memory_space<hbm>>
      %dma_start3A_51 = tpu.memref_squeeze %dma_start3A_50 : memref<1x32x128xf32, #tpu.memory_space<hbm>> -> memref<32x128xf32, #tpu.memory_space<hbm>>
      tpu.enqueue_dma source(%arg10 : memref<32x128xf32, #tpu.memory_space<vmem>>) target(%dma_start3A_51 : memref<32x128xf32, #tpu.memory_space<hbm>>) target_semaphore(%run_scoped3A_45 : memref<!tpu.dma_semaphore, #tpu.memory_space<semaphore_mem>>)
      %dma_wait3A_52 = arith.constant 0 : i32
      %dma_wait3A_53 = tpu.memref_slice %arg8[%run_scoped3A_35, %mul3A_34, %dma_wait3A_52] : memref<5x1024x128xf32, #tpu.memory_space<hbm>> -> memref<1x32x128xf32, #tpu.memory_space<hbm>>
      %dma_wait3A_54 = tpu.memref_squeeze %dma_wait3A_53 : memref<1x32x128xf32, #tpu.memory_space<hbm>> -> memref<32x128xf32, #tpu.memory_space<hbm>>
      %dma_wait3A_55 = arith.constant 0 : i32
      %dma_wait3A_56 = tpu.memref_slice %arg8[%run_scoped3A_35, %mul3A_34, %dma_wait3A_55] : memref<5x1024x128xf32, #tpu.memory_space<hbm>> -> memref<1x32x128xf32, #tpu.memory_space<hbm>>
      %dma_wait3A_57 = tpu.memref_squeeze %dma_wait3A_56 : memref<1x32x128xf32, #tpu.memory_space<hbm>> -> memref<32x128xf32, #tpu.memory_space<hbm>>
      tpu.wait_dma2 semaphore(%run_scoped3A_45 : memref<!tpu.dma_semaphore, #tpu.memory_space<semaphore_mem>>) src(%arg10 : memref<32x128xf32, #tpu.memory_space<vmem>>) dst(%dma_wait3A_57 : memref<32x128xf32, #tpu.memory_space<hbm>>)
      tpu.yield
    }) : () -> ()
    %dma_start3A_36 = arith.constant 0 : i32
    %dma_start3A_37 = arith.constant 0 : i32
    %dma_start3A_38 = tpu.memref_slice %arg6[%dma_start3A_36, %dma_start3A_37] : memref<10240x128xf32, #tpu.memory_space<hbm>> -> memref<10240x128xf32, #tpu.memory_space<hbm>>
    tpu.enqueue_indirect_dma source(%dma_start3A_38 : memref<10240x128xf32, #tpu.memory_space<hbm>>) target(%arg10 : memref<32x128xf32, #tpu.memory_space<vmem>>) offsets(%arg9 : memref<32xi32, #tpu.memory_space<vmem>>) semaphore(%arg11 : memref<!tpu.dma_semaphore, #tpu.memory_space<semaphore_mem>>)
    %dma_wait3A_39 = arith.constant 0 : i32
    %dma_wait3A_40 = arith.constant 0 : i32
    %dma_wait3A_41 = tpu.memref_slice %arg6[%dma_wait3A_39, %dma_wait3A_40] : memref<10240x128xf32, #tpu.memory_space<hbm>> -> memref<10240x128xf32, #tpu.memory_space<hbm>>
    tpu.wait_indirect_dma semaphore(%arg11 : memref<!tpu.dma_semaphore, #tpu.memory_space<semaphore_mem>>) src(%dma_wait3A_41 : memref<10240x128xf32, #tpu.memory_space<hbm>>) dst(%arg10 : memref<32x128xf32, #tpu.memory_space<vmem>>)
    %mul3A_42 = arith.constant 32 : i32
    %mul3A_43 = arith.muli %add3A, %mul3A_42 : i32
    %run_scoped3A_44 = arith.constant 4 : i32
    "tpu.region"() ({
      %run_scoped3A_45 = tpu.sem_alloc : memref<!tpu.dma_semaphore, #tpu.memory_space<semaphore_mem>>
      %dma_start3A_46 = arith.constant 0 : i32
      %dma_start3A_47 = tpu.memref_slice %arg8[%run_scoped3A_44, %mul3A_43, %dma_start3A_46] : memref<5x1024x128xf32, #tpu.memory_space<hbm>> -> memref<1x32x128xf32, #tpu.memory_space<hbm>>
      %dma_start3A_48 = tpu.memref_squeeze %dma_start3A_47 : memref<1x32x128xf32, #tpu.memory_space<hbm>> -> memref<32x128xf32, #tpu.memory_space<hbm>>
      %dma_start3A_49 = arith.constant 0 : i32
      %dma_start3A_50 = tpu.memref_slice %arg8[%run_scoped3A_44, %mul3A_43, %dma_start3A_49] : memref<5x1024x128xf32, #tpu.memory_space<hbm>> -> memref<1x32x128xf32, #tpu.memory_space<hbm>>
      %dma_start3A_51 = tpu.memref_squeeze %dma_start3A_50 : memref<1x32x128xf32, #tpu.memory_space<hbm>> -> memref<32x128xf32, #tpu.memory_space<hbm>>
      tpu.enqueue_dma source(%arg10 : memref<32x128xf32, #tpu.memory_space<vmem>>) target(%dma_start3A_51 : memref<32x128xf32, #tpu.memory_space<hbm>>) target_semaphore(%run_scoped3A_45 : memref<!tpu.dma_semaphore, #tpu.memory_space<semaphore_mem>>)
      %dma_wait3A_52 = arith.constant 0 : i32
      %dma_wait3A_53 = tpu.memref_slice %arg8[%run_scoped3A_44, %mul3A_43, %dma_wait3A_52] : memref<5x1024x128xf32, #tpu.memory_space<hbm>> -> memref<1x32x128xf32, #tpu.memory_space<hbm>>
      %dma_wait3A_54 = tpu.memref_squeeze %dma_wait3A_53 : memref<1x32x128xf32, #tpu.memory_space<hbm>> -> memref<32x128xf32, #tpu.memory_space<hbm>>
      %dma_wait3A_55 = arith.constant 0 : i32
      %dma_wait3A_56 = tpu.memref_slice %arg8[%run_scoped3A_44, %mul3A_43, %dma_wait3A_55] : memref<5x1024x128xf32, #tpu.memory_space<hbm>> -> memref<1x32x128xf32, #tpu.memory_space<hbm>>
      %dma_wait3A_57 = tpu.memref_squeeze %dma_wait3A_56 : memref<1x32x128xf32, #tpu.memory_space<hbm>> -> memref<32x128xf32, #tpu.memory_space<hbm>>
      tpu.wait_dma2 semaphore(%run_scoped3A_45 : memref<!tpu.dma_semaphore, #tpu.memory_space<semaphore_mem>>) src(%arg10 : memref<32x128xf32, #tpu.memory_space<vmem>>) dst(%dma_wait3A_57 : memref<32x128xf32, #tpu.memory_space<hbm>>)
      tpu.yield
    }) : () -> ()
    return
  }
}

module attributes {stable_mosaic.version = 14 : i64} {
  func.func @_mm_first_body(%arg0: i32, %arg1: memref<512x128xf32, #tpu.memory_space<vmem>>, %arg2: memref<128x256xf32, #tpu.memory_space<vmem>>, %arg3: memref<1x256xf32, #tpu.memory_space<vmem>>, %arg4: memref<512x128xf32, #tpu.memory_space<vmem>>, %arg5: memref<512x128xf32, #tpu.memory_space<vmem>>) attributes {dimension_semantics = [#tpu.dimension_semantics<arbitrary>], iteration_bounds = array<i64: 20>, scalar_prefetch = 0 : i64, scratch_operands = 0 : i64, tpu.core_type = #tpu.core_type<tc>, window_params = [{transform_indices = @transform_0, window_bounds = array<i64: 512, 128>}, {pipeline_mode = #tpu.pipeline_mode<synchronous>, transform_indices = @transform_1, window_bounds = array<i64: 128, 256>}, {pipeline_mode = #tpu.pipeline_mode<synchronous>, transform_indices = @transform_2, window_bounds = array<i64: 1, 256>}, {transform_indices = @transform_3, window_bounds = array<i64: 512, 128>}, {transform_indices = @transform_4, window_bounds = array<i64: 512, 128>}]} {
    %get3A = arith.constant 0 : index
    %get3A_0 = arith.constant 0 : index
    %get3A_1 = vector.load %arg1[%get3A, %get3A_0] : memref<512x128xf32, #tpu.memory_space<vmem>>, vector<512x128xf32>
    %get3A_2 = arith.constant 0 : index
    %get3A_3 = arith.constant 0 : index
    %get3A_4 = vector.load %arg2[%get3A_2, %get3A_3] : memref<128x256xf32, #tpu.memory_space<vmem>>, vector<128x256xf32>
    %dot_general3A = arith.constant dense<0.000000e+00> : vector<512x256xf32>
    %dot_general3A_5 = tpu.matmul %get3A_1, %get3A_4, %dot_general3A {dimension_numbers = #tpu.dot_dimension_numbers<[1], [0], [0], [1], [0, 0, 1, 1], [], []>, transpose_lhs_hint = false} : vector<512x128xf32>, vector<128x256xf32>, vector<512x256xf32> -> vector<512x256xf32>
    %get3A_6 = arith.constant 0 : index
    %get3A_7 = arith.constant 0 : index
    %get3A_8 = vector.load %arg3[%get3A_6, %get3A_7] : memref<1x256xf32, #tpu.memory_space<vmem>>, vector<1x256xf32>
    %add3A = vector.broadcast %get3A_8 : vector<1x256xf32> to vector<512x256xf32>
    %add3A_9 = arith.addf %dot_general3A_5, %add3A : vector<512x256xf32>
    %slice3A = vector.extract_strided_slice %add3A_9 {offsets = [0, 0], sizes = [512, 128], strides = [1, 1]} : vector<512x256xf32> to vector<512x128xf32>
    %swap3A = arith.constant 0 : index
    %swap3A_10 = arith.constant 0 : index
    %swap3A_11 = vector.load %arg4[%swap3A, %swap3A_10] : memref<512x128xf32, #tpu.memory_space<vmem>>, vector<512x128xf32>
    tpu.vector_store %arg4[%swap3A, %swap3A_10], %slice3A {strides = array<i32>} : memref<512x128xf32, #tpu.memory_space<vmem>>, vector<512x128xf32>,
    %slice3A_12 = vector.extract_strided_slice %add3A_9 {offsets = [0, 128], sizes = [512, 128], strides = [1, 1]} : vector<512x256xf32> to vector<512x128xf32>
    %swap3A_13 = arith.constant 0 : index
    %swap3A_14 = arith.constant 0 : index
    %swap3A_15 = vector.load %arg5[%swap3A_13, %swap3A_14] : memref<512x128xf32, #tpu.memory_space<vmem>>, vector<512x128xf32>
    tpu.vector_store %arg5[%swap3A_13, %swap3A_14], %slice3A_12 {strides = array<i32>} : memref<512x128xf32, #tpu.memory_space<vmem>>, vector<512x128xf32>,
    return
  }
  func.func @transform_0(%arg0: i32) -> (i32, i32) {
    %c0_i32 = arith.constant 0 : i32
    %c0_i32_0 = arith.constant 0 : i32
    return %arg0, %c0_i32 : i32, i32
  }
  func.func @transform_1(%arg0: i32) -> (i32, i32) {
    %c0_i32 = arith.constant 0 : i32
    %c0_i32_0 = arith.constant 0 : i32
    %c0_i32_1 = arith.constant 0 : i32
    return %c0_i32, %c0_i32_0 : i32, i32
  }
  func.func @transform_2(%arg0: i32) -> (i32, i32) {
    %c0_i32 = arith.constant 0 : i32
    %c0_i32_0 = arith.constant 0 : i32
    %c0_i32_1 = arith.constant 0 : i32
    return %c0_i32, %c0_i32_0 : i32, i32
  }
  func.func @transform_3(%arg0: i32) -> (i32, i32) {
    %c0_i32 = arith.constant 0 : i32
    %c0_i32_0 = arith.constant 0 : i32
    return %arg0, %c0_i32 : i32, i32
  }
  func.func @transform_4(%arg0: i32) -> (i32, i32) {
    %c0_i32 = arith.constant 0 : i32
    %c0_i32_0 = arith.constant 0 : i32
    return %arg0, %c0_i32 : i32, i32
  }
}

module attributes {stable_mosaic.version = 14 : i64} {
  func.func @_invdeg_body(%arg0: i32, %arg1: memref<512x128xf32, #tpu.memory_space<vmem>>, %arg2: memref<512x128xf32, #tpu.memory_space<vmem>>, %arg3: memref<512x1xf32, #tpu.memory_space<vmem>>) attributes {dimension_semantics = [#tpu.dimension_semantics<arbitrary>], iteration_bounds = array<i64: 20>, scalar_prefetch = 0 : i64, scratch_operands = 0 : i64, tpu.core_type = #tpu.core_type<tc>, window_params = [{transform_indices = @transform_0, window_bounds = array<i64: 512, 128>}, {transform_indices = @transform_1, window_bounds = array<i64: 512, 128>}, {transform_indices = @transform_2, window_bounds = array<i64: 512, 1>}]} {
    %get3A = arith.constant 0 : index
    %get3A_0 = arith.constant 0 : index
    %get3A_1 = vector.load %arg1[%get3A, %get3A_0] : memref<512x128xf32, #tpu.memory_space<vmem>>, vector<512x128xf32>
    %slice3A = vector.extract_strided_slice %get3A_1 {offsets = [0, 0], sizes = [512, 1], strides = [1, 1]} : vector<512x128xf32> to vector<512x1xf32>
    %get3A_2 = arith.constant 0 : index
    %get3A_3 = arith.constant 0 : index
    %get3A_4 = vector.load %arg2[%get3A_2, %get3A_3] : memref<512x128xf32, #tpu.memory_space<vmem>>, vector<512x128xf32>
    %slice3A_5 = vector.extract_strided_slice %get3A_4 {offsets = [0, 0], sizes = [512, 1], strides = [1, 1]} : vector<512x128xf32> to vector<512x1xf32>
    %add3A = arith.addf %slice3A, %slice3A_5 : vector<512x1xf32>
    %max3A = arith.constant 1.000000e+00 : f32
    %max3A_6 = vector.broadcast %max3A : f32 to vector<512x1xf32>
    %max3A_7 = arith.maximumf %add3A, %max3A_6 : vector<512x1xf32>
    %div3A = arith.constant 1.000000e+00 : f32
    %div3A_8 = vector.broadcast %div3A : f32 to vector<512x1xf32>
    %div3A_9 = arith.divf %div3A_8, %max3A_7 : vector<512x1xf32>
    %swap3A = arith.constant 0 : index
    %swap3A_10 = arith.constant 0 : index
    %swap3A_11 = vector.load %arg3[%swap3A, %swap3A_10] : memref<512x1xf32, #tpu.memory_space<vmem>>, vector<512x1xf32>
    tpu.vector_store %arg3[%swap3A, %swap3A_10], %div3A_9 {strides = array<i32>} : memref<512x1xf32, #tpu.memory_space<vmem>>, vector<512x1xf32>,
    return
  }
  func.func @transform_0(%arg0: i32) -> (i32, i32) {
    %c0_i32 = arith.constant 0 : i32
    %c0_i32_0 = arith.constant 0 : i32
    return %arg0, %c0_i32 : i32, i32
  }
  func.func @transform_1(%arg0: i32) -> (i32, i32) {
    %c0_i32 = arith.constant 0 : i32
    %c0_i32_0 = arith.constant 0 : i32
    return %arg0, %c0_i32 : i32, i32
  }
  func.func @transform_2(%arg0: i32) -> (i32, i32) {
    %c0_i32 = arith.constant 0 : i32
    %c0_i32_0 = arith.constant 0 : i32
    return %arg0, %c0_i32 : i32, i32
  }
}

module attributes {stable_mosaic.version = 14 : i64} {
  func.func @_mm_mid_body(%arg0: i32, %arg1: memref<512x128xf32, #tpu.memory_space<vmem>>, %arg2: memref<512x128xf32, #tpu.memory_space<vmem>>, %arg3: memref<512x128xf32, #tpu.memory_space<vmem>>, %arg4: memref<512x1xf32, #tpu.memory_space<vmem>>, %arg5: memref<128x256xf32, #tpu.memory_space<vmem>>, %arg6: memref<1x256xf32, #tpu.memory_space<vmem>>, %arg7: memref<512x128xf32, #tpu.memory_space<vmem>>, %arg8: memref<512x128xf32, #tpu.memory_space<vmem>>) attributes {dimension_semantics = [#tpu.dimension_semantics<arbitrary>], iteration_bounds = array<i64: 20>, scalar_prefetch = 0 : i64, scratch_operands = 0 : i64, tpu.core_type = #tpu.core_type<tc>, window_params = [{transform_indices = @transform_0, window_bounds = array<i64: 512, 128>}, {transform_indices = @transform_1, window_bounds = array<i64: 512, 128>}, {transform_indices = @transform_2, window_bounds = array<i64: 512, 128>}, {transform_indices = @transform_3, window_bounds = array<i64: 512, 1>}, {pipeline_mode = #tpu.pipeline_mode<synchronous>, transform_indices = @transform_4, window_bounds = array<i64: 128, 256>}, {pipeline_mode = #tpu.pipeline_mode<synchronous>, transform_indices = @transform_5, window_bounds = array<i64: 1, 256>}, {transform_indices = @transform_6, window_bounds = array<i64: 512, 128>}, {transform_indices = @transform_7, window_bounds = array<i64: 512, 128>}]} {
    %get3A = arith.constant 0 : index
    %get3A_0 = arith.constant 0 : index
    %get3A_1 = vector.load %arg1[%get3A, %get3A_0] : memref<512x128xf32, #tpu.memory_space<vmem>>, vector<512x128xf32>
    %get3A_2 = arith.constant 0 : index
    %get3A_3 = arith.constant 0 : index
    %get3A_4 = vector.load %arg2[%get3A_2, %get3A_3] : memref<512x128xf32, #tpu.memory_space<vmem>>, vector<512x128xf32>
    %get3A_5 = arith.constant 0 : index
    %get3A_6 = arith.constant 0 : index
    %get3A_7 = vector.load %arg3[%get3A_5, %get3A_6] : memref<512x128xf32, #tpu.memory_space<vmem>>, vector<512x128xf32>
    %add3A = arith.addf %get3A_4, %get3A_7 : vector<512x128xf32>
    %get3A_8 = arith.constant 0 : index
    %get3A_9 = arith.constant 0 : index
    %get3A_10 = vector.load %arg4[%get3A_8, %get3A_9] : memref<512x1xf32, #tpu.memory_space<vmem>>, vector<512x1xf32>
    %mul3A = vector.broadcast %get3A_10 : vector<512x1xf32> to vector<512x128xf32>
    %mul3A_11 = arith.mulf %add3A, %mul3A : vector<512x128xf32>
    %add3A_12 = arith.addf %get3A_1, %mul3A_11 : vector<512x128xf32>
    %max3A = arith.constant 0.000000e+00 : f32
    %max3A_13 = vector.broadcast %max3A : f32 to vector<512x128xf32>
    %max3A_14 = arith.maximumf %add3A_12, %max3A_13 : vector<512x128xf32>
    %get3A_15 = arith.constant 0 : index
    %get3A_16 = arith.constant 0 : index
    %get3A_17 = vector.load %arg5[%get3A_15, %get3A_16] : memref<128x256xf32, #tpu.memory_space<vmem>>, vector<128x256xf32>
    %dot_general3A = arith.constant dense<0.000000e+00> : vector<512x256xf32>
    %dot_general3A_18 = tpu.matmul %max3A_14, %get3A_17, %dot_general3A {dimension_numbers = #tpu.dot_dimension_numbers<[1], [0], [0], [1], [0, 0, 1, 1], [], []>, transpose_lhs_hint = false} : vector<512x128xf32>, vector<128x256xf32>, vector<512x256xf32> -> vector<512x256xf32>
    %get3A_19 = arith.constant 0 : index
    %get3A_20 = arith.constant 0 : index
    %get3A_21 = vector.load %arg6[%get3A_19, %get3A_20] : memref<1x256xf32, #tpu.memory_space<vmem>>, vector<1x256xf32>
    %add3A_22 = vector.broadcast %get3A_21 : vector<1x256xf32> to vector<512x256xf32>
    %add3A_23 = arith.addf %dot_general3A_18, %add3A_22 : vector<512x256xf32>
    %slice3A = vector.extract_strided_slice %add3A_23 {offsets = [0, 0], sizes = [512, 128], strides = [1, 1]} : vector<512x256xf32> to vector<512x128xf32>
    %swap3A = arith.constant 0 : index
    %swap3A_24 = arith.constant 0 : index
    %swap3A_25 = vector.load %arg7[%swap3A, %swap3A_24] : memref<512x128xf32, #tpu.memory_space<vmem>>, vector<512x128xf32>
    tpu.vector_store %arg7[%swap3A, %swap3A_24], %slice3A {strides = array<i32>} : memref<512x128xf32, #tpu.memory_space<vmem>>, vector<512x128xf32>,
    %slice3A_26 = vector.extract_strided_slice %add3A_23 {offsets = [0, 128], sizes = [512, 128], strides = [1, 1]} : vector<512x256xf32> to vector<512x128xf32>
    %swap3A_27 = arith.constant 0 : index
    %swap3A_28 = arith.constant 0 : index
    %swap3A_29 = vector.load %arg8[%swap3A_27, %swap3A_28] : memref<512x128xf32, #tpu.memory_space<vmem>>, vector<512x128xf32>
    tpu.vector_store %arg8[%swap3A_27, %swap3A_28], %slice3A_26 {strides = array<i32>} : memref<512x128xf32, #tpu.memory_space<vmem>>, vector<512x128xf32>,
    return
  }
  func.func @transform_0(%arg0: i32) -> (i32, i32) {
    %c0_i32 = arith.constant 0 : i32
    %c0_i32_0 = arith.constant 0 : i32
    return %arg0, %c0_i32 : i32, i32
  }
  func.func @transform_1(%arg0: i32) -> (i32, i32) {
    %c0_i32 = arith.constant 0 : i32
    %c0_i32_0 = arith.constant 0 : i32
    return %arg0, %c0_i32 : i32, i32
  }
  func.func @transform_2(%arg0: i32) -> (i32, i32) {
    %c0_i32 = arith.constant 0 : i32
    %c0_i32_0 = arith.constant 0 : i32
    return %arg0, %c0_i32 : i32, i32
  }
  func.func @transform_3(%arg0: i32) -> (i32, i32) {
    %c0_i32 = arith.constant 0 : i32
    %c0_i32_0 = arith.constant 0 : i32
    return %arg0, %c0_i32 : i32, i32
  }
  func.func @transform_4(%arg0: i32) -> (i32, i32) {
    %c0_i32 = arith.constant 0 : i32
    %c0_i32_0 = arith.constant 0 : i32
    %c0_i32_1 = arith.constant 0 : i32
    return %c0_i32, %c0_i32_0 : i32, i32
  }
  func.func @transform_5(%arg0: i32) -> (i32, i32) {
    %c0_i32 = arith.constant 0 : i32
    %c0_i32_0 = arith.constant 0 : i32
    %c0_i32_1 = arith.constant 0 : i32
    return %c0_i32, %c0_i32_0 : i32, i32
  }
  func.func @transform_6(%arg0: i32) -> (i32, i32) {
    %c0_i32 = arith.constant 0 : i32
    %c0_i32_0 = arith.constant 0 : i32
    return %arg0, %c0_i32 : i32, i32
  }
  func.func @transform_7(%arg0: i32) -> (i32, i32) {
    %c0_i32 = arith.constant 0 : i32
    %c0_i32_0 = arith.constant 0 : i32
    return %arg0, %c0_i32 : i32, i32
  }
}

module attributes {stable_mosaic.version = 14 : i64} {
  func.func @_classify_body(%arg0: memref<1024x128xf32, #tpu.memory_space<vmem>>, %arg1: memref<1024x128xf32, #tpu.memory_space<vmem>>, %arg2: memref<1024x128xf32, #tpu.memory_space<vmem>>, %arg3: memref<1024x128xf32, #tpu.memory_space<vmem>>, %arg4: memref<1024x128xf32, #tpu.memory_space<vmem>>, %arg5: memref<128x64xf32, #tpu.memory_space<vmem>>, %arg6: memref<1x64xf32, #tpu.memory_space<vmem>>, %arg7: memref<1024x64xf32, #tpu.memory_space<vmem>>, %arg8: memref<1024x128xf32, #tpu.memory_space<vmem>>) attributes {dimension_semantics = [], scalar_prefetch = 0 : i64, scratch_operands = 0 : i64, tpu.core_type = #tpu.core_type<tc>} {
    %get3A = arith.constant 0 : index
    %get3A_0 = arith.constant 0 : index
    %get3A_1 = vector.load %arg3[%get3A, %get3A_0] : memref<1024x128xf32, #tpu.memory_space<vmem>>, vector<1024x128xf32>
    %slice3A = vector.extract_strided_slice %get3A_1 {offsets = [0, 0], sizes = [1024, 1], strides = [1, 1]} : vector<1024x128xf32> to vector<1024x1xf32>
    %get3A_2 = arith.constant 0 : index
    %get3A_3 = arith.constant 0 : index
    %get3A_4 = vector.load %arg4[%get3A_2, %get3A_3] : memref<1024x128xf32, #tpu.memory_space<vmem>>, vector<1024x128xf32>
    %slice3A_5 = vector.extract_strided_slice %get3A_4 {offsets = [0, 0], sizes = [1024, 1], strides = [1, 1]} : vector<1024x128xf32> to vector<1024x1xf32>
    %add3A = arith.addf %slice3A, %slice3A_5 : vector<1024x1xf32>
    %max3A = arith.constant 1.000000e+00 : f32
    %max3A_6 = vector.broadcast %max3A : f32 to vector<1024x1xf32>
    %max3A_7 = arith.maximumf %add3A, %max3A_6 : vector<1024x1xf32>
    %get3A_8 = arith.constant 0 : index
    %get3A_9 = arith.constant 0 : index
    %get3A_10 = vector.load %arg0[%get3A_8, %get3A_9] : memref<1024x128xf32, #tpu.memory_space<vmem>>, vector<1024x128xf32>
    %get3A_11 = arith.constant 0 : index
    %get3A_12 = arith.constant 0 : index
    %get3A_13 = vector.load %arg1[%get3A_11, %get3A_12] : memref<1024x128xf32, #tpu.memory_space<vmem>>, vector<1024x128xf32>
    %get3A_14 = arith.constant 0 : index
    %get3A_15 = arith.constant 0 : index
    %get3A_16 = vector.load %arg2[%get3A_14, %get3A_15] : memref<1024x128xf32, #tpu.memory_space<vmem>>, vector<1024x128xf32>
    %add3A_17 = arith.addf %get3A_13, %get3A_16 : vector<1024x128xf32>
    %div3A = vector.broadcast %max3A_7 : vector<1024x1xf32> to vector<1024x128xf32>
    %div3A_18 = arith.divf %add3A_17, %div3A : vector<1024x128xf32>
    %add3A_19 = arith.addf %get3A_10, %div3A_18 : vector<1024x128xf32>
    %max3A_20 = arith.constant 0.000000e+00 : f32
    %max3A_21 = vector.broadcast %max3A_20 : f32 to vector<1024x128xf32>
    %max3A_22 = arith.maximumf %add3A_19, %max3A_21 : vector<1024x128xf32>
    %mul3A = arith.mulf %max3A_22, %max3A_22 : vector<1024x128xf32>
    %reduce_sum3A = arith.constant dense<0.000000e+00> : vector<1024xf32>
    %reduce_sum3A_23 = vector.multi_reduction <add>, %mul3A, %reduce_sum3A [1] : vector<1024x128xf32> to vector<1024xf32>
    %broadcast_in_dim3A = vector.shape_cast %reduce_sum3A_23 : vector<1024xf32> to vector<1024x1xf32>
    %sqrt3A = math.sqrt %broadcast_in_dim3A : vector<1024x1xf32>
    %max3A_24 = arith.constant 9.99999996E-13 : f32
    %max3A_25 = vector.broadcast %max3A_24 : f32 to vector<1024x1xf32>
    %max3A_26 = arith.maximumf %sqrt3A, %max3A_25 : vector<1024x1xf32>
    %div3A_27 = vector.broadcast %max3A_26 : vector<1024x1xf32> to vector<1024x128xf32>
    %div3A_28 = arith.divf %max3A_22, %div3A_27 : vector<1024x128xf32>
    %swap3A = arith.constant 0 : index
    %swap3A_29 = arith.constant 0 : index
    %swap3A_30 = vector.load %arg8[%swap3A, %swap3A_29] : memref<1024x128xf32, #tpu.memory_space<vmem>>, vector<1024x128xf32>
    tpu.vector_store %arg8[%swap3A, %swap3A_29], %div3A_28 {strides = array<i32>} : memref<1024x128xf32, #tpu.memory_space<vmem>>, vector<1024x128xf32>,
    %get3A_31 = arith.constant 0 : index
    %get3A_32 = arith.constant 0 : index
    %get3A_33 = vector.load %arg5[%get3A_31, %get3A_32] : memref<128x64xf32, #tpu.memory_space<vmem>>, vector<128x64xf32>
    %dot_general3A = arith.constant dense<0.000000e+00> : vector<1024x64xf32>
    %dot_general3A_34 = tpu.matmul %div3A_28, %get3A_33, %dot_general3A {dimension_numbers = #tpu.dot_dimension_numbers<[1], [0], [0], [1], [0, 0, 1, 1], [], []>, transpose_lhs_hint = false} : vector<1024x128xf32>, vector<128x64xf32>, vector<1024x64xf32> -> vector<1024x64xf32>
    %get3A_35 = arith.constant 0 : index
    %get3A_36 = arith.constant 0 : index
    %get3A_37 = vector.load %arg6[%get3A_35, %get3A_36] : memref<1x64xf32, #tpu.memory_space<vmem>>, vector<1x64xf32>
    %add3A_38 = vector.broadcast %get3A_37 : vector<1x64xf32> to vector<1024x64xf32>
    %add3A_39 = arith.addf %dot_general3A_34, %add3A_38 : vector<1024x64xf32>
    %swap3A_40 = arith.constant 0 : index
    %swap3A_41 = arith.constant 0 : index
    %swap3A_42 = vector.load %arg7[%swap3A_40, %swap3A_41] : memref<1024x64xf32, #tpu.memory_space<vmem>>, vector<1024x64xf32>
    tpu.vector_store %arg7[%swap3A_40, %swap3A_41], %add3A_39 {strides = array<i32>} : memref<1024x64xf32, #tpu.memory_space<vmem>>, vector<1024x64xf32>,
    return
  }
}

</mosaic_0001>

<sc_bundles>
// kernel: kernel.12.cloned.1.call-start
scs
__scs_entry_jumppad:
0x0: {  	(pc) =	sbr.rel $0x88, $3  }
0x1: {  	(tag) =	ssettag $0x0;
	lr =	simm.s32 $0x1  }
0x2: {  	[smem:$0x3F93] =	sst lr;
	_ =	strace $0xD0000000  }
0x3: {  	_ = 	snop  }
0x4: {  	_ = 	snop  }
0x5: {  	_ = 	snop  }
0x6: {  	_ = 	snop  }
0x7: {  	_ = 	snop  }
__scs_overlays_trampoline_lowered:
0x8: {  	[smem:$0x3FA2] =	sst s0  }
0x9: {  	[smem:$0x3FA3] =	sst s1  }
0xa: {  	[smem:$0x3FA4] =	sst s2  }
0xb: {  	[smem:$0x3FA5] =	sst s3  }
0xc: {  	[smem:$0x3FA6] =	sst s4  }
0xd: {  	[smem:$0x3FA7] =	sst s5  }
0xe: {  	[smem:$0x3FA8] =	sst s6  }
0xf: {  	[smem:$0x3FA9] =	sst s7  }
0x10: {  	[smem:$0x3FAA] =	sst s8  }
0x11: {  	[smem:$0x3FAB] =	sst s9;
	s0 =	simm.s32 @!p0 $0x0  }
0x12: {  	s1 =	sld [smem:$0x3F91];
	s0 =	simm.s32 @p0 $0x1  }
0x13: {  	[smem:$0x3FAC] =	sst s0;
	s0 =	simm.s32 @!p1 $0x0  }
0x14: {  	s2 =	sld [smem:$0x3F90];
	s0 =	simm.s32 @p1 $0x1  }
0x15: {  	[smem:$0x3FAD] =	sst s0;
	s0 =	simm.s32 @!p2 $0x0  }
0x16: {  	s3 =	sld [smem:$0x3FDB];
	s0 =	simm.s32 @p2 $0x1  }
0x17: {  	s4 =	simm.s32 $0x1BF5;
	[smem:$0x3FAF] =	sst s0  }
0x18: {  	s0 =	sld [smem:$0x3F92];
	_ =	swait.ge [sflag:s4], $0x0  }
0x19: {  	s7 =	sld [smem:$0x3F93]  }
0x1a: {  	s8 =	sadd.s32 $0xFFFFE003, lr  }
0x1b: {  	s9 =	sadd.s32 $0xFFFFFEF7, lr;
	s5 =	simm.s32 $0xFFFFFFFF;
	p2 =	slt.u32 s8, $0xFFFFF086  }
0x1c: {  	p1 =	slt.u32 s9, $0xF7A;
	s5 =	simm.s32 @!p2 $0x0  }
0x1d: {  	s5 =	simm.s32 @p1 $0x1;
	p0 =	seq.s32 s7, s2  }
0x1e: {  	s7 =	smul.u32 @!p0 $0xF7A, s2;
	p2 =	seq.s32 @!p0 s5, $0x0  }
0x1f: {  	s9 =	smul.u32 $0xF7A, s1;
	s8 =	simm.s32 @!p0 $0x1BF5;
	p2 =	por !p2, p0  }
0x20: {  	[sflag:s8] =	ssyncset.s32 @!p0 $0xFFFFF086;
	s6 =	sadd.s32 @!p0 s3, s7;
	s7 =	simm.s32 @!p0 $0x108  }
0x21: {  	s3 =	sadd.s32 s3, s9;
	s6 =	sadd.s32 @!p0 $0x88, s6;
	s7 =	simm.s32 @p2 $0x1082  }
0x22: {  	[simem:s7], [sflag:s8] =	dma.local @!p0 [hbm:s6], $0xF7A  }
0x23: {  	s9 =	sor.u32 $0xD0000000, s2;
	s6 =	simm.s32 $0x108;
	_ =	swait.ge @!p0 [sflag:s8], $0x0  }
0x24: {  	s3 =	sadd.s32 $0x88, s3;
	s6 =	simm.s32 @!p1 $0x1082;
	[sflag:s4] =	ssyncset.s32 $0xFFFFF086  }
0x25: {  	[simem:s6], [sflag:s4] =	dma.local [hbm:s3], $0xF7A  }
0x26: {  	[smem:$0x3F93] =	sst s1;
	(tag) =	ssettag s2;
	_ =	strace s9  }
0x27: {  	s1 =	sld [smem:$0x3FA3]  }
0x28: {  	s2 =	sld [smem:$0x3FA4]  }
0x29: {  	s4 =	sld [smem:$0x3FA6]  }
0x2a: {  	p0 =	seq.s32 s5, $0x0;
	s5 =	sld [smem:$0x3FA7]  }
0x2b: {  	s6 =	sld [smem:$0x3FA8]  }
0x2c: {  	s7 =	sld [smem:$0x3FA9]  }
0x2d: {  	s3 =	simm.s32 $0x108;
	s8 =	sld [smem:$0x3FAA]  }
0x2e: {  	s3 =	simm.s32 @!p0 $0x1082;
	s9 =	sld [smem:$0x3FAB]  }
0x2f: {  	lr =	sadd.s32 s0, s3;
	s0 =	sld [smem:$0x3FA2]  }
0x30: {  	s3 =	sld [smem:$0x3FA5]  }
0x31: {  	[smem:$0x3FAE] =	sst s10  }
0x32: {  	s10 =	sld [smem:$0x3FAC];
	_ =	sdelay $0x3  }
0x33: {  	p0 =	seq.s32 s10, $0x1;
	s10 =	sld [smem:$0x3FAE];
	_ =	sdelay $0x3  }
0x34: {  	[smem:$0x3FAE] =	sst s10  }
0x35: {  	s10 =	sld [smem:$0x3FAD];
	_ =	sdelay $0x3  }
0x36: {  	p1 =	seq.s32 s10, $0x1;
	s10 =	sld [smem:$0x3FAE];
	_ =	sdelay $0x3  }
0x37: {  	[smem:$0x3FAE] =	sst s10  }
0x38: {  	s10 =	sld [smem:$0x3FAF]  }
0x39: {  	_ = 	snop;
	(pc) =	sbr.ind lr, $3  }
0x3a: {  	_ = 	snop  }
0x3b: {  	_ = 	snop  }
0x3c: {  	p2 =	seq.s32 s10, $0x1;
	s10 =	sld [smem:$0x3FAE]  }
0x3d: {  	_ =	shalt  }
0x3e: {  	_ =	shalt  }
0x3f: {  	_ =	shalt  }
0x40: {  	_ =	shalt  }
0x41: {  	_ =	shalt  }
0x42: {  	_ =	shalt  }
0x43: {  	_ =	shalt  }
0x44: {  	_ =	shalt  }
0x45: {  	_ =	shalt  }
0x46: {  	_ =	shalt  }
0x47: {  	_ =	shalt  }
0x48: {  	_ =	shalt  }
0x49: {  	_ =	shalt  }
0x4a: {  	_ =	shalt  }
0x4b: {  	_ =	shalt  }
0x4c: {  	_ =	shalt  }
0x4d: {  	_ =	shalt  }
0x4e: {  	_ =	shalt  }
0x4f: {  	_ =	shalt  }
0x50: {  	_ =	shalt  }
0x51: {  	_ =	shalt  }
0x52: {  	_ =	shalt  }
0x53: {  	_ =	shalt  }
0x54: {  	_ =	shalt  }
0x55: {  	_ =	shalt  }
0x56: {  	_ =	shalt  }
0x57: {  	_ =	shalt  }
0x58: {  	_ =	shalt  }
0x59: {  	_ =	shalt  }
0x5a: {  	_ =	shalt  }
0x5b: {  	_ =	shalt  }
0x5c: {  	_ =	shalt  }
0x5d: {  	_ =	shalt  }
0x5e: {  	_ =	shalt  }
0x5f: {  	_ =	shalt  }
0x60: {  	_ =	shalt  }
0x61: {  	_ =	shalt  }
0x62: {  	_ =	shalt  }
0x63: {  	_ =	shalt  }
0x64: {  	_ =	shalt  }
0x65: {  	_ =	shalt  }
0x66: {  	_ =	shalt  }
0x67: {  	_ =	shalt  }
0x68: {  	_ =	shalt  }
0x69: {  	_ =	shalt  }
0x6a: {  	_ =	shalt  }
0x6b: {  	_ =	shalt  }
0x6c: {  	_ =	shalt  }
0x6d: {  	_ =	shalt  }
0x6e: {  	_ =	shalt  }
0x6f: {  	_ =	shalt  }
0x70: {  	_ =	shalt  }
0x71: {  	_ =	shalt  }
0x72: {  	_ =	shalt  }
0x73: {  	_ =	shalt  }
0x74: {  	_ =	shalt  }
0x75: {  	_ =	shalt  }
0x76: {  	_ =	shalt  }
0x77: {  	_ =	shalt  }
0x78: {  	_ =	shalt  }
0x79: {  	_ =	shalt  }
0x7a: {  	_ =	shalt  }
0x7b: {  	_ =	shalt  }
0x7c: {  	_ =	shalt  }
0x7d: {  	_ =	shalt  }
0x7e: {  	_ =	shalt  }
0x7f: {  	_ =	shalt  }
0x80: {  	_ =	shalt  }
0x81: {  	_ =	shalt  }
0x82: {  	_ =	shalt  }
0x83: {  	_ =	shalt  }
0x84: {  	_ =	shalt  }
0x85: {  	_ =	shalt  }
0x86: {  	_ =	shalt  }
0x87: {  	_ =	shalt  }
.Lfunc_end0:
.L_simem_size_0:
called_computation_lowered:
.L_overlay_start_0:
0x88: {  	s2 =	sld [smem:$0x3FD9]  }
0x89: {  	s3 =	sld [smem:$0x3FFE];
	_ =	sdelay $0x1  }
0x8a: {  	s1 =	srdreg.scid  }
0x8b: {  	s0 =	sand.u32 $0x1, s1  }
0x8c: {  	s14 =	sshll.u32 s0, $0xA;
	s2 =	sadd.s32 s3, s2  }
0x8d: {  	s2 =	sadd.s32 s2, s14  }
0x8e: {  	[smem:$0x3FBA] =	sst s2  }
0x8f: {  	_ = 	snop  }
0x90: {  	s2 =	sld [smem:$0x3FD0];
	_ =	sdelay $0x2  }
0x91: {  	s15 =	simm.s32 $0xB;
	s4 =	simm.s32 $0x10  }
0x92: {  	[smem:s4], [sflag:s15] =	dma.local [hbm:s2], $0x1  }
0x93: {  	_ =	swait.eq [sflag:s15], $0x1  }
0x94: {  	[sflag:s15] =	ssyncset.done $0x0  }
0x95: {  	s16 =	sld [smem:$0x10];
	[sflag:s15] =	ssyncadd.s32 $0xFFFFFFFF  }
0x96: {  	s17 =	sld [smem:$0x11];
	(tm) =	ssettm $0x1  }
0x97: {  	s18 =	sld [smem:$0x3FFB];
	_ =	sdelay $0x3  }
0x98: {  	_ =	strace s18  }
0x99: {  	s4 =	sld [smem:$0x3FFC];
	_ =	sdelay $0x3  }
0x9a: {  	_ =	strace s4  }
0x9b: {  	s4 =	sld [smem:$0x3FFD];
	_ =	sdelay $0x3  }
0x9c: {  	_ =	strace s4  }
0x9d: {  	_ =	strace $0x8FFFFFFF  }
0x9e: {  	s19 =	sld [smem:$0x3FDB];
	_ =	sdelay $0x1  }
0x9f: {  	s5 =	simm.s32 $_scs_section_size  }
0xa0: {  	s6 =	simm.s32 $_size__tile_overlayer_lowered;
	s7 =	simm.s32 $_tile_overlayer_lowered  }
0xa1: {  	s22 =	simm.s32 $0x1BFF;
	s21 =	sshll.u32 s7, $0x1;
	s4 =	sadd.s32 s5, s19  }
0xa2: {  	s8 =	simm.s32 $0x0;
	s20 =	sshll.u32 s6, $0x1;
	s6 =	sadd.s32 s21, s4  }
0xa3: {  	[timem:s8], [sflag:s22] =	dma.local [hbm:s6], s20  }
0xa4: {  	_ =	swait.ge [sflag:s22], s20  }
0xa5: {  	s5 =	ssub.s32 $0x0, s20;
	[sflag:s22] =	ssyncset.done $0x0  }
0xa6: {  	[sflag:s22] =	ssyncadd.s32 s5;
	_ =	sdelay $0x1  }
0xa7: {  	s23 =	simm.s32 $0x1B8B  }
0xa8: {  	_ =	swait.ge [sflag:s23], $0x1  }
0xa9: {  	[sflag:s23] =	ssyncset.done $0x0  }
0xaa: {  	s25 =	simm.s32 $0x1B8E;
	s24 =	sld [smem:$0x3FFE];
	[sflag:s23] =	ssyncadd.s32 $0xFFFFFFFF  }
0xab: {  	s26 =	simm.s32 $execute0_lowered;
	[smem:$0x3FD2] =	sst s25  }
0xac: {  	s6 =	sshll.u32 s26, $0x1;
	_ =	strace $0x80000046;
	[dreg:$0x1] =	wrdreg $0xFFFFFFFF  }
0xad: {  	s28 =	simm.s32 $_size_execute0_lowered;
	s4 =	sadd.s32 s4, s6;
	[dreg:$0x0] =	wrdreg $0x0  }
0xae: {  	s6 =	sshll.u32 s28, $0x1;
	[dreg:$0x2] =	wrdreg s4  }
0xaf: {  	[dreg:$0x3] =	wrdreg s6  }
0xb0: {  	[dreg:$0x4] =	wrdreg $0xC0  }
0xb1: {  	_ =	task [dreg:s8], $0x5FFFF  }
0xb2: {  	[dreg:$0x1] =	wrdreg $0xFFFFFFFF  }
0xb3: {  	[dreg:$0x0] =	wrdreg $0x60  }
0xb4: {  	[dreg:$0x2] =	wrdreg s24  }
0xb5: {  	[dreg:$0x3] =	wrdreg s17  }
0xb6: {  	[dreg:$0x4] =	wrdreg s16  }
0xb7: {  	[dreg:$0x5] =	wrdreg $0x41000  }
0xb8: {  	[dreg:$0x6] =	wrdreg $0x9  }
0xb9: {  	_ =	task.clear_ibuf [dreg:s8], $0x7FFFF;
	_ =	strace $0x90000046  }
0xba: {  	s29 =	simm.s32 $0x9;
	_ =	strace $0x80000048  }
0xbb: {  	_ =	swait.ge [sflag:s29], $0x1  }
0xbc: {  	[sflag:s29] =	ssyncadd.s32 $0xFFFFFFFF  }
0xbd: {  	_ =	strace $0x90000048  }
0xbe: {  	_ =	sfence  }
0xbf: {  	s30 =	sld [smem:$0x0];
	_ =	sdelay $0x2  }
0xc0: {  	s31 =	sshll.u32 s1, $0xD;
	s1 =	sshrl.u32 s1, $0x2  }
0xc1: {  	s3 =	sand.u32 $0x4000, s31;
	s1 =	sadd.s32 s1, s30  }
0xc2: {  	s0 =	sor.u32 s3, s0;
	s1 =	sshll.u32 s1, $0x11  }
0xc3: {  	s0 =	sor.u32 s1, s0  }
0xc4: {  	s0 =	sadd.s32 $0x8F2B, s0  }
0xc5: {  	[sflag:s0] =	ssyncadd.remote.s32 $0x1  }
0xc6: {  	_ =	sfence.sel $0xFFFF  }
0xc7: {  	[dreg:$0x0] =	wrdreg $0xFFFFFFFF;
	(pc) =	sbr.abs _section_cstart, $3  }
0xc8: {  	[dreg:$0x1] =	wrdreg $0xFFFFFFFF  }
0xc9: {  	_ =	task.clear_ibuf [dreg:s8], $0x2FFFF;
	_ =	strace $0x9FFFFFFF  }
0xca: {  	(tm) =	ssettm $0x7FFFFFFF  }
0xcb: {  	_ =	shalt  }
tec
execute0_lowered:
.L_overlay_start_1:
0x0: {  	(tag) =	ssettag $0x1  }
0x1: {  	s8 =	rddreg [dreg:$0x0]  }
0x2: {  	s1 =	rddreg [dreg:$0x1]  }
0x3: {  	s2 =	rddreg [dreg:$0x2]  }
0x4: {  	s3 =	rddreg [dreg:$0x3]  }
0x5: {  	s4 =	srdreg.scid;
	s0 =	rddreg [dreg:$0x4];
	s5 =	simm.s32 $0x0  }
0x6: {  	s14 =	simm.s32 $0x100;
	s15 =	simm.s32 $0x80;
	s7 =	sand.u32 $0x1, s4  }
0x7: {  	s16 =	simm.s32 $0x0;
	s4 =	stileid.u32;
	s9 =	smul.u32 $0x140000, s7  }
0x8: {  	[smem:$0x7FF] =	sst s5;
	s6 =	sadd.s32 $0x5600, s8;
	s10 =	smul.u32 $0x14000, s4  }
0x9: {  	_ =	strace $0x80000047;
	s24 =	sshll.u32 s7, $0x4;
	s11 =	ssub.s32 $0x2, s7  }
0xa: {  	s26 =	smul.u32 $0x50000, s4;
	s30 =	sshll.u32 s4, $0x6;
	s25 =	sor.u32 s4, s24  }
0xb: {  	s12 =	sshrl.u32 s11, $0x1;
	s9 =	sadd.s32 s10, s9;
	s7 =	smul.u32 $0x2800, s25  }
0xc: {  	s11 =	ssub.s32 s11, s12;
	s28 =	sshrl.u32 s26, $0x2;
	s9 =	sshrl.u32 s9, $0x3  }
0xd: {  	s29 =	sadd.s32 s28, s3;
	s11 =	smax.u32 s11, $0x1;
	s13 =	sadd.s32 s9, s8  }
0xe: {  	s31 =	sshrl.u32 s7, $0x3;
	s8 =	sor.u32 $0x1C01, s30;
	s12 =	sshrl.u32 s29, $0x3  }
0xf: {  	s9 =	sadd.s32 s6, s31;
	s10 =	sadd.s32 $0xF600, s13;
	s13 =	simm.s32 $0x1  }
.LBB2_1:
0x10: {  	[spmem:s12], [sflag:s8] =	dma.local [hbm:s1], $0x2800  }
0x11: {  	_ =	swait.ge [sflag:s13], $0x2800  }
0x12: {  	[sflag:s13] =	ssyncset.done $0x0  }
0x13: {  	[sflag:s13] =	ssyncadd.s32 $0xFFFFD800  }
0x14: {  	[tilespmem:s14], [sflag:$0x1] =	stream.linear.gather [hbm4b:s2+s5], $0x4000, $0x38;
	[tilespmem:$0x18100] =	vst v63  }
0x15: {  	_ =	swait.ge [sflag:s13], $0x4000  }
0x16: {  	[sflag:s13] =	ssyncset.done $0x0  }
0x17: {  	s17 =	sand.u32 $0x7C00, s15;
	[sflag:s13] =	ssyncadd.s32 $0xFFFFC000  }
0x18: {  	s18 =	sand.u32 $0x380, s15;
	s17 =	sadd.s32 s7, s17;
	[bflag:$0x0] =	sbarrier.arrive $0xFFFF  }
0x19: {  	[tilespmem:s5], [sflag:$0x1] =	stream.linear.gather [hbm4b:s9+s5], $0x80, $0x38;
	[tilespmem:$0x18100] =	vst v63  }
0x1a: {  	s19 =	simm.s32 $0x200;
	s17 =	sor.u32 s18, s17;
	_ =	swait.ge [sflag:s13], $0x80  }
0x1b: {  	s28 =	sand.u32 $0x200, s19;
	s17 =	sshrl.u32 s17, $0x3;
	[sflag:s13] =	ssyncset.done $0x0  }
0x1c: {  	s18 =	sshrl.u32 s28, $0x2;
	s17 =	sadd.s32 s6, s17;
	[sflag:s13] =	ssyncadd.s32 $0xFFFFFF80  }
0x1d: {  	[tilespmem:s18], [sflag:$0x1] =	stream.linear.gather [hbm4b:s17+s5], $0x80, $0x38;
	[tilespmem:$0x18100] =	vst v63  }
0x1e: {  	s29 =	simm.s32 $0x100;
	s30 =	simm.s32 $0x0;
	_ =	swait.ge [sflag:s13], $0x80  }
0x1f: {  	s19 =	sand.u32 $0x200, s30;
	s20 =	sand.u32 $0x7C00, s29;
	[sflag:s13] =	ssyncset.done $0x0  }
0x20: {  	s19 =	sshrl.u32 s19, $0x2;
	s31 =	sadd.s32 s7, s20;
	[sflag:s13] =	ssyncadd.s32 $0xFFFFFF80  }
0x21: {  	[spmem:s3] =	stream.indirect.scatter.add.f32 [tilespmem:s14], [sflag:$0x1], $0x80, s19, s15, $0xb8;
	[tilespmem:$0x18100] =	vst v63  }
0x22: {  	s18 =	simm.s32 $0x180;
	s17 =	sand.u32 $0x380, s29;
	_ =	swait.ge [sflag:s13], $0x4000  }
0x23: {  	s19 =	sor.u32 s17, s31;
	s17 =	simm.s32 $0x400;
	[sflag:s13] =	ssyncset.done $0x0  }
.LBB2_2:
0x24: {  	s20 =	sand.u32 $0x200, s17;
	s19 =	sshrl.u32 s19, $0x3  }
0x25: {  	[sflag:s13] =	ssyncadd.s32 $0xFFFFC000;
	s21 =	smov.u32 s18;
	s22 =	sadd.s32 $0x80, s18  }
0x26: {  	p0 =	sne.s32 s18, $0x2700;
	s20 =	sshrl.u32 s20, $0x2;
	s19 =	sadd.s32 s6, s19  }
0x27: {  	[tilespmem:s20], [sflag:$0x1] =	stream.linear.gather [hbm4b:s19+s5], $0x80, $0x38;
	[tilespmem:$0x18100] =	vst v63  }
0x28: {  	s18 =	sadd.s32 $0xFFFFFE00, s17;
	s17 =	sadd.s32 $0x200, s17;
	_ =	swait.ge [sflag:s13], $0x80  }
.Ltmp0:
0x29: {  	s18 =	sand.u32 $0x200, s18;
	[sflag:s13] =	ssyncset.done $0x0;
	(pc) =	sbr.rel @p0 .LBB2_2-.Ltmp0, $4  }
0x2a: {  	s19 =	sand.u32 $0x7C00, s21;
	s18 =	sshrl.u32 s18, $0x2;
	[sflag:s13] =	ssyncadd.s32 $0xFFFFFF80  }
0x2b: {  	[spmem:s3] =	stream.indirect.scatter.add.f32 [tilespmem:s14], [sflag:$0x1], $0x80, s18, s15, $0xb8;
	[tilespmem:$0x18100] =	vst v63  }
0x2c: {  	s18 =	sadd.s32 s7, s19;
	s19 =	sand.u32 $0x380, s21;
	_ =	swait.ge [sflag:s13], $0x4000  }
0x2d: {  	s19 =	sor.u32 s19, s18;
	s18 =	smov.u32 s22;
	[sflag:s13] =	ssyncset.done $0x0  }
0x2e: {  	s18 =	sand.u32 $0x200, s17;
	s19 =	sshrl.u32 s19, $0x3  }
0x2f: {  	[sflag:s13] =	ssyncadd.s32 $0xFFFFC000;
	s18 =	sshrl.u32 s18, $0x2;
	s19 =	sadd.s32 s6, s19  }
0x30: {  	[tilespmem:s18], [sflag:$0x1] =	stream.linear.gather [hbm4b:s19+s5], $0x80, $0x38;
	[tilespmem:$0x18100] =	vst v63  }
0x31: {  	s31 =	sadd.s32 $0xFFFFFE00, s17;
	_ =	swait.ge [sflag:s13], $0x80  }
0x32: {  	s17 =	sand.u32 $0x200, s31;
	[sflag:s13] =	ssyncset.done $0x0  }
0x33: {  	s17 =	sshrl.u32 s17, $0x2;
	[sflag:s13] =	ssyncadd.s32 $0xFFFFFF80  }
0x34: {  	[spmem:s3] =	stream.indirect.scatter.add.f32 [tilespmem:s14], [sflag:$0x1], $0x80, s17, s15, $0xb8;
	[tilespmem:$0x18100] =	vst v63  }
0x35: {  	_ =	swait.ge [sflag:s13], $0x4000  }
0x36: {  	[sflag:s13] =	ssyncset.done $0x0  }
0x37: {  	[sflag:s13] =	ssyncadd.s32 $0xFFFFC000  }
0x38: {  	[spmem:s3] =	stream.indirect.scatter.add.f32 [tilespmem:s14], [sflag:$0x1], $0x80, s5, s15, $0xb8;
	[tilespmem:$0x18100] =	vst v63  }
0x39: {  	_ =	swait.ge [sflag:s13], $0x4000  }
0x3a: {  	s16 =	sadd.s32 $0x1, s16;
	[sflag:s13] =	ssyncset.done $0x0  }
0x3b: {  	p0 =	sne.s32 s16, s11;
	[sflag:s13] =	ssyncadd.s32 $0xFFFFC000  }
.Ltmp1:
0x3c: {  	[bflag:$0x0] =	sbarrier.arrive $0xFFFF;
	(pc) =	sbr.rel @p0 .LBB2_1-.Ltmp1, $4  }
0x3d: {  	[hbm:s10], [sflag:s8] =	dma.local [spmem:s12], $0x2800  }
0x3e: {  	_ =	swait.ge [sflag:s13], $0x2800  }
0x3f: {  	[sflag:s13] =	ssyncset.done $0x0  }
0x40: {  	[sflag:s13] =	ssyncadd.s32 $0xFFFFD800  }
0x41: {  	_ =	sfence.sel $0x180000  }
0x42: {  	[bflag:$0x0] =	sbarrier.arrive $0xFFFF  }
0x43: {  	p0 =	sne.s32 s4, $0x0;
	_ =	strace $0x90000047  }
0x44: {  	s0 =	sadd.s32 @!p0 $0x100000, s0;
	[bflag:$0x2] =	sbarrier.arrive $0xFFFF  }
0x45: {  	[sflag:s0] =	ssyncadd.tile.s32 @!p0 $0x1;
	_ =	shalt  }
.Lfunc_end2:
_tile_overlayer_lowered:
.L_overlay_start_2:
0x46: {  	(tag) =	ssettag $0x2  }
0x47: {  	s0 =	rddreg [dreg:$0x0];
	s2 =	stileid.u32  }
0x48: {  	s1 =	rddreg [dreg:$0x1];
	p0 =	sne.s32 s2, $0x0  }
0x49: {  	s3 =	rddreg [dreg:$0x2];
	[bflag:$0x3] =	sbarrier.arrive $0xFFFF;
	s2 =	simm.s32 @!p0 $0x1C01  }
0x4a: {  	[timem:s3], [sflag:s2] =	dma.local @!p0 [hbm:s0], s1  }
0x4b: {  	s0 =	simm.s32 @!p0 $0x1  }
0x4c: {  	_ =	swait.ge @!p0 [sflag:s0], s1  }
0x4d: {  	s1 =	ssub.s32 @!p0 $0x0, s1;
	[sflag:s0] =	ssyncset.done @!p0 $0x0  }
0x4e: {  	[sflag:s0] =	ssyncadd.s32 @!p0 s1  }
0x4f: {  	[bflag:$0x3] =	sbarrier.arrive $0xFFFF  }
0x50: {  	_ =	shalt  }

// kernel: kernel.15.cloned.1.call-start
scs
__scs_entry_jumppad:
0x0: {  	(pc) =	sbr.rel $0x88, $3  }
0x1: {  	(tag) =	ssettag $0x0;
	lr =	simm.s32 $0x1  }
0x2: {  	[smem:$0x3F93] =	sst lr;
	_ =	strace $0xD0000000  }
0x3: {  	_ = 	snop  }
0x4: {  	_ = 	snop  }
0x5: {  	_ = 	snop  }
0x6: {  	_ = 	snop  }
0x7: {  	_ = 	snop  }
__scs_overlays_trampoline_lowered:
0x8: {  	[smem:$0x3FA2] =	sst s0  }
0x9: {  	[smem:$0x3FA3] =	sst s1  }
0xa: {  	[smem:$0x3FA4] =	sst s2  }
0xb: {  	[smem:$0x3FA5] =	sst s3  }
0xc: {  	[smem:$0x3FA6] =	sst s4  }
0xd: {  	[smem:$0x3FA7] =	sst s5  }
0xe: {  	[smem:$0x3FA8] =	sst s6  }
0xf: {  	[smem:$0x3FA9] =	sst s7  }
0x10: {  	[smem:$0x3FAA] =	sst s8  }
0x11: {  	[smem:$0x3FAB] =	sst s9;
	s0 =	simm.s32 @!p0 $0x0  }
0x12: {  	s1 =	sld [smem:$0x3F91];
	s0 =	simm.s32 @p0 $0x1  }
0x13: {  	[smem:$0x3FAC] =	sst s0;
	s0 =	simm.s32 @!p1 $0x0  }
0x14: {  	s2 =	sld [smem:$0x3F90];
	s0 =	simm.s32 @p1 $0x1  }
0x15: {  	[smem:$0x3FAD] =	sst s0;
	s0 =	simm.s32 @!p2 $0x0  }
0x16: {  	s3 =	sld [smem:$0x3FDB];
	s0 =	simm.s32 @p2 $0x1  }
0x17: {  	s4 =	simm.s32 $0x1BF5;
	[smem:$0x3FAF] =	sst s0  }
0x18: {  	s0 =	sld [smem:$0x3F92];
	_ =	swait.ge [sflag:s4], $0x0  }
0x19: {  	s7 =	sld [smem:$0x3F93]  }
0x1a: {  	s8 =	sadd.s32 $0xFFFFE003, lr  }
0x1b: {  	s9 =	sadd.s32 $0xFFFFFEF7, lr;
	s5 =	simm.s32 $0xFFFFFFFF;
	p2 =	slt.u32 s8, $0xFFFFF086  }
0x1c: {  	p1 =	slt.u32 s9, $0xF7A;
	s5 =	simm.s32 @!p2 $0x0  }
0x1d: {  	s5 =	simm.s32 @p1 $0x1;
	p0 =	seq.s32 s7, s2  }
0x1e: {  	s7 =	smul.u32 @!p0 $0xF7A, s2;
	p2 =	seq.s32 @!p0 s5, $0x0  }
0x1f: {  	s9 =	smul.u32 $0xF7A, s1;
	s8 =	simm.s32 @!p0 $0x1BF5;
	p2 =	por !p2, p0  }
0x20: {  	[sflag:s8] =	ssyncset.s32 @!p0 $0xFFFFF086;
	s6 =	sadd.s32 @!p0 s3, s7;
	s7 =	simm.s32 @!p0 $0x108  }
0x21: {  	s3 =	sadd.s32 s3, s9;
	s6 =	sadd.s32 @!p0 $0x88, s6;
	s7 =	simm.s32 @p2 $0x1082  }
0x22: {  	[simem:s7], [sflag:s8] =	dma.local @!p0 [hbm:s6], $0xF7A  }
0x23: {  	s9 =	sor.u32 $0xD0000000, s2;
	s6 =	simm.s32 $0x108;
	_ =	swait.ge @!p0 [sflag:s8], $0x0  }
0x24: {  	s3 =	sadd.s32 $0x88, s3;
	s6 =	simm.s32 @!p1 $0x1082;
	[sflag:s4] =	ssyncset.s32 $0xFFFFF086  }
0x25: {  	[simem:s6], [sflag:s4] =	dma.local [hbm:s3], $0xF7A  }
0x26: {  	[smem:$0x3F93] =	sst s1;
	(tag) =	ssettag s2;
	_ =	strace s9  }
0x27: {  	s1 =	sld [smem:$0x3FA3]  }
0x28: {  	s2 =	sld [smem:$0x3FA4]  }
0x29: {  	s4 =	sld [smem:$0x3FA6]  }
0x2a: {  	p0 =	seq.s32 s5, $0x0;
	s5 =	sld [smem:$0x3FA7]  }
0x2b: {  	s6 =	sld [smem:$0x3FA8]  }
0x2c: {  	s7 =	sld [smem:$0x3FA9]  }
0x2d: {  	s3 =	simm.s32 $0x108;
	s8 =	sld [smem:$0x3FAA]  }
0x2e: {  	s3 =	simm.s32 @!p0 $0x1082;
	s9 =	sld [smem:$0x3FAB]  }
0x2f: {  	lr =	sadd.s32 s0, s3;
	s0 =	sld [smem:$0x3FA2]  }
0x30: {  	s3 =	sld [smem:$0x3FA5]  }
0x31: {  	[smem:$0x3FAE] =	sst s10  }
0x32: {  	s10 =	sld [smem:$0x3FAC];
	_ =	sdelay $0x3  }
0x33: {  	p0 =	seq.s32 s10, $0x1;
	s10 =	sld [smem:$0x3FAE];
	_ =	sdelay $0x3  }
0x34: {  	[smem:$0x3FAE] =	sst s10  }
0x35: {  	s10 =	sld [smem:$0x3FAD];
	_ =	sdelay $0x3  }
0x36: {  	p1 =	seq.s32 s10, $0x1;
	s10 =	sld [smem:$0x3FAE];
	_ =	sdelay $0x3  }
0x37: {  	[smem:$0x3FAE] =	sst s10  }
0x38: {  	s10 =	sld [smem:$0x3FAF]  }
0x39: {  	_ = 	snop;
	(pc) =	sbr.ind lr, $3  }
0x3a: {  	_ = 	snop  }
0x3b: {  	_ = 	snop  }
0x3c: {  	p2 =	seq.s32 s10, $0x1;
	s10 =	sld [smem:$0x3FAE]  }
0x3d: {  	_ =	shalt  }
0x3e: {  	_ =	shalt  }
0x3f: {  	_ =	shalt  }
0x40: {  	_ =	shalt  }
0x41: {  	_ =	shalt  }
0x42: {  	_ =	shalt  }
0x43: {  	_ =	shalt  }
0x44: {  	_ =	shalt  }
0x45: {  	_ =	shalt  }
0x46: {  	_ =	shalt  }
0x47: {  	_ =	shalt  }
0x48: {  	_ =	shalt  }
0x49: {  	_ =	shalt  }
0x4a: {  	_ =	shalt  }
0x4b: {  	_ =	shalt  }
0x4c: {  	_ =	shalt  }
0x4d: {  	_ =	shalt  }
0x4e: {  	_ =	shalt  }
0x4f: {  	_ =	shalt  }
0x50: {  	_ =	shalt  }
0x51: {  	_ =	shalt  }
0x52: {  	_ =	shalt  }
0x53: {  	_ =	shalt  }
0x54: {  	_ =	shalt  }
0x55: {  	_ =	shalt  }
0x56: {  	_ =	shalt  }
0x57: {  	_ =	shalt  }
0x58: {  	_ =	shalt  }
0x59: {  	_ =	shalt  }
0x5a: {  	_ =	shalt  }
0x5b: {  	_ =	shalt  }
0x5c: {  	_ =	shalt  }
0x5d: {  	_ =	shalt  }
0x5e: {  	_ =	shalt  }
0x5f: {  	_ =	shalt  }
0x60: {  	_ =	shalt  }
0x61: {  	_ =	shalt  }
0x62: {  	_ =	shalt  }
0x63: {  	_ =	shalt  }
0x64: {  	_ =	shalt  }
0x65: {  	_ =	shalt  }
0x66: {  	_ =	shalt  }
0x67: {  	_ =	shalt  }
0x68: {  	_ =	shalt  }
0x69: {  	_ =	shalt  }
0x6a: {  	_ =	shalt  }
0x6b: {  	_ =	shalt  }
0x6c: {  	_ =	shalt  }
0x6d: {  	_ =	shalt  }
0x6e: {  	_ =	shalt  }
0x6f: {  	_ =	shalt  }
0x70: {  	_ =	shalt  }
0x71: {  	_ =	shalt  }
0x72: {  	_ =	shalt  }
0x73: {  	_ =	shalt  }
0x74: {  	_ =	shalt  }
0x75: {  	_ =	shalt  }
0x76: {  	_ =	shalt  }
0x77: {  	_ =	shalt  }
0x78: {  	_ =	shalt  }
0x79: {  	_ =	shalt  }
0x7a: {  	_ =	shalt  }
0x7b: {  	_ =	shalt  }
0x7c: {  	_ =	shalt  }
0x7d: {  	_ =	shalt  }
0x7e: {  	_ =	shalt  }
0x7f: {  	_ =	shalt  }
0x80: {  	_ =	shalt  }
0x81: {  	_ =	shalt  }
0x82: {  	_ =	shalt  }
0x83: {  	_ =	shalt  }
0x84: {  	_ =	shalt  }
0x85: {  	_ =	shalt  }
0x86: {  	_ =	shalt  }
0x87: {  	_ =	shalt  }
.Lfunc_end0:
.L_simem_size_0:
called_computation.1_lowered:
.L_overlay_start_0:
0x88: {  	s2 =	sld [smem:$0x3FD9]  }
0x89: {  	s3 =	sld [smem:$0x3FFE];
	_ =	sdelay $0x1  }
0x8a: {  	s1 =	srdreg.scid  }
0x8b: {  	s0 =	sand.u32 $0x1, s1  }
0x8c: {  	s15 =	sshll.u32 s0, $0xA;
	s2 =	sadd.s32 s3, s2  }
0x8d: {  	s2 =	sadd.s32 s2, s15  }
0x8e: {  	[smem:$0x3FBA] =	sst s2  }
0x8f: {  	_ = 	snop  }
0x90: {  	s2 =	sld [smem:$0x3FD0];
	_ =	sdelay $0x2  }
0x91: {  	s16 =	simm.s32 $0xB;
	s4 =	simm.s32 $0x10  }
0x92: {  	[smem:s4], [sflag:s16] =	dma.local [hbm:s2], $0x1  }
0x93: {  	_ =	swait.eq [sflag:s16], $0x1  }
0x94: {  	[sflag:s16] =	ssyncset.done $0x0  }
0x95: {  	[sflag:s16] =	ssyncadd.s32 $0xFFFFFFFF  }
0x96: {  	s17 =	sld [smem:$0x11];
	(tm) =	ssettm $0x1  }
0x97: {  	s18 =	sld [smem:$0x3FFB];
	_ =	sdelay $0x3  }
0x98: {  	_ =	strace s18  }
0x99: {  	s2 =	sld [smem:$0x3FFC];
	_ =	sdelay $0x3  }
0x9a: {  	_ =	strace s2  }
0x9b: {  	s2 =	sld [smem:$0x3FFD];
	_ =	sdelay $0x3  }
0x9c: {  	_ =	strace s2  }
0x9d: {  	_ =	strace $0x8FFFFFFF  }
0x9e: {  	s19 =	sld [smem:$0x3FDB];
	_ =	sdelay $0x1  }
0x9f: {  	s20 =	simm.s32 $_scs_section_size  }
0xa0: {  	s5 =	simm.s32 $_size__tile_overlayer_lowered;
	s6 =	simm.s32 $_tile_overlayer_lowered  }
0xa1: {  	s7 =	simm.s32 $0x1BFF;
	s21 =	sshll.u32 s6, $0x1;
	s4 =	sadd.s32 s20, s19  }
0xa2: {  	s22 =	simm.s32 $0x0;
	s5 =	sshll.u32 s5, $0x1;
	s6 =	sadd.s32 s21, s4  }
0xa3: {  	[timem:s22], [sflag:s7] =	dma.local [hbm:s6], s5  }
0xa4: {  	_ =	swait.ge [sflag:s7], s5  }
0xa5: {  	s5 =	ssub.s32 $0x0, s5;
	[sflag:s7] =	ssyncset.done $0x0  }
0xa6: {  	[sflag:s7] =	ssyncadd.s32 s5;
	_ =	sdelay $0x1  }
0xa7: {  	s23 =	simm.s32 $0x1B8B  }
0xa8: {  	_ =	swait.ge [sflag:s23], $0x1  }
0xa9: {  	[sflag:s23] =	ssyncset.done $0x0  }
0xaa: {  	[sflag:s23] =	ssyncadd.s32 $0xFFFFFFFF  }
0xab: {  	s5 =	sld [smem:$0x0]  }
0xac: {  	s6 =	sand.u32 $0xFFFFFFFE, s1  }
0xad: {  	p0 =	sne.s32 s1, s6  }
0xae: {  	s6 =	sshll.u32 @p0 s6, $0xE  }
0xaf: {  	s6 =	sadd.s32 @p0 $0x11B8D, s6;
	s7 =	sshll.u32 @p0 s5, $0x11  }
0xb0: {  	s6 =	sor.u32 @p0 s7, s6  }
0xb1: {  	[sflag:s6] =	ssyncadd.remote.s32 @p0 $0x1;
	_ =	sdelay $0x1  }
0xb2: {  	s6 =	simm.s32 @p0 $0x1B8D  }
0xb3: {  	_ =	swait.eq @p0 [sflag:s6], $0x1  }
0xb4: {  	[sflag:s6] =	ssyncadd.s32 @p0 $0xFFFFFFFF  }
0xb5: {  	s7 =	sshll.u32 @!p0 s1, $0xE  }
0xb6: {  	s7 =	sor.u32 @!p0 $0x4000, s7;
	s6 =	simm.s32 @!p0 $0x1B8D  }
0xb7: {  	s5 =	sshll.u32 @!p0 s5, $0x11;
	s7 =	sadd.s32 @!p0 $0x11B8D, s7;
	_ =	swait.eq @!p0 [sflag:s6], $0x1  }
0xb8: {  	s5 =	sor.u32 @!p0 s5, s7;
	[sflag:s6] =	ssyncadd.s32 @!p0 $0xFFFFFFFF  }
0xb9: {  	s25 =	simm.s32 $0x1B8E;
	s24 =	sld [smem:$0x3FFE];
	[sflag:s5] =	ssyncadd.remote.s32 @!p0 $0x1  }
0xba: {  	s26 =	simm.s32 $execute0_lowered;
	[smem:$0x3FD2] =	sst s25  }
0xbb: {  	s6 =	sshll.u32 s26, $0x1;
	_ =	strace $0x80000049;
	[dreg:$0x1] =	wrdreg $0xFFFFFFFF  }
0xbc: {  	s28 =	simm.s32 $_size_execute0_lowered;
	s4 =	sadd.s32 s4, s6;
	[dreg:$0x0] =	wrdreg $0x0  }
0xbd: {  	s6 =	sshll.u32 s28, $0x1;
	[dreg:$0x2] =	wrdreg s4  }
0xbe: {  	[dreg:$0x3] =	wrdreg s6  }
0xbf: {  	[dreg:$0x4] =	wrdreg $0xC0  }
0xc0: {  	_ =	task [dreg:s22], $0x5FFFF  }
0xc1: {  	[dreg:$0x1] =	wrdreg $0xFFFFFFFF  }
0xc2: {  	[dreg:$0x0] =	wrdreg $0x60  }
0xc3: {  	[dreg:$0x2] =	wrdreg s24  }
0xc4: {  	[dreg:$0x3] =	wrdreg s17  }
0xc5: {  	[dreg:$0x4] =	wrdreg $0x82000  }
0xc6: {  	[dreg:$0x5] =	wrdreg $0xA  }
0xc7: {  	_ =	task.clear_ibuf [dreg:s22], $0x6FFFF;
	_ =	strace $0x90000049  }
0xc8: {  	s29 =	simm.s32 $0xA;
	_ =	strace $0x8000004B  }
0xc9: {  	_ =	swait.ge [sflag:s29], $0x1  }
0xca: {  	[sflag:s29] =	ssyncadd.s32 $0xFFFFFFFF  }
0xcb: {  	_ =	strace $0x9000004B  }
0xcc: {  	_ =	sfence  }
0xcd: {  	s30 =	sld [smem:$0x0];
	_ =	sdelay $0x2  }
0xce: {  	s31 =	sshll.u32 s1, $0xD;
	s1 =	sshrl.u32 s1, $0x2  }
0xcf: {  	s4 =	sand.u32 $0x4000, s31;
	s1 =	sadd.s32 s1, s30  }
0xd0: {  	s0 =	sor.u32 s4, s0;
	s1 =	sshll.u32 s1, $0x11  }
0xd1: {  	s0 =	sor.u32 s1, s0  }
0xd2: {  	s0 =	sadd.s32 $0x8F2B, s0  }
0xd3: {  	[sflag:s0] =	ssyncadd.remote.s32 $0x1  }
0xd4: {  	_ =	sfence.sel $0xFFFF  }
0xd5: {  	[dreg:$0x0] =	wrdreg $0xFFFFFFFF;
	(pc) =	sbr.abs _section_cstart, $3  }
0xd6: {  	[dreg:$0x1] =	wrdreg $0xFFFFFFFF  }
0xd7: {  	_ =	task.clear_ibuf [dreg:s22], $0x2FFFF;
	_ =	strace $0x9FFFFFFF  }
0xd8: {  	(tm) =	ssettm $0x7FFFFFFF  }
0xd9: {  	_ =	shalt  }
tec
execute0_lowered:
.L_overlay_start_1:
0x0: {  	(tag) =	ssettag $0x1  }
0x1: {  	s8 =	rddreg [dreg:$0x0]  }
0x2: {  	s1 =	rddreg [dreg:$0x1]  }
0x3: {  	s2 =	rddreg [dreg:$0x2];
	s3 =	srdreg.scid  }
0x4: {  	s0 =	rddreg [dreg:$0x3];
	s4 =	simm.s32 $0x0;
	s16 =	simm.s32 $0x100  }
0x5: {  	s17 =	simm.s32 $0x200;
	s18 =	simm.s32 $0x80;
	s19 =	simm.s32 $0x4  }
0x6: {  	s20 =	simm.s32 $0x3;
	s9 =	sand.u32 $0x1, s3;
	s3 =	stileid.u32  }
0x7: {  	s21 =	simm.s32 $0x0;
	[smem:$0x7FF] =	sst s4;
	s7 =	smul.u32 $0x140000, s9  }
0x8: {  	s5 =	sadd.s32 $0x69600, s8;
	s6 =	sadd.s32 $0x5F600, s8;
	s10 =	smul.u32 $0x14000, s3  }
0x9: {  	_ =	strace $0x8000004A;
	s11 =	sshll.u32 s9, $0x4;
	s9 =	ssub.s32 $0x2, s9  }
0xa: {  	s12 =	smul.u32 $0x50000, s3;
	s31 =	sshll.u32 s3, $0x6;
	s11 =	sor.u32 s3, s11  }
0xb: {  	s29 =	sshrl.u32 s9, $0x1;
	s10 =	sadd.s32 s10, s7;
	s7 =	sadd.s32 $0x5600, s8  }
.Ltmp0:
0xc: {  	s14 =	ssub.s32 s9, s29;
	s10 =	sshrl.u32 s10, $0x3;
	(pc) =	sbr.rel .LBB2_1-.Ltmp0, $4  }
0xd: {  	s30 =	sshrl.u32 s12, $0x2;
	s13 =	sadd.s32 s10, s8;
	s8 =	smul.u32 $0x2800, s11  }
0xe: {  	s9 =	sor.u32 $0x1C05, s31;
	s15 =	sadd.s32 s30, s2;
	s12 =	sadd.s32 $0xB9600, s13  }
0xf: {  	s13 =	smax.u32 s14, $0x1;
	s14 =	sshrl.u32 s15, $0x3;
	s11 =	sshrl.u32 s8, $0x3  }
0x10: {  	s15 =	simm.s32 $0x5;
	s10 =	sadd.s32 s6, s11;
	s11 =	sadd.s32 s7, s11  }
.LBB2_7:
0x11: {  	_ =	swait.ge [sflag:s19], $0x4000  }
0x12: {  	[sflag:s19] =	ssyncset.done $0x0  }
0x13: {  	[sflag:s19] =	ssyncadd.s32 $0xFFFFC000  }
0x14: {  	_ =	swait.ge [sflag:s20], $0x4000  }
0x15: {  	s21 =	sadd.s32 $0x1, s21;
	[sflag:s20] =	ssyncset.done $0x0  }
0x16: {  	p0 =	sne.s32 s21, s13;
	[sflag:s20] =	ssyncadd.s32 $0xFFFFC000  }
.Ltmp1:
0x17: {  	[bflag:$0x0] =	sbarrier.arrive $0xFFFF;
	(pc) =	sbr.rel @!p0 .LBB2_8-.Ltmp1, $4  }
0x18: {  	[hbm:s12], [sflag:s9] =	dma.local [spmem:s14], $0x2800  }
0x19: {  	_ =	swait.ge [sflag:s15], $0x2800  }
0x1a: {  	[sflag:s15] =	ssyncset.done $0x0  }
0x1b: {  	[sflag:s15] =	ssyncadd.s32 $0xFFFFD800  }
.LBB2_1:
0x1c: {  	[spmem:s14], [sflag:s9] =	dma.local [hbm:s1], $0x2800  }
0x1d: {  	_ =	swait.ge [sflag:s15], $0x2800  }
0x1e: {  	[sflag:s15] =	ssyncset.done $0x0  }
0x1f: {  	[sflag:s15] =	ssyncadd.s32 $0xFFFFD800  }
0x20: {  	[bflag:$0x0] =	sbarrier.arrive $0xFFFF  }
0x21: {  	[tilespmem:s4], [sflag:$0x5] =	stream.linear.gather [hbm4b:s10+s4], $0x80, $0x38;
	[tilespmem:$0x1C200] =	vst v63  }
0x22: {  	_ =	swait.ge [sflag:s15], $0x80  }
0x23: {  	[sflag:s15] =	ssyncset.done $0x0  }
0x24: {  	[sflag:s15] =	ssyncadd.s32 $0xFFFFFF80  }
0x25: {  	[tilespmem:s16], [sflag:$0x5] =	stream.linear.gather [hbm4b:s11+s4], $0x80, $0x38;
	[tilespmem:$0x1C200] =	vst v63  }
.Ltmp2:
0x26: {  	_ = 	snop;
	(pc) =	sbr.rel .LBB2_2-.Ltmp2, $4  }
0x27: {  	_ =	swait.ge [sflag:s15], $0x80  }
0x28: {  	[sflag:s15] =	ssyncset.done $0x0  }
0x29: {  	s22 =	simm.s32 $0x1;
	s23 =	simm.s32 $0x80;
	[sflag:s15] =	ssyncadd.s32 $0xFFFFFF80  }
0x2a: {  	[tilespmem:s17], [sflag:$0x1] =	stream.indirect.gather [hbm4b:s5+s18], $0x80, s4, s18, $0xb8;
	[tilespmem:$0x1C200] =	vst v63  }
.LBB2_5:
0x2b: {  	s26 =	sand.u32 $0x7C00, s23  }
0x2c: {  	s28 =	sand.u32 $0x380, s23;
	s26 =	sadd.s32 s8, s26  }
0x2d: {  	s26 =	sor.u32 s28, s26  }
0x2e: {  	s26 =	sshrl.u32 s26, $0x3  }
0x2f: {  	s28 =	sshll.u32 s25, $0x7;
	s29 =	sadd.s32 s6, s26  }
0x30: {  	[tilespmem:s28], [sflag:$0x5] =	stream.linear.gather [hbm4b:s29+s4], $0x80, $0x38;
	[tilespmem:$0x1C200] =	vst v63  }
0x31: {  	_ =	swait.ge [sflag:s15], $0x80  }
0x32: {  	[sflag:s15] =	ssyncset.done $0x0  }
0x33: {  	s31 =	sor.u32 $0x100, s28;
	s26 =	sadd.s32 s7, s26;
	[sflag:s15] =	ssyncadd.s32 $0xFFFFFF80  }
0x34: {  	[tilespmem:s31], [sflag:$0x5] =	stream.linear.gather [hbm4b:s26+s4], $0x80, $0x38;
	[tilespmem:$0x1C200] =	vst v63  }
0x35: {  	_ =	swait.ge [sflag:s15], $0x80  }
0x36: {  	s30 =	sshll.u32 s25, $0xE;
	[sflag:s15] =	ssyncset.done $0x0  }
0x37: {  	s26 =	sor.u32 $0x200, s30;
	s31 =	sadd.s32 $0x1, s25;
	[sflag:s15] =	ssyncadd.s32 $0xFFFFFF80  }
0x38: {  	[tilespmem:s26], [sflag:s31] =	stream.indirect.gather [hbm4b:s5+s18], $0x80, s28, s18, $0xb8;
	[tilespmem:$0x1C200] =	vst v63  }
.LBB2_6:
0x39: {  	s23 =	sadd.s32 $0x80, s23  }
0x3a: {  	s24 =	sand.u32 $0x1, s24;
	p0 =	sne.s32 s23, $0x2800  }
.Ltmp3:
0x3b: {  	s25 =	sadd.s32 $0x1, s24;
	(pc) =	sbr.rel @!p0 .LBB2_7-.Ltmp3, $4  }
0x3c: {  	s22 =	sadd.s32 $0x1, s22;
	s26 =	sshll.u32 s24, $0xE;
	_ =	swait.ge [sflag:s25], $0x4000  }
0x3d: {  	s28 =	sshll.u32 s24, $0x7;
	s24 =	sadd.s32 $0x3, s24;
	[sflag:s25] =	ssyncset.done $0x0  }
0x3e: {  	s26 =	sor.u32 $0x200, s26;
	s31 =	sor.u32 $0x100, s28;
	[sflag:s25] =	ssyncadd.s32 $0xFFFFC000  }
0x3f: {  	[spmem:s2] =	stream.indirect.scatter.add.f32 [tilespmem:s26], [sflag:s24], $0x80, s31, s18, $0xb8;
	[tilespmem:$0x1C200] =	vst v63  }
.LBB2_2:
0x40: {  	s24 =	sadd.s32 $0xFFFFFFFF, s22  }
0x41: {  	p0 =	seq.s32 s24, $0x0  }
.Ltmp4:
0x42: {  	_ = 	snop;
	(pc) =	sbr.rel @p0 .LBB2_5-.Ltmp4, $2  }
0x43: {  	_ =	sdelay $0x2  }
0x44: {  	s25 =	sand.u32 $0x1, s22  }
0x45: {  	p0 =	seq.s32 s24, $0x4E  }
.Ltmp5:
0x46: {  	_ = 	snop;
	(pc) =	sbr.rel @p0 .LBB2_6-.Ltmp5, $1  }
0x47: {  	_ =	sdelay $0x3  }
.Ltmp6:
0x48: {  	(pc) =	sbr.rel .LBB2_5-.Ltmp6, $4  }
0x49: {  	s26 =	sadd.s32 $0x3, s25  }
0x4a: {  	_ =	swait.ge [sflag:s26], $0x4000  }
0x4b: {  	[sflag:s26] =	ssyncset.done $0x0  }
0x4c: {  	[sflag:s26] =	ssyncadd.s32 $0xFFFFC000  }
.LBB2_8:
0x4d: {  	_ =	sfence.sel $0x180000  }
0x4e: {  	[bflag:$0x0] =	sbarrier.arrive $0xFFFF  }
0x4f: {  	p0 =	sne.s32 s3, $0x0;
	_ =	strace $0x9000004A  }
0x50: {  	s0 =	sadd.s32 @!p0 $0x100000, s0;
	[bflag:$0x2] =	sbarrier.arrive $0xFFFF  }
0x51: {  	[sflag:s0] =	ssyncadd.tile.s32 @!p0 $0x1;
	_ =	shalt  }
.Lfunc_end2:
_tile_overlayer_lowered:
.L_overlay_start_2:
0x52: {  	(tag) =	ssettag $0x2  }
0x53: {  	s0 =	rddreg [dreg:$0x0];
	s2 =	stileid.u32  }
0x54: {  	s1 =	rddreg [dreg:$0x1];
	p0 =	sne.s32 s2, $0x0  }
0x55: {  	s3 =	rddreg [dreg:$0x2];
	[bflag:$0x3] =	sbarrier.arrive $0xFFFF;
	s2 =	simm.s32 @!p0 $0x1C05  }
0x56: {  	[timem:s3], [sflag:s2] =	dma.local @!p0 [hbm:s0], s1  }
0x57: {  	s0 =	simm.s32 @!p0 $0x5  }
0x58: {  	_ =	swait.ge @!p0 [sflag:s0], s1  }
0x59: {  	s1 =	ssub.s32 @!p0 $0x0, s1;
	[sflag:s0] =	ssyncset.done @!p0 $0x0  }
0x5a: {  	[sflag:s0] =	ssyncadd.s32 @!p0 s1  }
0x5b: {  	[bflag:$0x3] =	sbarrier.arrive $0xFFFF  }
0x5c: {  	_ =	shalt  }

// kernel: kernel.18.cloned.1.call-start
scs
__scs_entry_jumppad:
0x0: {  	(pc) =	sbr.rel $0x88, $3  }
0x1: {  	(tag) =	ssettag $0x0;
	lr =	simm.s32 $0x1  }
0x2: {  	[smem:$0x3F93] =	sst lr;
	_ =	strace $0xD0000000  }
0x3: {  	_ = 	snop  }
0x4: {  	_ = 	snop  }
0x5: {  	_ = 	snop  }
0x6: {  	_ = 	snop  }
0x7: {  	_ = 	snop  }
__scs_overlays_trampoline_lowered:
0x8: {  	[smem:$0x3FA2] =	sst s0  }
0x9: {  	[smem:$0x3FA3] =	sst s1  }
0xa: {  	[smem:$0x3FA4] =	sst s2  }
0xb: {  	[smem:$0x3FA5] =	sst s3  }
0xc: {  	[smem:$0x3FA6] =	sst s4  }
0xd: {  	[smem:$0x3FA7] =	sst s5  }
0xe: {  	[smem:$0x3FA8] =	sst s6  }
0xf: {  	[smem:$0x3FA9] =	sst s7  }
0x10: {  	[smem:$0x3FAA] =	sst s8  }
0x11: {  	[smem:$0x3FAB] =	sst s9;
	s0 =	simm.s32 @!p0 $0x0  }
0x12: {  	s1 =	sld [smem:$0x3F91];
	s0 =	simm.s32 @p0 $0x1  }
0x13: {  	[smem:$0x3FAC] =	sst s0;
	s0 =	simm.s32 @!p1 $0x0  }
0x14: {  	s2 =	sld [smem:$0x3F90];
	s0 =	simm.s32 @p1 $0x1  }
0x15: {  	[smem:$0x3FAD] =	sst s0;
	s0 =	simm.s32 @!p2 $0x0  }
0x16: {  	s3 =	sld [smem:$0x3FDB];
	s0 =	simm.s32 @p2 $0x1  }
0x17: {  	s4 =	simm.s32 $0x1BF5;
	[smem:$0x3FAF] =	sst s0  }
0x18: {  	s0 =	sld [smem:$0x3F92];
	_ =	swait.ge [sflag:s4], $0x0  }
0x19: {  	s7 =	sld [smem:$0x3F93]  }
0x1a: {  	s8 =	sadd.s32 $0xFFFFE003, lr  }
0x1b: {  	s9 =	sadd.s32 $0xFFFFFEF7, lr;
	s5 =	simm.s32 $0xFFFFFFFF;
	p2 =	slt.u32 s8, $0xFFFFF086  }
0x1c: {  	p1 =	slt.u32 s9, $0xF7A;
	s5 =	simm.s32 @!p2 $0x0  }
0x1d: {  	s5 =	simm.s32 @p1 $0x1;
	p0 =	seq.s32 s7, s2  }
0x1e: {  	s7 =	smul.u32 @!p0 $0xF7A, s2;
	p2 =	seq.s32 @!p0 s5, $0x0  }
0x1f: {  	s9 =	smul.u32 $0xF7A, s1;
	s8 =	simm.s32 @!p0 $0x1BF5;
	p2 =	por !p2, p0  }
0x20: {  	[sflag:s8] =	ssyncset.s32 @!p0 $0xFFFFF086;
	s6 =	sadd.s32 @!p0 s3, s7;
	s7 =	simm.s32 @!p0 $0x108  }
0x21: {  	s3 =	sadd.s32 s3, s9;
	s6 =	sadd.s32 @!p0 $0x88, s6;
	s7 =	simm.s32 @p2 $0x1082  }
0x22: {  	[simem:s7], [sflag:s8] =	dma.local @!p0 [hbm:s6], $0xF7A  }
0x23: {  	s9 =	sor.u32 $0xD0000000, s2;
	s6 =	simm.s32 $0x108;
	_ =	swait.ge @!p0 [sflag:s8], $0x0  }
0x24: {  	s3 =	sadd.s32 $0x88, s3;
	s6 =	simm.s32 @!p1 $0x1082;
	[sflag:s4] =	ssyncset.s32 $0xFFFFF086  }
0x25: {  	[simem:s6], [sflag:s4] =	dma.local [hbm:s3], $0xF7A  }
0x26: {  	[smem:$0x3F93] =	sst s1;
	(tag) =	ssettag s2;
	_ =	strace s9  }
0x27: {  	s1 =	sld [smem:$0x3FA3]  }
0x28: {  	s2 =	sld [smem:$0x3FA4]  }
0x29: {  	s4 =	sld [smem:$0x3FA6]  }
0x2a: {  	p0 =	seq.s32 s5, $0x0;
	s5 =	sld [smem:$0x3FA7]  }
0x2b: {  	s6 =	sld [smem:$0x3FA8]  }
0x2c: {  	s7 =	sld [smem:$0x3FA9]  }
0x2d: {  	s3 =	simm.s32 $0x108;
	s8 =	sld [smem:$0x3FAA]  }
0x2e: {  	s3 =	simm.s32 @!p0 $0x1082;
	s9 =	sld [smem:$0x3FAB]  }
0x2f: {  	lr =	sadd.s32 s0, s3;
	s0 =	sld [smem:$0x3FA2]  }
0x30: {  	s3 =	sld [smem:$0x3FA5]  }
0x31: {  	[smem:$0x3FAE] =	sst s10  }
0x32: {  	s10 =	sld [smem:$0x3FAC];
	_ =	sdelay $0x3  }
0x33: {  	p0 =	seq.s32 s10, $0x1;
	s10 =	sld [smem:$0x3FAE];
	_ =	sdelay $0x3  }
0x34: {  	[smem:$0x3FAE] =	sst s10  }
0x35: {  	s10 =	sld [smem:$0x3FAD];
	_ =	sdelay $0x3  }
0x36: {  	p1 =	seq.s32 s10, $0x1;
	s10 =	sld [smem:$0x3FAE];
	_ =	sdelay $0x3  }
0x37: {  	[smem:$0x3FAE] =	sst s10  }
0x38: {  	s10 =	sld [smem:$0x3FAF]  }
0x39: {  	_ = 	snop;
	(pc) =	sbr.ind lr, $3  }
0x3a: {  	_ = 	snop  }
0x3b: {  	_ = 	snop  }
0x3c: {  	p2 =	seq.s32 s10, $0x1;
	s10 =	sld [smem:$0x3FAE]  }
0x3d: {  	_ =	shalt  }
0x3e: {  	_ =	shalt  }
0x3f: {  	_ =	shalt  }
0x40: {  	_ =	shalt  }
0x41: {  	_ =	shalt  }
0x42: {  	_ =	shalt  }
0x43: {  	_ =	shalt  }
0x44: {  	_ =	shalt  }
0x45: {  	_ =	shalt  }
0x46: {  	_ =	shalt  }
0x47: {  	_ =	shalt  }
0x48: {  	_ =	shalt  }
0x49: {  	_ =	shalt  }
0x4a: {  	_ =	shalt  }
0x4b: {  	_ =	shalt  }
0x4c: {  	_ =	shalt  }
0x4d: {  	_ =	shalt  }
0x4e: {  	_ =	shalt  }
0x4f: {  	_ =	shalt  }
0x50: {  	_ =	shalt  }
0x51: {  	_ =	shalt  }
0x52: {  	_ =	shalt  }
0x53: {  	_ =	shalt  }
0x54: {  	_ =	shalt  }
0x55: {  	_ =	shalt  }
0x56: {  	_ =	shalt  }
0x57: {  	_ =	shalt  }
0x58: {  	_ =	shalt  }
0x59: {  	_ =	shalt  }
0x5a: {  	_ =	shalt  }
0x5b: {  	_ =	shalt  }
0x5c: {  	_ =	shalt  }
0x5d: {  	_ =	shalt  }
0x5e: {  	_ =	shalt  }
0x5f: {  	_ =	shalt  }
0x60: {  	_ =	shalt  }
0x61: {  	_ =	shalt  }
0x62: {  	_ =	shalt  }
0x63: {  	_ =	shalt  }
0x64: {  	_ =	shalt  }
0x65: {  	_ =	shalt  }
0x66: {  	_ =	shalt  }
0x67: {  	_ =	shalt  }
0x68: {  	_ =	shalt  }
0x69: {  	_ =	shalt  }
0x6a: {  	_ =	shalt  }
0x6b: {  	_ =	shalt  }
0x6c: {  	_ =	shalt  }
0x6d: {  	_ =	shalt  }
0x6e: {  	_ =	shalt  }
0x6f: {  	_ =	shalt  }
0x70: {  	_ =	shalt  }
0x71: {  	_ =	shalt  }
0x72: {  	_ =	shalt  }
0x73: {  	_ =	shalt  }
0x74: {  	_ =	shalt  }
0x75: {  	_ =	shalt  }
0x76: {  	_ =	shalt  }
0x77: {  	_ =	shalt  }
0x78: {  	_ =	shalt  }
0x79: {  	_ =	shalt  }
0x7a: {  	_ =	shalt  }
0x7b: {  	_ =	shalt  }
0x7c: {  	_ =	shalt  }
0x7d: {  	_ =	shalt  }
0x7e: {  	_ =	shalt  }
0x7f: {  	_ =	shalt  }
0x80: {  	_ =	shalt  }
0x81: {  	_ =	shalt  }
0x82: {  	_ =	shalt  }
0x83: {  	_ =	shalt  }
0x84: {  	_ =	shalt  }
0x85: {  	_ =	shalt  }
0x86: {  	_ =	shalt  }
0x87: {  	_ =	shalt  }
.Lfunc_end0:
.L_simem_size_0:
called_computation.2_lowered:
.L_overlay_start_0:
0x88: {  	s2 =	sld [smem:$0x3FD9]  }
0x89: {  	s3 =	sld [smem:$0x3FFE];
	_ =	sdelay $0x1  }
0x8a: {  	s1 =	srdreg.scid  }
0x8b: {  	s0 =	sand.u32 $0x1, s1  }
0x8c: {  	s14 =	sshll.u32 s0, $0xA;
	s2 =	sadd.s32 s3, s2  }
0x8d: {  	s2 =	sadd.s32 s2, s14  }
0x8e: {  	[smem:$0x3FBA] =	sst s2  }
0x8f: {  	_ = 	snop  }
0x90: {  	s2 =	sld [smem:$0x3FD0];
	_ =	sdelay $0x2  }
0x91: {  	s15 =	simm.s32 $0xB;
	s4 =	simm.s32 $0x10  }
0x92: {  	[smem:s4], [sflag:s15] =	dma.local [hbm:s2], $0x1  }
0x93: {  	_ =	swait.eq [sflag:s15], $0x1  }
0x94: {  	[sflag:s15] =	ssyncset.done $0x0  }
0x95: {  	[sflag:s15] =	ssyncadd.s32 $0xFFFFFFFF  }
0x96: {  	s16 =	sld [smem:$0x11];
	(tm) =	ssettm $0x1  }
0x97: {  	s17 =	sld [smem:$0x3FFB];
	_ =	sdelay $0x3  }
0x98: {  	_ =	strace s17  }
0x99: {  	s3 =	sld [smem:$0x3FFC];
	_ =	sdelay $0x3  }
0x9a: {  	_ =	strace s3  }
0x9b: {  	s3 =	sld [smem:$0x3FFD];
	_ =	sdelay $0x3  }
0x9c: {  	_ =	strace s3  }
0x9d: {  	_ =	strace $0x8FFFFFFF  }
0x9e: {  	s18 =	sld [smem:$0x3FDB];
	_ =	sdelay $0x1  }
0x9f: {  	s19 =	simm.s32 $_scs_section_size  }
0xa0: {  	s5 =	simm.s32 $_size__tile_overlayer_lowered;
	s6 =	simm.s32 $_tile_overlayer_lowered  }
0xa1: {  	s22 =	simm.s32 $0x1BFF;
	s21 =	sshll.u32 s6, $0x1;
	s3 =	sadd.s32 s19, s18  }
0xa2: {  	s7 =	simm.s32 $0x0;
	s20 =	sshll.u32 s5, $0x1;
	s5 =	sadd.s32 s21, s3  }
0xa3: {  	[timem:s7], [sflag:s22] =	dma.local [hbm:s5], s20  }
0xa4: {  	_ =	swait.ge [sflag:s22], s20  }
0xa5: {  	s4 =	ssub.s32 $0x0, s20;
	[sflag:s22] =	ssyncset.done $0x0  }
0xa6: {  	[sflag:s22] =	ssyncadd.s32 s4;
	_ =	sdelay $0x1  }
0xa7: {  	s23 =	simm.s32 $0x1B8B  }
0xa8: {  	_ =	swait.ge [sflag:s23], $0x1  }
0xa9: {  	[sflag:s23] =	ssyncset.done $0x0  }
0xaa: {  	s25 =	simm.s32 $0x1B8E;
	s24 =	sld [smem:$0x3FFE];
	[sflag:s23] =	ssyncadd.s32 $0xFFFFFFFF  }
0xab: {  	s26 =	simm.s32 $execute0_lowered;
	[smem:$0x3FD2] =	sst s25  }
0xac: {  	s5 =	sshll.u32 s26, $0x1;
	_ =	strace $0x8000004C;
	[dreg:$0x1] =	wrdreg $0xFFFFFFFF  }
0xad: {  	s28 =	simm.s32 $_size_execute0_lowered;
	s3 =	sadd.s32 s3, s5;
	[dreg:$0x0] =	wrdreg $0x0  }
0xae: {  	s5 =	sshll.u32 s28, $0x1;
	[dreg:$0x2] =	wrdreg s3  }
0xaf: {  	[dreg:$0x3] =	wrdreg s5  }
0xb0: {  	[dreg:$0x4] =	wrdreg $0xC0  }
0xb1: {  	_ =	task [dreg:s7], $0x5FFFF  }
0xb2: {  	[dreg:$0x1] =	wrdreg $0xFFFFFFFF  }
0xb3: {  	[dreg:$0x0] =	wrdreg $0x60  }
0xb4: {  	[dreg:$0x2] =	wrdreg s24  }
0xb5: {  	[dreg:$0x3] =	wrdreg s16  }
0xb6: {  	[dreg:$0x4] =	wrdreg $0x82000  }
0xb7: {  	[dreg:$0x5] =	wrdreg $0x9  }
0xb8: {  	_ =	task.clear_ibuf [dreg:s7], $0x6FFFF;
	_ =	strace $0x9000004C  }
0xb9: {  	s29 =	simm.s32 $0x9;
	_ =	strace $0x8000004E  }
0xba: {  	_ =	swait.ge [sflag:s29], $0x1  }
0xbb: {  	[sflag:s29] =	ssyncadd.s32 $0xFFFFFFFF  }
0xbc: {  	_ =	strace $0x9000004E  }
0xbd: {  	_ =	sfence  }
0xbe: {  	s30 =	sld [smem:$0x0];
	_ =	sdelay $0x2  }
0xbf: {  	s31 =	sshll.u32 s1, $0xD;
	s1 =	sshrl.u32 s1, $0x2  }
0xc0: {  	s3 =	sand.u32 $0x4000, s31;
	s1 =	sadd.s32 s1, s30  }
0xc1: {  	s0 =	sor.u32 s3, s0;
	s1 =	sshll.u32 s1, $0x11  }
0xc2: {  	s0 =	sor.u32 s1, s0  }
0xc3: {  	s0 =	sadd.s32 $0x8F2B, s0  }
0xc4: {  	[sflag:s0] =	ssyncadd.remote.s32 $0x1  }
0xc5: {  	_ =	sfence.sel $0xFFFF  }
0xc6: {  	[dreg:$0x0] =	wrdreg $0xFFFFFFFF;
	(pc) =	sbr.abs _section_cstart, $3  }
0xc7: {  	[dreg:$0x1] =	wrdreg $0xFFFFFFFF  }
0xc8: {  	_ =	task.clear_ibuf [dreg:s7], $0x2FFFF;
	_ =	strace $0x9FFFFFFF  }
0xc9: {  	(tm) =	ssettm $0x7FFFFFFF  }
tec
execute0_lowered:
.L_overlay_start_1:
0x0: {  	(tag) =	ssettag $0x1  }
0x1: {  	s8 =	rddreg [dreg:$0x0]  }
0x2: {  	s1 =	rddreg [dreg:$0x1]  }
0x3: {  	s2 =	rddreg [dreg:$0x2];
	s3 =	srdreg.scid  }
0x4: {  	s0 =	rddreg [dreg:$0x3];
	s4 =	simm.s32 $0x0;
	s16 =	simm.s32 $0x100  }
0x5: {  	s17 =	simm.s32 $0x200;
	s18 =	simm.s32 $0x80;
	s19 =	simm.s32 $0x4  }
0x6: {  	s20 =	simm.s32 $0x3;
	s9 =	sand.u32 $0x1, s3;
	s3 =	stileid.u32  }
0x7: {  	s21 =	simm.s32 $0x0;
	[smem:$0x7FF] =	sst s4;
	s7 =	smul.u32 $0x140000, s9  }
0x8: {  	s5 =	sadd.s32 $0x69600, s8;
	s6 =	sadd.s32 $0x5F600, s8;
	s10 =	smul.u32 $0x14000, s3  }
0x9: {  	_ =	strace $0x8000004D;
	s11 =	sshll.u32 s9, $0x4;
	s9 =	ssub.s32 $0x2, s9  }
0xa: {  	s12 =	smul.u32 $0x50000, s3;
	s31 =	sshll.u32 s3, $0x6;
	s11 =	sor.u32 s3, s11  }
0xb: {  	s29 =	sshrl.u32 s9, $0x1;
	s10 =	sadd.s32 s10, s7;
	s7 =	sadd.s32 $0x5600, s8  }
.Ltmp0:
0xc: {  	s14 =	ssub.s32 s9, s29;
	s10 =	sshrl.u32 s10, $0x3;
	(pc) =	sbr.rel .LBB2_1-.Ltmp0, $4  }
0xd: {  	s30 =	sshrl.u32 s12, $0x2;
	s13 =	sadd.s32 s10, s8;
	s8 =	smul.u32 $0x2800, s11  }
0xe: {  	s9 =	sor.u32 $0x1C05, s31;
	s15 =	sadd.s32 s30, s2;
	s12 =	sadd.s32 $0x91600, s13  }
0xf: {  	s13 =	smax.u32 s14, $0x1;
	s14 =	sshrl.u32 s15, $0x3;
	s11 =	sshrl.u32 s8, $0x3  }
0x10: {  	s15 =	simm.s32 $0x5;
	s10 =	sadd.s32 s6, s11;
	s11 =	sadd.s32 s7, s11  }
.LBB2_7:
0x11: {  	_ =	swait.ge [sflag:s19], $0x4000  }
0x12: {  	[sflag:s19] =	ssyncset.done $0x0  }
0x13: {  	[sflag:s19] =	ssyncadd.s32 $0xFFFFC000  }
0x14: {  	_ =	swait.ge [sflag:s20], $0x4000  }
0x15: {  	s21 =	sadd.s32 $0x1, s21;
	[sflag:s20] =	ssyncset.done $0x0  }
0x16: {  	p0 =	sne.s32 s21, s13;
	[sflag:s20] =	ssyncadd.s32 $0xFFFFC000  }
.Ltmp1:
0x17: {  	[bflag:$0x0] =	sbarrier.arrive $0xFFFF;
	(pc) =	sbr.rel @!p0 .LBB2_8-.Ltmp1, $4  }
0x18: {  	[hbm:s12], [sflag:s9] =	dma.local [spmem:s14], $0x2800  }
0x19: {  	_ =	swait.ge [sflag:s15], $0x2800  }
0x1a: {  	[sflag:s15] =	ssyncset.done $0x0  }
0x1b: {  	[sflag:s15] =	ssyncadd.s32 $0xFFFFD800  }
.LBB2_1:
0x1c: {  	[spmem:s14], [sflag:s9] =	dma.local [hbm:s1], $0x2800  }
0x1d: {  	_ =	swait.ge [sflag:s15], $0x2800  }
0x1e: {  	[sflag:s15] =	ssyncset.done $0x0  }
0x1f: {  	[sflag:s15] =	ssyncadd.s32 $0xFFFFD800  }
0x20: {  	[bflag:$0x0] =	sbarrier.arrive $0xFFFF  }
0x21: {  	[tilespmem:s4], [sflag:$0x5] =	stream.linear.gather [hbm4b:s10+s4], $0x80, $0x38;
	[tilespmem:$0x1C200] =	vst v63  }
0x22: {  	_ =	swait.ge [sflag:s15], $0x80  }
0x23: {  	[sflag:s15] =	ssyncset.done $0x0  }
0x24: {  	[sflag:s15] =	ssyncadd.s32 $0xFFFFFF80  }
0x25: {  	[tilespmem:s16], [sflag:$0x5] =	stream.linear.gather [hbm4b:s11+s4], $0x80, $0x38;
	[tilespmem:$0x1C200] =	vst v63  }
.Ltmp2:
0x26: {  	_ = 	snop;
	(pc) =	sbr.rel .LBB2_2-.Ltmp2, $4  }
0x27: {  	_ =	swait.ge [sflag:s15], $0x80  }
0x28: {  	[sflag:s15] =	ssyncset.done $0x0  }
0x29: {  	s22 =	simm.s32 $0x1;
	s23 =	simm.s32 $0x80;
	[sflag:s15] =	ssyncadd.s32 $0xFFFFFF80  }
0x2a: {  	[tilespmem:s17], [sflag:$0x1] =	stream.indirect.gather [hbm4b:s5+s18], $0x80, s4, s18, $0xb8;
	[tilespmem:$0x1C200] =	vst v63  }
.LBB2_5:
0x2b: {  	s26 =	sand.u32 $0x7C00, s23  }
0x2c: {  	s28 =	sand.u32 $0x380, s23;
	s26 =	sadd.s32 s8, s26  }
0x2d: {  	s26 =	sor.u32 s28, s26  }
0x2e: {  	s26 =	sshrl.u32 s26, $0x3  }
0x2f: {  	s28 =	sshll.u32 s25, $0x7;
	s29 =	sadd.s32 s6, s26  }
0x30: {  	[tilespmem:s28], [sflag:$0x5] =	stream.linear.gather [hbm4b:s29+s4], $0x80, $0x38;
	[tilespmem:$0x1C200] =	vst v63  }
0x31: {  	_ =	swait.ge [sflag:s15], $0x80  }
0x32: {  	[sflag:s15] =	ssyncset.done $0x0  }
0x33: {  	s31 =	sor.u32 $0x100, s28;
	s26 =	sadd.s32 s7, s26;
	[sflag:s15] =	ssyncadd.s32 $0xFFFFFF80  }
0x34: {  	[tilespmem:s31], [sflag:$0x5] =	stream.linear.gather [hbm4b:s26+s4], $0x80, $0x38;
	[tilespmem:$0x1C200] =	vst v63  }
0x35: {  	_ =	swait.ge [sflag:s15], $0x80  }
0x36: {  	s30 =	sshll.u32 s25, $0xE;
	[sflag:s15] =	ssyncset.done $0x0  }
0x37: {  	s26 =	sor.u32 $0x200, s30;
	s31 =	sadd.s32 $0x1, s25;
	[sflag:s15] =	ssyncadd.s32 $0xFFFFFF80  }
0x38: {  	[tilespmem:s26], [sflag:s31] =	stream.indirect.gather [hbm4b:s5+s18], $0x80, s28, s18, $0xb8;
	[tilespmem:$0x1C200] =	vst v63  }
.LBB2_6:
0x39: {  	s23 =	sadd.s32 $0x80, s23  }
0x3a: {  	s24 =	sand.u32 $0x1, s24;
	p0 =	sne.s32 s23, $0x2800  }
.Ltmp3:
0x3b: {  	s25 =	sadd.s32 $0x1, s24;
	(pc) =	sbr.rel @!p0 .LBB2_7-.Ltmp3, $4  }
0x3c: {  	s22 =	sadd.s32 $0x1, s22;
	s26 =	sshll.u32 s24, $0xE;
	_ =	swait.ge [sflag:s25], $0x4000  }
0x3d: {  	s28 =	sshll.u32 s24, $0x7;
	s24 =	sadd.s32 $0x3, s24;
	[sflag:s25] =	ssyncset.done $0x0  }
0x3e: {  	s26 =	sor.u32 $0x200, s26;
	s31 =	sor.u32 $0x100, s28;
	[sflag:s25] =	ssyncadd.s32 $0xFFFFC000  }
0x3f: {  	[spmem:s2] =	stream.indirect.scatter.add.f32 [tilespmem:s26], [sflag:s24], $0x80, s31, s18, $0xb8;
	[tilespmem:$0x1C200] =	vst v63  }
.LBB2_2:
0x40: {  	s24 =	sadd.s32 $0xFFFFFFFF, s22  }
0x41: {  	p0 =	seq.s32 s24, $0x0  }
.Ltmp4:
0x42: {  	_ = 	snop;
	(pc) =	sbr.rel @p0 .LBB2_5-.Ltmp4, $2  }
0x43: {  	_ =	sdelay $0x2  }
0x44: {  	s25 =	sand.u32 $0x1, s22  }
0x45: {  	p0 =	seq.s32 s24, $0x4E  }
.Ltmp5:
0x46: {  	_ = 	snop;
	(pc) =	sbr.rel @p0 .LBB2_6-.Ltmp5, $1  }
0x47: {  	_ =	sdelay $0x3  }
.Ltmp6:
0x48: {  	(pc) =	sbr.rel .LBB2_5-.Ltmp6, $4  }
0x49: {  	s26 =	sadd.s32 $0x3, s25  }
0x4a: {  	_ =	swait.ge [sflag:s26], $0x4000  }
0x4b: {  	[sflag:s26] =	ssyncset.done $0x0  }
0x4c: {  	[sflag:s26] =	ssyncadd.s32 $0xFFFFC000  }
.LBB2_8:
0x4d: {  	_ =	sfence.sel $0x180000  }
0x4e: {  	[bflag:$0x0] =	sbarrier.arrive $0xFFFF  }
0x4f: {  	p0 =	sne.s32 s3, $0x0;
	_ =	strace $0x9000004D  }
0x50: {  	s0 =	sadd.s32 @!p0 $0x100000, s0;
	[bflag:$0x2] =	sbarrier.arrive $0xFFFF  }
0x51: {  	[sflag:s0] =	ssyncadd.tile.s32 @!p0 $0x1;
	_ =	shalt  }
.Lfunc_end2:
_tile_overlayer_lowered:
.L_overlay_start_2:
0x52: {  	(tag) =	ssettag $0x2  }
0x53: {  	s0 =	rddreg [dreg:$0x0];
	s2 =	stileid.u32  }
0x54: {  	s1 =	rddreg [dreg:$0x1];
	p0 =	sne.s32 s2, $0x0  }
0x55: {  	s3 =	rddreg [dreg:$0x2];
	[bflag:$0x3] =	sbarrier.arrive $0xFFFF;
	s2 =	simm.s32 @!p0 $0x1C05  }
0x56: {  	[timem:s3], [sflag:s2] =	dma.local @!p0 [hbm:s0], s1  }
0x57: {  	s0 =	simm.s32 @!p0 $0x5  }
0x58: {  	_ =	swait.ge @!p0 [sflag:s0], s1  }
0x59: {  	s1 =	ssub.s32 @!p0 $0x0, s1;
	[sflag:s0] =	ssyncset.done @!p0 $0x0  }
0x5a: {  	[sflag:s0] =	ssyncadd.s32 @!p0 s1  }
0x5b: {  	[bflag:$0x3] =	sbarrier.arrive $0xFFFF  }
0x5c: {  	_ =	shalt  }

// kernel: kernel.21.cloned.1.call-start
scs
__scs_entry_jumppad:
0x0: {  	(pc) =	sbr.rel $0x88, $3  }
0x1: {  	(tag) =	ssettag $0x0;
	lr =	simm.s32 $0x1  }
0x2: {  	[smem:$0x3F93] =	sst lr;
	_ =	strace $0xD0000000  }
0x3: {  	_ = 	snop  }
0x4: {  	_ = 	snop  }
0x5: {  	_ = 	snop  }
0x6: {  	_ = 	snop  }
0x7: {  	_ = 	snop  }
__scs_overlays_trampoline_lowered:
0x8: {  	[smem:$0x3FA2] =	sst s0  }
0x9: {  	[smem:$0x3FA3] =	sst s1  }
0xa: {  	[smem:$0x3FA4] =	sst s2  }
0xb: {  	[smem:$0x3FA5] =	sst s3  }
0xc: {  	[smem:$0x3FA6] =	sst s4  }
0xd: {  	[smem:$0x3FA7] =	sst s5  }
0xe: {  	[smem:$0x3FA8] =	sst s6  }
0xf: {  	[smem:$0x3FA9] =	sst s7  }
0x10: {  	[smem:$0x3FAA] =	sst s8  }
0x11: {  	[smem:$0x3FAB] =	sst s9;
	s0 =	simm.s32 @!p0 $0x0  }
0x12: {  	s1 =	sld [smem:$0x3F91];
	s0 =	simm.s32 @p0 $0x1  }
0x13: {  	[smem:$0x3FAC] =	sst s0;
	s0 =	simm.s32 @!p1 $0x0  }
0x14: {  	s2 =	sld [smem:$0x3F90];
	s0 =	simm.s32 @p1 $0x1  }
0x15: {  	[smem:$0x3FAD] =	sst s0;
	s0 =	simm.s32 @!p2 $0x0  }
0x16: {  	s3 =	sld [smem:$0x3FDB];
	s0 =	simm.s32 @p2 $0x1  }
0x17: {  	s4 =	simm.s32 $0x1BF5;
	[smem:$0x3FAF] =	sst s0  }
0x18: {  	s0 =	sld [smem:$0x3F92];
	_ =	swait.ge [sflag:s4], $0x0  }
0x19: {  	s7 =	sld [smem:$0x3F93]  }
0x1a: {  	s8 =	sadd.s32 $0xFFFFE003, lr  }
0x1b: {  	s9 =	sadd.s32 $0xFFFFFEF7, lr;
	s5 =	simm.s32 $0xFFFFFFFF;
	p2 =	slt.u32 s8, $0xFFFFF086  }
0x1c: {  	p1 =	slt.u32 s9, $0xF7A;
	s5 =	simm.s32 @!p2 $0x0  }
0x1d: {  	s5 =	simm.s32 @p1 $0x1;
	p0 =	seq.s32 s7, s2  }
0x1e: {  	s7 =	smul.u32 @!p0 $0xF7A, s2;
	p2 =	seq.s32 @!p0 s5, $0x0  }
0x1f: {  	s9 =	smul.u32 $0xF7A, s1;
	s8 =	simm.s32 @!p0 $0x1BF5;
	p2 =	por !p2, p0  }
0x20: {  	[sflag:s8] =	ssyncset.s32 @!p0 $0xFFFFF086;
	s6 =	sadd.s32 @!p0 s3, s7;
	s7 =	simm.s32 @!p0 $0x108  }
0x21: {  	s3 =	sadd.s32 s3, s9;
	s6 =	sadd.s32 @!p0 $0x88, s6;
	s7 =	simm.s32 @p2 $0x1082  }
0x22: {  	[simem:s7], [sflag:s8] =	dma.local @!p0 [hbm:s6], $0xF7A  }
0x23: {  	s9 =	sor.u32 $0xD0000000, s2;
	s6 =	simm.s32 $0x108;
	_ =	swait.ge @!p0 [sflag:s8], $0x0  }
0x24: {  	s3 =	sadd.s32 $0x88, s3;
	s6 =	simm.s32 @!p1 $0x1082;
	[sflag:s4] =	ssyncset.s32 $0xFFFFF086  }
0x25: {  	[simem:s6], [sflag:s4] =	dma.local [hbm:s3], $0xF7A  }
0x26: {  	[smem:$0x3F93] =	sst s1;
	(tag) =	ssettag s2;
	_ =	strace s9  }
0x27: {  	s1 =	sld [smem:$0x3FA3]  }
0x28: {  	s2 =	sld [smem:$0x3FA4]  }
0x29: {  	s4 =	sld [smem:$0x3FA6]  }
0x2a: {  	p0 =	seq.s32 s5, $0x0;
	s5 =	sld [smem:$0x3FA7]  }
0x2b: {  	s6 =	sld [smem:$0x3FA8]  }
0x2c: {  	s7 =	sld [smem:$0x3FA9]  }
0x2d: {  	s3 =	simm.s32 $0x108;
	s8 =	sld [smem:$0x3FAA]  }
0x2e: {  	s3 =	simm.s32 @!p0 $0x1082;
	s9 =	sld [smem:$0x3FAB]  }
0x2f: {  	lr =	sadd.s32 s0, s3;
	s0 =	sld [smem:$0x3FA2]  }
0x30: {  	s3 =	sld [smem:$0x3FA5]  }
0x31: {  	[smem:$0x3FAE] =	sst s10  }
0x32: {  	s10 =	sld [smem:$0x3FAC];
	_ =	sdelay $0x3  }
0x33: {  	p0 =	seq.s32 s10, $0x1;
	s10 =	sld [smem:$0x3FAE];
	_ =	sdelay $0x3  }
0x34: {  	[smem:$0x3FAE] =	sst s10  }
0x35: {  	s10 =	sld [smem:$0x3FAD];
	_ =	sdelay $0x3  }
0x36: {  	p1 =	seq.s32 s10, $0x1;
	s10 =	sld [smem:$0x3FAE];
	_ =	sdelay $0x3  }
0x37: {  	[smem:$0x3FAE] =	sst s10  }
0x38: {  	s10 =	sld [smem:$0x3FAF]  }
0x39: {  	_ = 	snop;
	(pc) =	sbr.ind lr, $3  }
0x3a: {  	_ = 	snop  }
0x3b: {  	_ = 	snop  }
0x3c: {  	p2 =	seq.s32 s10, $0x1;
	s10 =	sld [smem:$0x3FAE]  }
0x3d: {  	_ =	shalt  }
0x3e: {  	_ =	shalt  }
0x3f: {  	_ =	shalt  }
0x40: {  	_ =	shalt  }
0x41: {  	_ =	shalt  }
0x42: {  	_ =	shalt  }
0x43: {  	_ =	shalt  }
0x44: {  	_ =	shalt  }
0x45: {  	_ =	shalt  }
0x46: {  	_ =	shalt  }
0x47: {  	_ =	shalt  }
0x48: {  	_ =	shalt  }
0x49: {  	_ =	shalt  }
0x4a: {  	_ =	shalt  }
0x4b: {  	_ =	shalt  }
0x4c: {  	_ =	shalt  }
0x4d: {  	_ =	shalt  }
0x4e: {  	_ =	shalt  }
0x4f: {  	_ =	shalt  }
0x50: {  	_ =	shalt  }
0x51: {  	_ =	shalt  }
0x52: {  	_ =	shalt  }
0x53: {  	_ =	shalt  }
0x54: {  	_ =	shalt  }
0x55: {  	_ =	shalt  }
0x56: {  	_ =	shalt  }
0x57: {  	_ =	shalt  }
0x58: {  	_ =	shalt  }
0x59: {  	_ =	shalt  }
0x5a: {  	_ =	shalt  }
0x5b: {  	_ =	shalt  }
0x5c: {  	_ =	shalt  }
0x5d: {  	_ =	shalt  }
0x5e: {  	_ =	shalt  }
0x5f: {  	_ =	shalt  }
0x60: {  	_ =	shalt  }
0x61: {  	_ =	shalt  }
0x62: {  	_ =	shalt  }
0x63: {  	_ =	shalt  }
0x64: {  	_ =	shalt  }
0x65: {  	_ =	shalt  }
0x66: {  	_ =	shalt  }
0x67: {  	_ =	shalt  }
0x68: {  	_ =	shalt  }
0x69: {  	_ =	shalt  }
0x6a: {  	_ =	shalt  }
0x6b: {  	_ =	shalt  }
0x6c: {  	_ =	shalt  }
0x6d: {  	_ =	shalt  }
0x6e: {  	_ =	shalt  }
0x6f: {  	_ =	shalt  }
0x70: {  	_ =	shalt  }
0x71: {  	_ =	shalt  }
0x72: {  	_ =	shalt  }
0x73: {  	_ =	shalt  }
0x74: {  	_ =	shalt  }
0x75: {  	_ =	shalt  }
0x76: {  	_ =	shalt  }
0x77: {  	_ =	shalt  }
0x78: {  	_ =	shalt  }
0x79: {  	_ =	shalt  }
0x7a: {  	_ =	shalt  }
0x7b: {  	_ =	shalt  }
0x7c: {  	_ =	shalt  }
0x7d: {  	_ =	shalt  }
0x7e: {  	_ =	shalt  }
0x7f: {  	_ =	shalt  }
0x80: {  	_ =	shalt  }
0x81: {  	_ =	shalt  }
0x82: {  	_ =	shalt  }
0x83: {  	_ =	shalt  }
0x84: {  	_ =	shalt  }
0x85: {  	_ =	shalt  }
0x86: {  	_ =	shalt  }
0x87: {  	_ =	shalt  }
.Lfunc_end0:
.L_simem_size_0:
called_computation.3_lowered:
.L_overlay_start_0:
0x88: {  	s2 =	sld [smem:$0x3FD9]  }
0x89: {  	s3 =	sld [smem:$0x3FFE];
	_ =	sdelay $0x1  }
0x8a: {  	s1 =	srdreg.scid  }
0x8b: {  	s0 =	sand.u32 $0x1, s1  }
0x8c: {  	s14 =	sshll.u32 s0, $0xA;
	s2 =	sadd.s32 s3, s2  }
0x8d: {  	s2 =	sadd.s32 s2, s14  }
0x8e: {  	[smem:$0x3FBA] =	sst s2  }
0x8f: {  	_ = 	snop  }
0x90: {  	s2 =	sld [smem:$0x3FD0];
	_ =	sdelay $0x2  }
0x91: {  	s15 =	simm.s32 $0xB;
	s4 =	simm.s32 $0x10  }
0x92: {  	[smem:s4], [sflag:s15] =	dma.local [hbm:s2], $0x1  }
0x93: {  	_ =	swait.eq [sflag:s15], $0x1  }
0x94: {  	[sflag:s15] =	ssyncset.done $0x0  }
0x95: {  	[sflag:s15] =	ssyncadd.s32 $0xFFFFFFFF  }
0x96: {  	s16 =	sld [smem:$0x11];
	(tm) =	ssettm $0x1  }
0x97: {  	s17 =	sld [smem:$0x3FFB];
	_ =	sdelay $0x3  }
0x98: {  	_ =	strace s17  }
0x99: {  	s3 =	sld [smem:$0x3FFC];
	_ =	sdelay $0x3  }
0x9a: {  	_ =	strace s3  }
0x9b: {  	s3 =	sld [smem:$0x3FFD];
	_ =	sdelay $0x3  }
0x9c: {  	_ =	strace s3  }
0x9d: {  	_ =	strace $0x8FFFFFFF  }
0x9e: {  	s18 =	sld [smem:$0x3FDB];
	_ =	sdelay $0x1  }
0x9f: {  	s19 =	simm.s32 $_scs_section_size  }
0xa0: {  	s5 =	simm.s32 $_size__tile_overlayer_lowered;
	s6 =	simm.s32 $_tile_overlayer_lowered  }
0xa1: {  	s22 =	simm.s32 $0x1BFF;
	s21 =	sshll.u32 s6, $0x1;
	s3 =	sadd.s32 s19, s18  }
0xa2: {  	s7 =	simm.s32 $0x0;
	s20 =	sshll.u32 s5, $0x1;
	s5 =	sadd.s32 s21, s3  }
0xa3: {  	[timem:s7], [sflag:s22] =	dma.local [hbm:s5], s20  }
0xa4: {  	_ =	swait.ge [sflag:s22], s20  }
0xa5: {  	s4 =	ssub.s32 $0x0, s20;
	[sflag:s22] =	ssyncset.done $0x0  }
0xa6: {  	[sflag:s22] =	ssyncadd.s32 s4;
	_ =	sdelay $0x1  }
0xa7: {  	s23 =	simm.s32 $0x1B8B  }
0xa8: {  	_ =	swait.ge [sflag:s23], $0x1  }
0xa9: {  	[sflag:s23] =	ssyncset.done $0x0  }
0xaa: {  	s25 =	simm.s32 $0x1B8E;
	s24 =	sld [smem:$0x3FFE];
	[sflag:s23] =	ssyncadd.s32 $0xFFFFFFFF  }
0xab: {  	s26 =	simm.s32 $execute0_lowered;
	[smem:$0x3FD2] =	sst s25  }
0xac: {  	s5 =	sshll.u32 s26, $0x1;
	_ =	strace $0x8000004F;
	[dreg:$0x1] =	wrdreg $0xFFFFFFFF  }
0xad: {  	s28 =	simm.s32 $_size_execute0_lowered;
	s3 =	sadd.s32 s3, s5;
	[dreg:$0x0] =	wrdreg $0x0  }
0xae: {  	s5 =	sshll.u32 s28, $0x1;
	[dreg:$0x2] =	wrdreg s3  }
0xaf: {  	[dreg:$0x3] =	wrdreg s5  }
0xb0: {  	[dreg:$0x4] =	wrdreg $0xC0  }
0xb1: {  	_ =	task [dreg:s7], $0x5FFFF  }
0xb2: {  	[dreg:$0x1] =	wrdreg $0xFFFFFFFF  }
0xb3: {  	[dreg:$0x0] =	wrdreg $0x60  }
0xb4: {  	[dreg:$0x2] =	wrdreg s24  }
0xb5: {  	[dreg:$0x3] =	wrdreg s16  }
0xb6: {  	[dreg:$0x4] =	wrdreg $0x82000  }
0xb7: {  	[dreg:$0x5] =	wrdreg $0x9  }
0xb8: {  	_ =	task.clear_ibuf [dreg:s7], $0x6FFFF;
	_ =	strace $0x9000004F  }
0xb9: {  	s29 =	simm.s32 $0x9;
	_ =	strace $0x80000051  }
0xba: {  	_ =	swait.ge [sflag:s29], $0x1  }
0xbb: {  	[sflag:s29] =	ssyncadd.s32 $0xFFFFFFFF  }
0xbc: {  	_ =	strace $0x90000051  }
0xbd: {  	_ =	sfence  }
0xbe: {  	s30 =	sld [smem:$0x0];
	_ =	sdelay $0x2  }
0xbf: {  	s31 =	sshll.u32 s1, $0xD;
	s1 =	sshrl.u32 s1, $0x2  }
0xc0: {  	s3 =	sand.u32 $0x4000, s31;
	s1 =	sadd.s32 s1, s30  }
0xc1: {  	s0 =	sor.u32 s3, s0;
	s1 =	sshll.u32 s1, $0x11  }
0xc2: {  	s0 =	sor.u32 s1, s0  }
0xc3: {  	s0 =	sadd.s32 $0x8F2B, s0  }
0xc4: {  	[sflag:s0] =	ssyncadd.remote.s32 $0x1  }
0xc5: {  	_ =	sfence.sel $0xFFFF  }
0xc6: {  	[dreg:$0x0] =	wrdreg $0xFFFFFFFF;
	(pc) =	sbr.abs _section_cstart, $3  }
0xc7: {  	[dreg:$0x1] =	wrdreg $0xFFFFFFFF  }
0xc8: {  	_ =	task.clear_ibuf [dreg:s7], $0x2FFFF;
	_ =	strace $0x9FFFFFFF  }
0xc9: {  	(tm) =	ssettm $0x7FFFFFFF  }
tec
execute0_lowered:
.L_overlay_start_1:
0x0: {  	(tag) =	ssettag $0x1  }
0x1: {  	s8 =	rddreg [dreg:$0x0]  }
0x2: {  	s1 =	rddreg [dreg:$0x1]  }
0x3: {  	s2 =	rddreg [dreg:$0x2];
	s3 =	srdreg.scid  }
0x4: {  	s0 =	rddreg [dreg:$0x3];
	s4 =	simm.s32 $0x0;
	s16 =	simm.s32 $0x100  }
0x5: {  	s17 =	simm.s32 $0x200;
	s18 =	simm.s32 $0x80;
	s19 =	simm.s32 $0x4  }
0x6: {  	s20 =	simm.s32 $0x3;
	s9 =	sand.u32 $0x1, s3;
	s3 =	stileid.u32  }
0x7: {  	s21 =	simm.s32 $0x0;
	[smem:$0x7FF] =	sst s4;
	s7 =	smul.u32 $0x140000, s9  }
0x8: {  	s5 =	sadd.s32 $0x69600, s8;
	s6 =	sadd.s32 $0x5F600, s8;
	s10 =	smul.u32 $0x14000, s3  }
0x9: {  	_ =	strace $0x80000050;
	s11 =	sshll.u32 s9, $0x4;
	s9 =	ssub.s32 $0x2, s9  }
0xa: {  	s12 =	smul.u32 $0x50000, s3;
	s31 =	sshll.u32 s3, $0x6;
	s11 =	sor.u32 s3, s11  }
0xb: {  	s29 =	sshrl.u32 s9, $0x1;
	s10 =	sadd.s32 s10, s7;
	s7 =	sadd.s32 $0x5600, s8  }
.Ltmp0:
0xc: {  	s14 =	ssub.s32 s9, s29;
	s10 =	sshrl.u32 s10, $0x3;
	(pc) =	sbr.rel .LBB2_1-.Ltmp0, $4  }
0xd: {  	s30 =	sshrl.u32 s12, $0x2;
	s13 =	sadd.s32 s10, s8;
	s8 =	smul.u32 $0x2800, s11  }
0xe: {  	s9 =	sor.u32 $0x1C05, s31;
	s15 =	sadd.s32 s30, s2;
	s12 =	sadd.s32 $0xB9600, s13  }
0xf: {  	s13 =	smax.u32 s14, $0x1;
	s14 =	sshrl.u32 s15, $0x3;
	s11 =	sshrl.u32 s8, $0x3  }
0x10: {  	s15 =	simm.s32 $0x5;
	s10 =	sadd.s32 s6, s11;
	s11 =	sadd.s32 s7, s11  }
.LBB2_7:
0x11: {  	_ =	swait.ge [sflag:s19], $0x4000  }
0x12: {  	[sflag:s19] =	ssyncset.done $0x0  }
0x13: {  	[sflag:s19] =	ssyncadd.s32 $0xFFFFC000  }
0x14: {  	_ =	swait.ge [sflag:s20], $0x4000  }
0x15: {  	s21 =	sadd.s32 $0x1, s21;
	[sflag:s20] =	ssyncset.done $0x0  }
0x16: {  	p0 =	sne.s32 s21, s13;
	[sflag:s20] =	ssyncadd.s32 $0xFFFFC000  }
.Ltmp1:
0x17: {  	[bflag:$0x0] =	sbarrier.arrive $0xFFFF;
	(pc) =	sbr.rel @!p0 .LBB2_8-.Ltmp1, $4  }
0x18: {  	[hbm:s12], [sflag:s9] =	dma.local [spmem:s14], $0x2800  }
0x19: {  	_ =	swait.ge [sflag:s15], $0x2800  }
0x1a: {  	[sflag:s15] =	ssyncset.done $0x0  }
0x1b: {  	[sflag:s15] =	ssyncadd.s32 $0xFFFFD800  }
.LBB2_1:
0x1c: {  	[spmem:s14], [sflag:s9] =	dma.local [hbm:s1], $0x2800  }
0x1d: {  	_ =	swait.ge [sflag:s15], $0x2800  }
0x1e: {  	[sflag:s15] =	ssyncset.done $0x0  }
0x1f: {  	[sflag:s15] =	ssyncadd.s32 $0xFFFFD800  }
0x20: {  	[bflag:$0x0] =	sbarrier.arrive $0xFFFF  }
0x21: {  	[tilespmem:s4], [sflag:$0x5] =	stream.linear.gather [hbm4b:s10+s4], $0x80, $0x38;
	[tilespmem:$0x1C200] =	vst v63  }
0x22: {  	_ =	swait.ge [sflag:s15], $0x80  }
0x23: {  	[sflag:s15] =	ssyncset.done $0x0  }
0x24: {  	[sflag:s15] =	ssyncadd.s32 $0xFFFFFF80  }
0x25: {  	[tilespmem:s16], [sflag:$0x5] =	stream.linear.gather [hbm4b:s11+s4], $0x80, $0x38;
	[tilespmem:$0x1C200] =	vst v63  }
.Ltmp2:
0x26: {  	_ = 	snop;
	(pc) =	sbr.rel .LBB2_2-.Ltmp2, $4  }
0x27: {  	_ =	swait.ge [sflag:s15], $0x80  }
0x28: {  	[sflag:s15] =	ssyncset.done $0x0  }
0x29: {  	s22 =	simm.s32 $0x1;
	s23 =	simm.s32 $0x80;
	[sflag:s15] =	ssyncadd.s32 $0xFFFFFF80  }
0x2a: {  	[tilespmem:s17], [sflag:$0x1] =	stream.indirect.gather [hbm4b:s5+s18], $0x80, s4, s18, $0xb8;
	[tilespmem:$0x1C200] =	vst v63  }
.LBB2_5:
0x2b: {  	s26 =	sand.u32 $0x7C00, s23  }
0x2c: {  	s28 =	sand.u32 $0x380, s23;
	s26 =	sadd.s32 s8, s26  }
0x2d: {  	s26 =	sor.u32 s28, s26  }
0x2e: {  	s26 =	sshrl.u32 s26, $0x3  }
0x2f: {  	s28 =	sshll.u32 s25, $0x7;
	s29 =	sadd.s32 s6, s26  }
0x30: {  	[tilespmem:s28], [sflag:$0x5] =	stream.linear.gather [hbm4b:s29+s4], $0x80, $0x38;
	[tilespmem:$0x1C200] =	vst v63  }
0x31: {  	_ =	swait.ge [sflag:s15], $0x80  }
0x32: {  	[sflag:s15] =	ssyncset.done $0x0  }
0x33: {  	s31 =	sor.u32 $0x100, s28;
	s26 =	sadd.s32 s7, s26;
	[sflag:s15] =	ssyncadd.s32 $0xFFFFFF80  }
0x34: {  	[tilespmem:s31], [sflag:$0x5] =	stream.linear.gather [hbm4b:s26+s4], $0x80, $0x38;
	[tilespmem:$0x1C200] =	vst v63  }
0x35: {  	_ =	swait.ge [sflag:s15], $0x80  }
0x36: {  	s30 =	sshll.u32 s25, $0xE;
	[sflag:s15] =	ssyncset.done $0x0  }
0x37: {  	s26 =	sor.u32 $0x200, s30;
	s31 =	sadd.s32 $0x1, s25;
	[sflag:s15] =	ssyncadd.s32 $0xFFFFFF80  }
0x38: {  	[tilespmem:s26], [sflag:s31] =	stream.indirect.gather [hbm4b:s5+s18], $0x80, s28, s18, $0xb8;
	[tilespmem:$0x1C200] =	vst v63  }
.LBB2_6:
0x39: {  	s23 =	sadd.s32 $0x80, s23  }
0x3a: {  	s24 =	sand.u32 $0x1, s24;
	p0 =	sne.s32 s23, $0x2800  }
.Ltmp3:
0x3b: {  	s25 =	sadd.s32 $0x1, s24;
	(pc) =	sbr.rel @!p0 .LBB2_7-.Ltmp3, $4  }
0x3c: {  	s22 =	sadd.s32 $0x1, s22;
	s26 =	sshll.u32 s24, $0xE;
	_ =	swait.ge [sflag:s25], $0x4000  }
0x3d: {  	s28 =	sshll.u32 s24, $0x7;
	s24 =	sadd.s32 $0x3, s24;
	[sflag:s25] =	ssyncset.done $0x0  }
0x3e: {  	s26 =	sor.u32 $0x200, s26;
	s31 =	sor.u32 $0x100, s28;
	[sflag:s25] =	ssyncadd.s32 $0xFFFFC000  }
0x3f: {  	[spmem:s2] =	stream.indirect.scatter.add.f32 [tilespmem:s26], [sflag:s24], $0x80, s31, s18, $0xb8;
	[tilespmem:$0x1C200] =	vst v63  }
.LBB2_2:
0x40: {  	s24 =	sadd.s32 $0xFFFFFFFF, s22  }
0x41: {  	p0 =	seq.s32 s24, $0x0  }
.Ltmp4:
0x42: {  	_ = 	snop;
	(pc) =	sbr.rel @p0 .LBB2_5-.Ltmp4, $2  }
0x43: {  	_ =	sdelay $0x2  }
0x44: {  	s25 =	sand.u32 $0x1, s22  }
0x45: {  	p0 =	seq.s32 s24, $0x4E  }
.Ltmp5:
0x46: {  	_ = 	snop;
	(pc) =	sbr.rel @p0 .LBB2_6-.Ltmp5, $1  }
0x47: {  	_ =	sdelay $0x3  }
.Ltmp6:
0x48: {  	(pc) =	sbr.rel .LBB2_5-.Ltmp6, $4  }
0x49: {  	s26 =	sadd.s32 $0x3, s25  }
0x4a: {  	_ =	swait.ge [sflag:s26], $0x4000  }
0x4b: {  	[sflag:s26] =	ssyncset.done $0x0  }
0x4c: {  	[sflag:s26] =	ssyncadd.s32 $0xFFFFC000  }
.LBB2_8:
0x4d: {  	_ =	sfence.sel $0x180000  }
0x4e: {  	[bflag:$0x0] =	sbarrier.arrive $0xFFFF  }
0x4f: {  	p0 =	sne.s32 s3, $0x0;
	_ =	strace $0x90000050  }
0x50: {  	s0 =	sadd.s32 @!p0 $0x100000, s0;
	[bflag:$0x2] =	sbarrier.arrive $0xFFFF  }
0x51: {  	[sflag:s0] =	ssyncadd.tile.s32 @!p0 $0x1;
	_ =	shalt  }
.Lfunc_end2:
_tile_overlayer_lowered:
.L_overlay_start_2:
0x52: {  	(tag) =	ssettag $0x2  }
0x53: {  	s0 =	rddreg [dreg:$0x0];
	s2 =	stileid.u32  }
0x54: {  	s1 =	rddreg [dreg:$0x1];
	p0 =	sne.s32 s2, $0x0  }
0x55: {  	s3 =	rddreg [dreg:$0x2];
	[bflag:$0x3] =	sbarrier.arrive $0xFFFF;
	s2 =	simm.s32 @!p0 $0x1C05  }
0x56: {  	[timem:s3], [sflag:s2] =	dma.local @!p0 [hbm:s0], s1  }
0x57: {  	s0 =	simm.s32 @!p0 $0x5  }
0x58: {  	_ =	swait.ge @!p0 [sflag:s0], s1  }
0x59: {  	s1 =	ssub.s32 @!p0 $0x0, s1;
	[sflag:s0] =	ssyncset.done @!p0 $0x0  }
0x5a: {  	[sflag:s0] =	ssyncadd.s32 @!p0 s1  }
0x5b: {  	[bflag:$0x3] =	sbarrier.arrive $0xFFFF  }
0x5c: {  	_ =	shalt  }

// kernel: kernel.24.cloned.1.call-start
scs
__scs_entry_jumppad:
0x0: {  	(pc) =	sbr.rel $0x88, $3  }
0x1: {  	(tag) =	ssettag $0x0;
	lr =	simm.s32 $0x1  }
0x2: {  	[smem:$0x3F93] =	sst lr;
	_ =	strace $0xD0000000  }
0x3: {  	_ = 	snop  }
0x4: {  	_ = 	snop  }
0x5: {  	_ = 	snop  }
0x6: {  	_ = 	snop  }
0x7: {  	_ = 	snop  }
__scs_overlays_trampoline_lowered:
0x8: {  	[smem:$0x3FA2] =	sst s0  }
0x9: {  	[smem:$0x3FA3] =	sst s1  }
0xa: {  	[smem:$0x3FA4] =	sst s2  }
0xb: {  	[smem:$0x3FA5] =	sst s3  }
0xc: {  	[smem:$0x3FA6] =	sst s4  }
0xd: {  	[smem:$0x3FA7] =	sst s5  }
0xe: {  	[smem:$0x3FA8] =	sst s6  }
0xf: {  	[smem:$0x3FA9] =	sst s7  }
0x10: {  	[smem:$0x3FAA] =	sst s8  }
0x11: {  	[smem:$0x3FAB] =	sst s9;
	s0 =	simm.s32 @!p0 $0x0  }
0x12: {  	s1 =	sld [smem:$0x3F91];
	s0 =	simm.s32 @p0 $0x1  }
0x13: {  	[smem:$0x3FAC] =	sst s0;
	s0 =	simm.s32 @!p1 $0x0  }
0x14: {  	s2 =	sld [smem:$0x3F90];
	s0 =	simm.s32 @p1 $0x1  }
0x15: {  	[smem:$0x3FAD] =	sst s0;
	s0 =	simm.s32 @!p2 $0x0  }
0x16: {  	s3 =	sld [smem:$0x3FDB];
	s0 =	simm.s32 @p2 $0x1  }
0x17: {  	s4 =	simm.s32 $0x1BF5;
	[smem:$0x3FAF] =	sst s0  }
0x18: {  	s0 =	sld [smem:$0x3F92];
	_ =	swait.ge [sflag:s4], $0x0  }
0x19: {  	s7 =	sld [smem:$0x3F93]  }
0x1a: {  	s8 =	sadd.s32 $0xFFFFE003, lr  }
0x1b: {  	s9 =	sadd.s32 $0xFFFFFEF7, lr;
	s5 =	simm.s32 $0xFFFFFFFF;
	p2 =	slt.u32 s8, $0xFFFFF086  }
0x1c: {  	p1 =	slt.u32 s9, $0xF7A;
	s5 =	simm.s32 @!p2 $0x0  }
0x1d: {  	s5 =	simm.s32 @p1 $0x1;
	p0 =	seq.s32 s7, s2  }
0x1e: {  	s7 =	smul.u32 @!p0 $0xF7A, s2;
	p2 =	seq.s32 @!p0 s5, $0x0  }
0x1f: {  	s9 =	smul.u32 $0xF7A, s1;
	s8 =	simm.s32 @!p0 $0x1BF5;
	p2 =	por !p2, p0  }
0x20: {  	[sflag:s8] =	ssyncset.s32 @!p0 $0xFFFFF086;
	s6 =	sadd.s32 @!p0 s3, s7;
	s7 =	simm.s32 @!p0 $0x108  }
0x21: {  	s3 =	sadd.s32 s3, s9;
	s6 =	sadd.s32 @!p0 $0x88, s6;
	s7 =	simm.s32 @p2 $0x1082  }
0x22: {  	[simem:s7], [sflag:s8] =	dma.local @!p0 [hbm:s6], $0xF7A  }
0x23: {  	s9 =	sor.u32 $0xD0000000, s2;
	s6 =	simm.s32 $0x108;
	_ =	swait.ge @!p0 [sflag:s8], $0x0  }
0x24: {  	s3 =	sadd.s32 $0x88, s3;
	s6 =	simm.s32 @!p1 $0x1082;
	[sflag:s4] =	ssyncset.s32 $0xFFFFF086  }
0x25: {  	[simem:s6], [sflag:s4] =	dma.local [hbm:s3], $0xF7A  }
0x26: {  	[smem:$0x3F93] =	sst s1;
	(tag) =	ssettag s2;
	_ =	strace s9  }
0x27: {  	s1 =	sld [smem:$0x3FA3]  }
0x28: {  	s2 =	sld [smem:$0x3FA4]  }
0x29: {  	s4 =	sld [smem:$0x3FA6]  }
0x2a: {  	p0 =	seq.s32 s5, $0x0;
	s5 =	sld [smem:$0x3FA7]  }
0x2b: {  	s6 =	sld [smem:$0x3FA8]  }
0x2c: {  	s7 =	sld [smem:$0x3FA9]  }
0x2d: {  	s3 =	simm.s32 $0x108;
	s8 =	sld [smem:$0x3FAA]  }
0x2e: {  	s3 =	simm.s32 @!p0 $0x1082;
	s9 =	sld [smem:$0x3FAB]  }
0x2f: {  	lr =	sadd.s32 s0, s3;
	s0 =	sld [smem:$0x3FA2]  }
0x30: {  	s3 =	sld [smem:$0x3FA5]  }
0x31: {  	[smem:$0x3FAE] =	sst s10  }
0x32: {  	s10 =	sld [smem:$0x3FAC];
	_ =	sdelay $0x3  }
0x33: {  	p0 =	seq.s32 s10, $0x1;
	s10 =	sld [smem:$0x3FAE];
	_ =	sdelay $0x3  }
0x34: {  	[smem:$0x3FAE] =	sst s10  }
0x35: {  	s10 =	sld [smem:$0x3FAD];
	_ =	sdelay $0x3  }
0x36: {  	p1 =	seq.s32 s10, $0x1;
	s10 =	sld [smem:$0x3FAE];
	_ =	sdelay $0x3  }
0x37: {  	[smem:$0x3FAE] =	sst s10  }
0x38: {  	s10 =	sld [smem:$0x3FAF]  }
0x39: {  	_ = 	snop;
	(pc) =	sbr.ind lr, $3  }
0x3a: {  	_ = 	snop  }
0x3b: {  	_ = 	snop  }
0x3c: {  	p2 =	seq.s32 s10, $0x1;
	s10 =	sld [smem:$0x3FAE]  }
0x3d: {  	_ =	shalt  }
0x3e: {  	_ =	shalt  }
0x3f: {  	_ =	shalt  }
0x40: {  	_ =	shalt  }
0x41: {  	_ =	shalt  }
0x42: {  	_ =	shalt  }
0x43: {  	_ =	shalt  }
0x44: {  	_ =	shalt  }
0x45: {  	_ =	shalt  }
0x46: {  	_ =	shalt  }
0x47: {  	_ =	shalt  }
0x48: {  	_ =	shalt  }
0x49: {  	_ =	shalt  }
0x4a: {  	_ =	shalt  }
0x4b: {  	_ =	shalt  }
0x4c: {  	_ =	shalt  }
0x4d: {  	_ =	shalt  }
0x4e: {  	_ =	shalt  }
0x4f: {  	_ =	shalt  }
0x50: {  	_ =	shalt  }
0x51: {  	_ =	shalt  }
0x52: {  	_ =	shalt  }
0x53: {  	_ =	shalt  }
0x54: {  	_ =	shalt  }
0x55: {  	_ =	shalt  }
0x56: {  	_ =	shalt  }
0x57: {  	_ =	shalt  }
0x58: {  	_ =	shalt  }
0x59: {  	_ =	shalt  }
0x5a: {  	_ =	shalt  }
0x5b: {  	_ =	shalt  }
0x5c: {  	_ =	shalt  }
0x5d: {  	_ =	shalt  }
0x5e: {  	_ =	shalt  }
0x5f: {  	_ =	shalt  }
0x60: {  	_ =	shalt  }
0x61: {  	_ =	shalt  }
0x62: {  	_ =	shalt  }
0x63: {  	_ =	shalt  }
0x64: {  	_ =	shalt  }
0x65: {  	_ =	shalt  }
0x66: {  	_ =	shalt  }
0x67: {  	_ =	shalt  }
0x68: {  	_ =	shalt  }
0x69: {  	_ =	shalt  }
0x6a: {  	_ =	shalt  }
0x6b: {  	_ =	shalt  }
0x6c: {  	_ =	shalt  }
0x6d: {  	_ =	shalt  }
0x6e: {  	_ =	shalt  }
0x6f: {  	_ =	shalt  }
0x70: {  	_ =	shalt  }
0x71: {  	_ =	shalt  }
0x72: {  	_ =	shalt  }
0x73: {  	_ =	shalt  }
0x74: {  	_ =	shalt  }
0x75: {  	_ =	shalt  }
0x76: {  	_ =	shalt  }
0x77: {  	_ =	shalt  }
0x78: {  	_ =	shalt  }
0x79: {  	_ =	shalt  }
0x7a: {  	_ =	shalt  }
0x7b: {  	_ =	shalt  }
0x7c: {  	_ =	shalt  }
0x7d: {  	_ =	shalt  }
0x7e: {  	_ =	shalt  }
0x7f: {  	_ =	shalt  }
0x80: {  	_ =	shalt  }
0x81: {  	_ =	shalt  }
0x82: {  	_ =	shalt  }
0x83: {  	_ =	shalt  }
0x84: {  	_ =	shalt  }
0x85: {  	_ =	shalt  }
0x86: {  	_ =	shalt  }
0x87: {  	_ =	shalt  }
.Lfunc_end0:
.L_simem_size_0:
called_computation.4_lowered:
.L_overlay_start_0:
0x88: {  	s2 =	sld [smem:$0x3FD9]  }
0x89: {  	s3 =	sld [smem:$0x3FFE];
	_ =	sdelay $0x1  }
0x8a: {  	s1 =	srdreg.scid  }
0x8b: {  	s0 =	sand.u32 $0x1, s1  }
0x8c: {  	s17 =	sshll.u32 s0, $0xA;
	s2 =	sadd.s32 s3, s2  }
0x8d: {  	s2 =	sadd.s32 s2, s17  }
0x8e: {  	[smem:$0x3FBA] =	sst s2  }
0x8f: {  	_ = 	snop  }
0x90: {  	s2 =	sld [smem:$0x3FC7];
	(tm) =	ssettm $0x1  }
0x91: {  	s18 =	sld [smem:$0x3FFB];
	_ =	sdelay $0x3  }
0x92: {  	_ =	strace s18  }
0x93: {  	s3 =	sld [smem:$0x3FFC];
	_ =	sdelay $0x3  }
0x94: {  	_ =	strace s3  }
0x95: {  	s3 =	sld [smem:$0x3FFD];
	_ =	sdelay $0x3  }
0x96: {  	_ =	strace s3  }
0x97: {  	_ =	strace $0x8FFFFFFF  }
0x98: {  	s19 =	sld [smem:$0x3FDB];
	_ =	sdelay $0x1  }
0x99: {  	s4 =	simm.s32 $_scs_section_size  }
0x9a: {  	s5 =	simm.s32 $_size__tile_overlayer_lowered;
	s6 =	simm.s32 $_tile_overlayer_lowered  }
0x9b: {  	s22 =	simm.s32 $0x1BFF;
	s21 =	sshll.u32 s6, $0x1;
	s3 =	sadd.s32 s4, s19  }
0x9c: {  	s7 =	simm.s32 $0x0;
	s20 =	sshll.u32 s5, $0x1;
	s5 =	sadd.s32 s21, s3  }
0x9d: {  	[timem:s7], [sflag:s22] =	dma.local [hbm:s5], s20  }
0x9e: {  	_ =	swait.ge [sflag:s22], s20  }
0x9f: {  	s4 =	ssub.s32 $0x0, s20;
	[sflag:s22] =	ssyncset.done $0x0  }
0xa0: {  	[sflag:s22] =	ssyncadd.s32 s4;
	_ =	sdelay $0x1  }
0xa1: {  	s23 =	simm.s32 $0x1B8B  }
0xa2: {  	_ =	swait.ge [sflag:s23], $0x1  }
0xa3: {  	[sflag:s23] =	ssyncset.done $0x0  }
0xa4: {  	s25 =	simm.s32 $0x1B8E;
	s24 =	sld [smem:$0x3FFE];
	[sflag:s23] =	ssyncadd.s32 $0xFFFFFFFF  }
0xa5: {  	s26 =	simm.s32 $execute0_lowered;
	[smem:$0x3FD2] =	sst s25  }
0xa6: {  	s5 =	sshll.u32 s26, $0x1;
	_ =	strace $0x80000052;
	[dreg:$0x1] =	wrdreg $0xFFFFFFFF  }
0xa7: {  	s28 =	simm.s32 $_size_execute0_lowered;
	s3 =	sadd.s32 s3, s5;
	[dreg:$0x0] =	wrdreg $0x0  }
0xa8: {  	s5 =	sshll.u32 s28, $0x1;
	[dreg:$0x2] =	wrdreg s3  }
0xa9: {  	[dreg:$0x3] =	wrdreg s5  }
0xaa: {  	[dreg:$0x4] =	wrdreg $0xC0  }
0xab: {  	_ =	task [dreg:s7], $0x5FFFF  }
0xac: {  	[dreg:$0x1] =	wrdreg $0xFFFFFFFF  }
0xad: {  	[dreg:$0x0] =	wrdreg $0x60  }
0xae: {  	[dreg:$0x2] =	wrdreg s24  }
0xaf: {  	[dreg:$0x3] =	wrdreg s2  }
0xb0: {  	[dreg:$0x4] =	wrdreg $0x9  }
0xb1: {  	_ =	task.clear_ibuf [dreg:s7], $0x5FFFF;
	_ =	strace $0x90000052  }
0xb2: {  	s29 =	simm.s32 $0x9;
	_ =	strace $0x80000054  }
0xb3: {  	_ =	swait.ge [sflag:s29], $0x1  }
0xb4: {  	[sflag:s29] =	ssyncadd.s32 $0xFFFFFFFF  }
0xb5: {  	_ =	strace $0x90000054  }
0xb6: {  	_ =	sfence  }
0xb7: {  	s30 =	sld [smem:$0x0];
	_ =	sdelay $0x2  }
0xb8: {  	s31 =	sshll.u32 s1, $0xD;
	s1 =	sshrl.u32 s1, $0x2  }
0xb9: {  	s3 =	sand.u32 $0x4000, s31;
	s1 =	sadd.s32 s1, s30  }
0xba: {  	s0 =	sor.u32 s3, s0;
	s1 =	sshll.u32 s1, $0x11  }
0xbb: {  	s0 =	sor.u32 s1, s0  }
0xbc: {  	s0 =	sadd.s32 $0x8F2B, s0  }
0xbd: {  	[sflag:s0] =	ssyncadd.remote.s32 $0x1  }
0xbe: {  	_ =	sfence.sel $0xFFFF  }
0xbf: {  	[dreg:$0x0] =	wrdreg $0xFFFFFFFF;
	(pc) =	sbr.abs _section_cstart, $3  }
0xc0: {  	[dreg:$0x1] =	wrdreg $0xFFFFFFFF  }
0xc1: {  	_ =	task.clear_ibuf [dreg:s7], $0x2FFFF;
	_ =	strace $0x9FFFFFFF  }
0xc2: {  	(tm) =	ssettm $0x7FFFFFFF  }
0xc3: {  	_ =	shalt  }
tec
execute0_lowered:
.L_overlay_start_1:
0x0: {  	(tag) =	ssettag $0x1  }
0x1: {  	s1 =	srdreg.scid  }
0x2: {  	s16 =	rddreg [dreg:$0x0];
	s0 =	stileid.u32;
	s17 =	sand.u32 $0x1, s1  }
0x3: {  	s3 =	rddreg [dreg:$0x1];
	s5 =	sshll.u32 s0, $0x5;
	s4 =	sshll.u32 s17, $0x9  }
0x4: {  	s2 =	simm.s32 $0x0;
	s1 =	rddreg [dreg:$0x2];
	s9 =	sor.u32 s5, s4  }
0x5: {  	[smem:$0x7FF] =	sst s2;
	s4 =	sshrl.u32 s9, $0x3  }
0x6: {  	_ =	strace $0x80000053;
	s4 =	sadd.s32 s3, s4;
	s3 =	simm.s32 $0x2  }
0x7: {  	[tilespmem:s2], [sflag:$0x2] =	stream.linear.gather [hbm4b:s4+s2], $0x20, $0x38;
	[tilespmem:$0x1080] =	vst v63  }
0x8: {  	_ =	swait.ge [sflag:s3], $0x20  }
0x9: {  	s6 =	simm.s32 $0x20;
	s7 =	simm.s32 $0x80;
	[sflag:s3] =	ssyncset.done $0x0  }
0xa: {  	s8 =	simm.s32 $0x1;
	s5 =	sadd.s32 $0x91600, s16;
	[sflag:s3] =	ssyncadd.s32 $0xFFFFFFE0  }
0xb: {  	[tilespmem:s7], [sflag:$0x1] =	stream.indirect.gather [hbm4b:s5+s6], $0x80, s2, s6, $0xb8;
	[tilespmem:$0x1080] =	vst v63  }
0xc: {  	s9 =	sshll.u32 s9, $0x4;
	_ =	swait.ge [sflag:s8], $0x1000  }
0xd: {  	s18 =	sadd.s32 s9, s16;
	[sflag:s8] =	ssyncset.done $0x0  }
0xe: {  	s9 =	sadd.s32 $0xB9600, s18;
	[sflag:s8] =	ssyncadd.s32 $0xFFFFF000  }
0xf: {  	[hbm4b:s9+s2] =	stream.linear.scatter [tilespmem:s7], [sflag:$0x2], $0x1000, $0x38;
	[tilespmem:$0x1080] =	vst v63  }
0x10: {  	_ =	swait.ge [sflag:s3], $0x1000  }
0x11: {  	[sflag:s3] =	ssyncset.done $0x0  }
0x12: {  	s10 =	sadd.s32 $0x109600, s16;
	[sflag:s3] =	ssyncadd.s32 $0xFFFFF000  }
0x13: {  	[tilespmem:s7], [sflag:$0x1] =	stream.indirect.gather [hbm4b:s10+s6], $0x80, s2, s6, $0xb8;
	[tilespmem:$0x1080] =	vst v63  }
0x14: {  	_ =	swait.ge [sflag:s8], $0x1000  }
0x15: {  	[sflag:s8] =	ssyncset.done $0x0  }
0x16: {  	s11 =	sadd.s32 $0xBD600, s18;
	[sflag:s8] =	ssyncadd.s32 $0xFFFFF000  }
0x17: {  	[hbm4b:s11+s2] =	stream.linear.scatter [tilespmem:s7], [sflag:$0x2], $0x1000, $0x38;
	[tilespmem:$0x1080] =	vst v63  }
0x18: {  	_ =	swait.ge [sflag:s3], $0x1000  }
0x19: {  	[sflag:s3] =	ssyncset.done $0x0  }
0x1a: {  	s12 =	sadd.s32 $0x5F600, s16;
	[sflag:s3] =	ssyncadd.s32 $0xFFFFF000  }
0x1b: {  	[tilespmem:s7], [sflag:$0x1] =	stream.indirect.gather [hbm4b:s12+s6], $0x80, s2, s6, $0xb8;
	[tilespmem:$0x1080] =	vst v63  }
0x1c: {  	_ =	swait.ge [sflag:s8], $0x1000  }
0x1d: {  	[sflag:s8] =	ssyncset.done $0x0  }
0x1e: {  	s13 =	sadd.s32 $0xC1600, s18;
	[sflag:s8] =	ssyncadd.s32 $0xFFFFF000  }
0x1f: {  	[hbm4b:s13+s2] =	stream.linear.scatter [tilespmem:s7], [sflag:$0x2], $0x1000, $0x38;
	[tilespmem:$0x1080] =	vst v63  }
0x20: {  	_ =	swait.ge [sflag:s3], $0x1000  }
0x21: {  	[sflag:s3] =	ssyncset.done $0x0  }
0x22: {  	s14 =	sadd.s32 $0x37600, s16;
	[sflag:s3] =	ssyncadd.s32 $0xFFFFF000  }
0x23: {  	[tilespmem:s7], [sflag:$0x1] =	stream.indirect.gather [hbm4b:s14+s6], $0x80, s2, s6, $0xb8;
	[tilespmem:$0x1080] =	vst v63  }
0x24: {  	_ =	swait.ge [sflag:s8], $0x1000  }
0x25: {  	[sflag:s8] =	ssyncset.done $0x0  }
0x26: {  	s17 =	ssub.s32 $0x2, s17;
	s15 =	sadd.s32 $0xC5600, s18;
	[sflag:s8] =	ssyncadd.s32 $0xFFFFF000  }
0x27: {  	[hbm4b:s15+s2] =	stream.linear.scatter [tilespmem:s7], [sflag:$0x2], $0x1000, $0x38;
	[tilespmem:$0x1080] =	vst v63  }
0x28: {  	s19 =	sshrl.u32 s17, $0x1;
	_ =	swait.ge [sflag:s3], $0x1000  }
0x29: {  	s19 =	ssub.s32 s17, s19;
	[sflag:s3] =	ssyncset.done $0x0  }
0x2a: {  	s16 =	sadd.s32 $0xF600, s16;
	s31 =	smax.u32 s19, $0x1;
	[sflag:s3] =	ssyncadd.s32 $0xFFFFF000  }
0x2b: {  	[tilespmem:s7], [sflag:$0x1] =	stream.indirect.gather [hbm4b:s16+s6], $0x80, s2, s6, $0xb8;
	[tilespmem:$0x1080] =	vst v63  }
0x2c: {  	p0 =	sne.s32 s31, $0x1;
	_ =	swait.ge [sflag:s8], $0x1000  }
.Ltmp0:
0x2d: {  	[sflag:s8] =	ssyncset.done $0x0;
	(pc) =	sbr.rel @!p0 .LBB2_2-.Ltmp0, $4  }
0x2e: {  	s17 =	sadd.s32 $0xC9600, s18;
	[sflag:s8] =	ssyncadd.s32 $0xFFFFF000  }
0x2f: {  	[hbm4b:s17+s2] =	stream.linear.scatter [tilespmem:s7], [sflag:$0x2], $0x1000, $0x38;
	[tilespmem:$0x1080] =	vst v63  }
0x30: {  	_ =	swait.ge [sflag:s3], $0x1000  }
0x31: {  	s18 =	sadd.s32 $0xFFFFFFFF, s31;
	[sflag:s3] =	ssyncset.done $0x0  }
.LBB2_1:
0x32: {  	p0 =	sne.s32 s18, $0x1;
	s18 =	sadd.s32 $0xFFFFFFFF, s18;
	[sflag:s3] =	ssyncadd.s32 $0xFFFFF000  }
0x33: {  	[tilespmem:s2], [sflag:$0x2] =	stream.linear.gather [hbm4b:s4+s2], $0x20, $0x38;
	[tilespmem:$0x1080] =	vst v63  }
0x34: {  	_ =	swait.ge [sflag:s3], $0x20  }
0x35: {  	[sflag:s3] =	ssyncset.done $0x0  }
0x36: {  	[sflag:s3] =	ssyncadd.s32 $0xFFFFFFE0  }
0x37: {  	[tilespmem:s7], [sflag:$0x1] =	stream.indirect.gather [hbm4b:s5+s6], $0x80, s2, s6, $0xb8;
	[tilespmem:$0x1080] =	vst v63  }
0x38: {  	_ =	swait.ge [sflag:s8], $0x1000  }
0x39: {  	[sflag:s8] =	ssyncset.done $0x0  }
0x3a: {  	[sflag:s8] =	ssyncadd.s32 $0xFFFFF000  }
0x3b: {  	[hbm4b:s9+s2] =	stream.linear.scatter [tilespmem:s7], [sflag:$0x2], $0x1000, $0x38;
	[tilespmem:$0x1080] =	vst v63  }
0x3c: {  	_ =	swait.ge [sflag:s3], $0x1000  }
0x3d: {  	[sflag:s3] =	ssyncset.done $0x0  }
0x3e: {  	[sflag:s3] =	ssyncadd.s32 $0xFFFFF000  }
0x3f: {  	[tilespmem:s7], [sflag:$0x1] =	stream.indirect.gather [hbm4b:s10+s6], $0x80, s2, s6, $0xb8;
	[tilespmem:$0x1080] =	vst v63  }
0x40: {  	_ =	swait.ge [sflag:s8], $0x1000  }
0x41: {  	[sflag:s8] =	ssyncset.done $0x0  }
0x42: {  	[sflag:s8] =	ssyncadd.s32 $0xFFFFF000  }
0x43: {  	[hbm4b:s11+s2] =	stream.linear.scatter [tilespmem:s7], [sflag:$0x2], $0x1000, $0x38;
	[tilespmem:$0x1080] =	vst v63  }
0x44: {  	_ =	swait.ge [sflag:s3], $0x1000  }
0x45: {  	[sflag:s3] =	ssyncset.done $0x0  }
0x46: {  	[sflag:s3] =	ssyncadd.s32 $0xFFFFF000  }
0x47: {  	[tilespmem:s7], [sflag:$0x1] =	stream.indirect.gather [hbm4b:s12+s6], $0x80, s2, s6, $0xb8;
	[tilespmem:$0x1080] =	vst v63  }
0x48: {  	_ =	swait.ge [sflag:s8], $0x1000  }
0x49: {  	[sflag:s8] =	ssyncset.done $0x0  }
0x4a: {  	[sflag:s8] =	ssyncadd.s32 $0xFFFFF000  }
0x4b: {  	[hbm4b:s13+s2] =	stream.linear.scatter [tilespmem:s7], [sflag:$0x2], $0x1000, $0x38;
	[tilespmem:$0x1080] =	vst v63  }
0x4c: {  	_ =	swait.ge [sflag:s3], $0x1000  }
0x4d: {  	[sflag:s3] =	ssyncset.done $0x0  }
0x4e: {  	[sflag:s3] =	ssyncadd.s32 $0xFFFFF000  }
0x4f: {  	[tilespmem:s7], [sflag:$0x1] =	stream.indirect.gather [hbm4b:s14+s6], $0x80, s2, s6, $0xb8;
	[tilespmem:$0x1080] =	vst v63  }
0x50: {  	_ =	swait.ge [sflag:s8], $0x1000  }
0x51: {  	[sflag:s8] =	ssyncset.done $0x0  }
0x52: {  	[sflag:s8] =	ssyncadd.s32 $0xFFFFF000  }
0x53: {  	[hbm4b:s15+s2] =	stream.linear.scatter [tilespmem:s7], [sflag:$0x2], $0x1000, $0x38;
	[tilespmem:$0x1080] =	vst v63  }
0x54: {  	_ =	swait.ge [sflag:s3], $0x1000  }
0x55: {  	[sflag:s3] =	ssyncset.done $0x0  }
0x56: {  	[sflag:s3] =	ssyncadd.s32 $0xFFFFF000  }
0x57: {  	[tilespmem:s7], [sflag:$0x1] =	stream.indirect.gather [hbm4b:s16+s6], $0x80, s2, s6, $0xb8;
	[tilespmem:$0x1080] =	vst v63  }
0x58: {  	_ =	swait.ge [sflag:s8], $0x1000  }
.Ltmp1:
0x59: {  	[sflag:s8] =	ssyncset.done $0x0;
	(pc) =	sbr.rel @p0 .LBB2_1-.Ltmp1, $4  }
0x5a: {  	[sflag:s8] =	ssyncadd.s32 $0xFFFFF000  }
0x5b: {  	[hbm4b:s17+s2] =	stream.linear.scatter [tilespmem:s7], [sflag:$0x2], $0x1000, $0x38;
	[tilespmem:$0x1080] =	vst v63  }
0x5c: {  	_ =	swait.ge [sflag:s3], $0x1000  }
0x5d: {  	[sflag:s3] =	ssyncset.done $0x0  }
.LBB2_2:
0x5e: {  	[sflag:s3] =	ssyncadd.s32 $0xFFFFF000  }
0x5f: {  	_ =	sfence.sel $0x180000  }
0x60: {  	[bflag:$0x0] =	sbarrier.arrive $0xFFFF  }
0x61: {  	p0 =	sne.s32 s0, $0x0;
	_ =	strace $0x90000053  }
0x62: {  	s0 =	sadd.s32 @!p0 $0x100000, s1;
	[bflag:$0x2] =	sbarrier.arrive $0xFFFF  }
0x63: {  	[sflag:s0] =	ssyncadd.tile.s32 @!p0 $0x1;
	_ =	shalt  }
.Lfunc_end2:
_tile_overlayer_lowered:
.L_overlay_start_2:
0x64: {  	(tag) =	ssettag $0x2  }
0x65: {  	s0 =	rddreg [dreg:$0x0];
	s2 =	stileid.u32  }
0x66: {  	s1 =	rddreg [dreg:$0x1];
	p0 =	sne.s32 s2, $0x0  }
0x67: {  	s3 =	rddreg [dreg:$0x2];
	[bflag:$0x3] =	sbarrier.arrive $0xFFFF;
	s2 =	simm.s32 @!p0 $0x1C02  }
0x68: {  	[timem:s3], [sflag:s2] =	dma.local @!p0 [hbm:s0], s1  }
0x69: {  	s0 =	simm.s32 @!p0 $0x2  }
0x6a: {  	_ =	swait.ge @!p0 [sflag:s0], s1  }
0x6b: {  	s1 =	ssub.s32 @!p0 $0x0, s1;
	[sflag:s0] =	ssyncset.done @!p0 $0x0  }
0x6c: {  	[sflag:s0] =	ssyncadd.s32 @!p0 s1  }
0x6d: {  	[bflag:$0x3] =	sbarrier.arrive $0xFFFF  }
0x6e: {  	_ =	shalt  }

</sc_bundles>
